<compile_context>
chip_gen: v7x
topology: tpu7x:2x2x1
jax: 0.10.2.dev20260603
libtpu: 0.0.44.dev20260713+nightly
codegen_flags: <defaults>
</compile_context>

<pallas_src>
import functools

import jax
import jax.numpy as jnp
from jax import lax
from jax.experimental import pallas as pl
from jax.experimental.pallas import tpu as pltpu
from jax.experimental.pallas import tpu_sc as plsc

D = 128
NC = 2
NS = 16
NW = NC * NS
CH = 128
IG = 8
N_ACC = 10240
RPT = N_ACC // NS


def _sc_agg(sup, src3, dst3, zeros, K):
    mesh = plsc.VectorSubcoreMesh(core_axis_name="c", subcore_axis_name="s")
    NG = K // IG

    @functools.partial(
        pl.kernel,
        out_type=jax.ShapeDtypeStruct((NC * N_ACC, D), jnp.float32),
        mesh=mesh,
        scratch_types=[
            pltpu.VMEM((2, IG, CH), jnp.int32),
            pltpu.VMEM((2, IG, CH), jnp.int32),
            pltpu.VMEM((CH, D), jnp.float32),
            pltpu.VMEM((CH, D), jnp.float32),
            pltpu.VMEM_SHARED((N_ACC, D), jnp.float32),
            pltpu.SemaphoreType.DMA,
            pltpu.SemaphoreType.DMA,
            pltpu.SemaphoreType.DMA,
            pltpu.SemaphoreType.DMA,
        ],
    )
    def k(sup_hbm, src_hbm, dst_hbm, zero_hbm, out_hbm,
          sidx, didx, rows0, rows1, acc, sem0, sem1, isem0, isem1):
        cid = lax.axis_index("c")
        sid = lax.axis_index("s")
        wid = sid * NC + cid
        isems = (isem0, isem1)
        bufs = ((rows0, sem0), (rows1, sem1))

        def idx_start(g, p):
            pltpu.async_copy(src_hbm.at[wid, pl.ds(g * IG, IG)], sidx.at[p],
                             isems[p])
            pltpu.async_copy(dst_hbm.at[wid, pl.ds(g * IG, IG)], didx.at[p],
                             isems[p])

        def idx_wait(p):
            pltpu.make_async_copy(src_hbm.at[wid, pl.ds(0, IG)], sidx.at[p],
                                  isems[p]).wait()
            pltpu.make_async_copy(dst_hbm.at[wid, pl.ds(0, IG)], didx.at[p],
                                  isems[p]).wait()

        def gather_start(p, j_local, rbuf, sem):
            pltpu.async_copy(sup_hbm.at[sidx.at[p, j_local]], rbuf, sem)

        def gather_wait(p, j_local, rbuf, sem):
            pltpu.make_async_copy(sup_hbm.at[sidx.at[p, j_local]], rbuf,
                                  sem).wait()

        idx_start(0, 0)
        idx_wait(0)
        idx_start(1, 1)
        gather_start(0, 0, rows0, sem0)
        gather_start(0, 1, rows1, sem1)
        pltpu.sync_copy(zero_hbm.at[wid], acc.at[pl.ds(sid * RPT, RPT)])
        plsc.subcore_barrier()

        def group(g, p):
            for j_local in range(IG):
                rbuf, sem = bufs[j_local % 2]
                gather_wait(p, j_local, rbuf, sem)
                pltpu.sync_copy(rbuf, acc.at[didx.at[p, j_local]], add=True)
                if j_local == 1:
                    @pl.when(jnp.logical_and(g > 0, g + 1 < NG))
                    def _():
                        idx_start(g + 1, p ^ 1)
                if j_local == IG - 2:
                    @pl.when(g + 1 < NG)
                    def _():
                        idx_wait(p ^ 1)
                if j_local + 2 < IG:
                    gather_start(p, j_local + 2, rbuf, sem)
                else:
                    nxt = j_local + 2 - IG

                    @pl.when(g + 1 < NG)
                    def _():
                        gather_start(p ^ 1, nxt, rbuf, sem)

        def pair(t, carry):
            group(t * 2, 0)
            group(t * 2 + 1, 1)
            return carry

        lax.fori_loop(0, NG // 2, pair, 0)
        plsc.subcore_barrier()
        pltpu.sync_copy(
            acc.at[pl.ds(sid * RPT, RPT)],
            out_hbm.at[pl.ds(cid * N_ACC + sid * RPT, RPT)],
        )

    return k(sup, src3, dst3, zeros)


def _tc_layer(P, W, b2d, n_rows):
    BR = 2000
    grid = n_rows // BR
    P3 = P.reshape(NC, N_ACC, D)

    def body(p0_ref, p1_ref, w_ref, b_ref, o_ref):
        agg = p0_ref[0] + p1_ref[0]
        h = jnp.dot(agg, w_ref[...], preferred_element_type=jnp.float32)
        o_ref[...] = jnp.maximum(h + b_ref[...], 0.0)

    return pl.pallas_call(
        body,
        grid=(grid,),
        in_specs=[
            pl.BlockSpec((1, BR, D), lambda i: (0, i, 0)),
            pl.BlockSpec((1, BR, D), lambda i: (1, i, 0)),
            pl.BlockSpec((D, D), lambda i: (0, 0)),
            pl.BlockSpec((1, D), lambda i: (0, 0)),
        ],
        out_specs=pl.BlockSpec((BR, D), lambda i: (i, 0)),
        out_shape=jax.ShapeDtypeStruct((n_rows, D), jnp.float32),
    )(P3, P3, W, b2d)


def kernel(x, edges, W1, b1, W2, b2):
    if x.ndim == 3:
        x = jnp.squeeze(x)
    n = x.shape[0]
    e = edges.shape[1]
    per_blk = NW * CH * IG * 2
    k_chunks = (-(-e // per_blk)) * IG * 2
    e_pad = NW * k_chunks * CH
    pad_iota = jnp.arange(e_pad - e, dtype=jnp.int32)
    src = jnp.concatenate(
        [edges[0], pad_iota % n]).reshape(NW, k_chunks, CH)
    dst = jnp.concatenate(
        [edges[1], n + pad_iota % (N_ACC - n)]).reshape(NW, k_chunks, CH)
    zeros = jnp.zeros((NW, RPT, D), jnp.float32)
    b1_2d = b1.reshape(1, D)
    b2_2d = b2.reshape(1, D)

    P1 = _sc_agg(x, src, dst, zeros, k_chunks)
    x1 = _tc_layer(P1, W1, b1_2d, n)
    P2 = _sc_agg(x1, src, dst, zeros, k_chunks)
    return _tc_layer(P2, W2, b2_2d, n)

# --- scband reference (transcript-rebuilt; emitter-appended) ---
"""Pipeline reference for scband-graph-convolutional-encoder-70892730188260 (READ-ONLY COPY).

The authoritative reference and input builder live on the scoring server;
editing this copy changes nothing except your own understanding.
"""

import jax, jax.numpy as jnp
import numpy as np

N = 10000
E = 320000
D_IN = 128
D_HID = 128
D_OUT = 128


def setup_inputs(seed: int = 0) -> dict:
    key = jax.random.key(seed)
    k1, k2, k3, k4, k5, k6 = jax.random.split(key, 6)
    x = jax.random.normal(k1, (N, D_IN), dtype=jnp.float32)
    edges = jax.random.randint(k2, (2, E), 0, N, dtype=jnp.int32)
    W1 = jax.random.normal(k3, (D_IN, D_HID), dtype=jnp.float32) * 0.05
    b1 = jax.random.normal(k4, (D_HID,), dtype=jnp.float32) * 0.05
    W2 = jax.random.normal(k5, (D_HID, D_OUT), dtype=jnp.float32) * 0.05
    b2 = jax.random.normal(k6, (D_OUT,), dtype=jnp.float32) * 0.05
    return {"x": x, "edges": edges, "W1": W1, "b1": b1, "W2": W2, "b2": b2}


def _gcn_layer(x, edges, W, b):
    # GraphConvolution: support = x @ W; aggregate messages from src nodes
    # into dst nodes via scatter-add (sparse adjacency matmul); add bias.
    support = x @ W
    src = edges[0]
    dst = edges[1]
    msgs = jnp.take(support, src, axis=0)
    agg = jax.ops.segment_sum(msgs, dst, num_segments=x.shape[0])
    return agg + b


def reference(x, edges, W1, b1, W2, b2):
    if x.ndim == 3:
        x = jnp.squeeze(x)
    x1 = jax.nn.relu(_gcn_layer(x, edges, W1, b1))
    x2 = jax.nn.relu(_gcn_layer(x1, edges, W2, b2))
    return x2

if __name__ == "__main__":
    import jax
    _d = setup_inputs()
    print(jax.jit(kernel)(*tuple(_d.values())))

</pallas_src>

<mosaic_0001>
#map = affine_map<(d0, d1) -> (0, 0)>
#map1 = affine_map<(d0, d1) -> (0, 0, 0)>
module attributes {stable_mosaic.version = 14 : i64} {
  func.func @k(%arg0: i32, %arg1: i32, %arg2: memref<10000x128xf32, #tpu.memory_space<hbm>>, %arg3: memref<32x80x128xi32, #tpu.memory_space<hbm>>, %arg4: memref<32x80x128xi32, #tpu.memory_space<hbm>>, %arg5: memref<32x640x128xf32, #tpu.memory_space<hbm>>, %arg6: memref<20480x128xf32, #tpu.memory_space<hbm>>, %arg7: memref<2x8x128xi32, #tpu.memory_space<vmem>>, %arg8: memref<2x8x128xi32, #tpu.memory_space<vmem>>, %arg9: memref<128x128xf32, #tpu.memory_space<vmem>>, %arg10: memref<128x128xf32, #tpu.memory_space<vmem>>, %arg11: memref<10240x128xf32, #tpu.memory_space<vmem_shared>>, %arg12: memref<!tpu.dma_semaphore, #tpu.memory_space<semaphore_mem>>, %arg13: memref<!tpu.dma_semaphore, #tpu.memory_space<semaphore_mem>>, %arg14: memref<!tpu.dma_semaphore, #tpu.memory_space<semaphore_mem>>, %arg15: memref<!tpu.dma_semaphore, #tpu.memory_space<semaphore_mem>>) attributes {dimension_semantics = [#tpu.dimension_semantics<core_parallel>, #tpu.dimension_semantics<subcore_parallel>], iteration_bounds = array<i64: 2, 16>, scalar_prefetch = 0 : i64, scratch_operands = 9 : i64, tpu.core_type = #tpu.core_type<sc_vector_subcore>, window_params = [{transform_indices = #map}, {transform_indices = #map1}, {transform_indices = #map1}, {transform_indices = #map1}, {transform_indices = #map}]} {
    %mul3A = arith.constant 2 : i32
    %mul3A_0 = arith.muli %arg1, %mul3A : i32
    %add3A = arith.addi %mul3A_0, %arg0 : i32
    %dma_start3A = arith.constant 0 : i32
    %dma_start3A_1 = arith.constant 0 : i32
    %dma_start3A_2 = arith.constant 0 : i32
    %dma_start3A_3 = tpu.memref_slice %arg7[%dma_start3A, %dma_start3A_1, %dma_start3A_2] : memref<2x8x128xi32, #tpu.memory_space<vmem>> -> memref<1x8x128xi32, #tpu.memory_space<vmem>>
    %dma_start3A_4 = tpu.memref_squeeze %dma_start3A_3 : memref<1x8x128xi32, #tpu.memory_space<vmem>> -> memref<8x128xi32, #tpu.memory_space<vmem>>
    %dma_start3A_5 = arith.constant 0 : i32
    %dma_start3A_6 = arith.constant 0 : i32
    %dma_start3A_7 = tpu.memref_slice %arg3[%add3A, %dma_start3A_5, %dma_start3A_6] : memref<32x80x128xi32, #tpu.memory_space<hbm>> -> memref<1x8x128xi32, #tpu.memory_space<hbm>>
    %dma_start3A_8 = tpu.memref_squeeze %dma_start3A_7 : memref<1x8x128xi32, #tpu.memory_space<hbm>> -> memref<8x128xi32, #tpu.memory_space<hbm>>
    %dma_start3A_9 = arith.constant 0 : i32
    %dma_start3A_10 = arith.constant 0 : i32
    %dma_start3A_11 = tpu.memref_slice %arg7[%dma_start3A, %dma_start3A_9, %dma_start3A_10] : memref<2x8x128xi32, #tpu.memory_space<vmem>> -> memref<1x8x128xi32, #tpu.memory_space<vmem>>
    %dma_start3A_12 = tpu.memref_squeeze %dma_start3A_11 : memref<1x8x128xi32, #tpu.memory_space<vmem>> -> memref<8x128xi32, #tpu.memory_space<vmem>>
    %dma_start3A_13 = arith.constant 0 : i32
    %dma_start3A_14 = arith.constant 0 : i32
    %dma_start3A_15 = tpu.memref_slice %arg3[%add3A, %dma_start3A_13, %dma_start3A_14] : memref<32x80x128xi32, #tpu.memory_space<hbm>> -> memref<1x8x128xi32, #tpu.memory_space<hbm>>
    %dma_start3A_16 = tpu.memref_squeeze %dma_start3A_15 : memref<1x8x128xi32, #tpu.memory_space<hbm>> -> memref<8x128xi32, #tpu.memory_space<hbm>>
    tpu.enqueue_dma source(%dma_start3A_16 : memref<8x128xi32, #tpu.memory_space<hbm>>) target(%dma_start3A_12 : memref<8x128xi32, #tpu.memory_space<vmem>>) target_semaphore(%arg14 : memref<!tpu.dma_semaphore, #tpu.memory_space<semaphore_mem>>)
    %dma_start3A_17 = arith.constant 0 : i32
    %dma_start3A_18 = arith.constant 0 : i32
    %dma_start3A_19 = arith.constant 0 : i32
    %dma_start3A_20 = tpu.memref_slice %arg8[%dma_start3A_17, %dma_start3A_18, %dma_start3A_19] : memref<2x8x128xi32, #tpu.memory_space<vmem>> -> memref<1x8x128xi32, #tpu.memory_space<vmem>>
    %dma_start3A_21 = tpu.memref_squeeze %dma_start3A_20 : memref<1x8x128xi32, #tpu.memory_space<vmem>> -> memref<8x128xi32, #tpu.memory_space<vmem>>
    %dma_start3A_22 = arith.constant 0 : i32
    %dma_start3A_23 = arith.constant 0 : i32
    %dma_start3A_24 = tpu.memref_slice %arg4[%add3A, %dma_start3A_22, %dma_start3A_23] : memref<32x80x128xi32, #tpu.memory_space<hbm>> -> memref<1x8x128xi32, #tpu.memory_space<hbm>>
    %dma_start3A_25 = tpu.memref_squeeze %dma_start3A_24 : memref<1x8x128xi32, #tpu.memory_space<hbm>> -> memref<8x128xi32, #tpu.memory_space<hbm>>
    %dma_start3A_26 = arith.constant 0 : i32
    %dma_start3A_27 = arith.constant 0 : i32
    %dma_start3A_28 = tpu.memref_slice %arg8[%dma_start3A_17, %dma_start3A_26, %dma_start3A_27] : memref<2x8x128xi32, #tpu.memory_space<vmem>> -> memref<1x8x128xi32, #tpu.memory_space<vmem>>
    %dma_start3A_29 = tpu.memref_squeeze %dma_start3A_28 : memref<1x8x128xi32, #tpu.memory_space<vmem>> -> memref<8x128xi32, #tpu.memory_space<vmem>>
    %dma_start3A_30 = arith.constant 0 : i32
    %dma_start3A_31 = arith.constant 0 : i32
    %dma_start3A_32 = tpu.memref_slice %arg4[%add3A, %dma_start3A_30, %dma_start3A_31] : memref<32x80x128xi32, #tpu.memory_space<hbm>> -> memref<1x8x128xi32, #tpu.memory_space<hbm>>
    %dma_start3A_33 = tpu.memref_squeeze %dma_start3A_32 : memref<1x8x128xi32, #tpu.memory_space<hbm>> -> memref<8x128xi32, #tpu.memory_space<hbm>>
    tpu.enqueue_dma source(%dma_start3A_33 : memref<8x128xi32, #tpu.memory_space<hbm>>) target(%dma_start3A_29 : memref<8x128xi32, #tpu.memory_space<vmem>>) target_semaphore(%arg14 : memref<!tpu.dma_semaphore, #tpu.memory_space<semaphore_mem>>)
    %dma_wait3A = arith.constant 0 : i32
    %dma_wait3A_34 = arith.constant 0 : i32
    %dma_wait3A_35 = arith.constant 0 : i32
    %dma_wait3A_36 = tpu.memref_slice %arg7[%dma_wait3A, %dma_wait3A_34, %dma_wait3A_35] : memref<2x8x128xi32, #tpu.memory_space<vmem>> -> memref<1x8x128xi32, #tpu.memory_space<vmem>>
    %dma_wait3A_37 = tpu.memref_squeeze %dma_wait3A_36 : memref<1x8x128xi32, #tpu.memory_space<vmem>> -> memref<8x128xi32, #tpu.memory_space<vmem>>
    %dma_wait3A_38 = arith.constant 0 : i32
    %dma_wait3A_39 = arith.constant 0 : i32
    %dma_wait3A_40 = tpu.memref_slice %arg3[%add3A, %dma_wait3A_38, %dma_wait3A_39] : memref<32x80x128xi32, #tpu.memory_space<hbm>> -> memref<1x8x128xi32, #tpu.memory_space<hbm>>
    %dma_wait3A_41 = tpu.memref_squeeze %dma_wait3A_40 : memref<1x8x128xi32, #tpu.memory_space<hbm>> -> memref<8x128xi32, #tpu.memory_space<hbm>>
    %dma_wait3A_42 = arith.constant 0 : i32
    %dma_wait3A_43 = arith.constant 0 : i32
    %dma_wait3A_44 = tpu.memref_slice %arg7[%dma_wait3A, %dma_wait3A_42, %dma_wait3A_43] : memref<2x8x128xi32, #tpu.memory_space<vmem>> -> memref<1x8x128xi32, #tpu.memory_space<vmem>>
    %dma_wait3A_45 = tpu.memref_squeeze %dma_wait3A_44 : memref<1x8x128xi32, #tpu.memory_space<vmem>> -> memref<8x128xi32, #tpu.memory_space<vmem>>
    %dma_wait3A_46 = arith.constant 0 : i32
    %dma_wait3A_47 = arith.constant 0 : i32
    %dma_wait3A_48 = tpu.memref_slice %arg3[%add3A, %dma_wait3A_46, %dma_wait3A_47] : memref<32x80x128xi32, #tpu.memory_space<hbm>> -> memref<1x8x128xi32, #tpu.memory_space<hbm>>
    %dma_wait3A_49 = tpu.memref_squeeze %dma_wait3A_48 : memref<1x8x128xi32, #tpu.memory_space<hbm>> -> memref<8x128xi32, #tpu.memory_space<hbm>>
    tpu.wait_dma2 semaphore(%arg14 : memref<!tpu.dma_semaphore, #tpu.memory_space<semaphore_mem>>) src(%dma_wait3A_49 : memref<8x128xi32, #tpu.memory_space<hbm>>) dst(%dma_wait3A_45 : memref<8x128xi32, #tpu.memory_space<vmem>>)
    %dma_wait3A_50 = arith.constant 0 : i32
    %dma_wait3A_51 = arith.constant 0 : i32
    %dma_wait3A_52 = arith.constant 0 : i32
    %dma_wait3A_53 = tpu.memref_slice %arg8[%dma_wait3A_50, %dma_wait3A_51, %dma_wait3A_52] : memref<2x8x128xi32, #tpu.memory_space<vmem>> -> memref<1x8x128xi32, #tpu.memory_space<vmem>>
    %dma_wait3A_54 = tpu.memref_squeeze %dma_wait3A_53 : memref<1x8x128xi32, #tpu.memory_space<vmem>> -> memref<8x128xi32, #tpu.memory_space<vmem>>
    %dma_wait3A_55 = arith.constant 0 : i32
    %dma_wait3A_56 = arith.constant 0 : i32
    %dma_wait3A_57 = tpu.memref_slice %arg4[%add3A, %dma_wait3A_55, %dma_wait3A_56] : memref<32x80x128xi32, #tpu.memory_space<hbm>> -> memref<1x8x128xi32, #tpu.memory_space<hbm>>
    %dma_wait3A_58 = tpu.memref_squeeze %dma_wait3A_57 : memref<1x8x128xi32, #tpu.memory_space<hbm>> -> memref<8x128xi32, #tpu.memory_space<hbm>>
    %dma_wait3A_59 = arith.constant 0 : i32
    %dma_wait3A_60 = arith.constant 0 : i32
    %dma_wait3A_61 = tpu.memref_slice %arg8[%dma_wait3A_50, %dma_wait3A_59, %dma_wait3A_60] : memref<2x8x128xi32, #tpu.memory_space<vmem>> -> memref<1x8x128xi32, #tpu.memory_space<vmem>>
    %dma_wait3A_62 = tpu.memref_squeeze %dma_wait3A_61 : memref<1x8x128xi32, #tpu.memory_space<vmem>> -> memref<8x128xi32, #tpu.memory_space<vmem>>
    %dma_wait3A_63 = arith.constant 0 : i32
    %dma_wait3A_64 = arith.constant 0 : i32
    %dma_wait3A_65 = tpu.memref_slice %arg4[%add3A, %dma_wait3A_63, %dma_wait3A_64] : memref<32x80x128xi32, #tpu.memory_space<hbm>> -> memref<1x8x128xi32, #tpu.memory_space<hbm>>
    %dma_wait3A_66 = tpu.memref_squeeze %dma_wait3A_65 : memref<1x8x128xi32, #tpu.memory_space<hbm>> -> memref<8x128xi32, #tpu.memory_space<hbm>>
    tpu.wait_dma2 semaphore(%arg14 : memref<!tpu.dma_semaphore, #tpu.memory_space<semaphore_mem>>) src(%dma_wait3A_66 : memref<8x128xi32, #tpu.memory_space<hbm>>) dst(%dma_wait3A_62 : memref<8x128xi32, #tpu.memory_space<vmem>>)
    %dma_start3A_67 = arith.constant 1 : i32
    %dma_start3A_68 = arith.constant 0 : i32
    %dma_start3A_69 = arith.constant 0 : i32
    %dma_start3A_70 = tpu.memref_slice %arg7[%dma_start3A_67, %dma_start3A_68, %dma_start3A_69] : memref<2x8x128xi32, #tpu.memory_space<vmem>> -> memref<1x8x128xi32, #tpu.memory_space<vmem>>
    %dma_start3A_71 = tpu.memref_squeeze %dma_start3A_70 : memref<1x8x128xi32, #tpu.memory_space<vmem>> -> memref<8x128xi32, #tpu.memory_space<vmem>>
    %dma_start3A_72 = arith.constant 8 : i32
    %dma_start3A_73 = arith.constant 0 : i32
    %dma_start3A_74 = tpu.memref_slice %arg3[%add3A, %dma_start3A_72, %dma_start3A_73] : memref<32x80x128xi32, #tpu.memory_space<hbm>> -> memref<1x8x128xi32, #tpu.memory_space<hbm>>
    %dma_start3A_75 = tpu.memref_squeeze %dma_start3A_74 : memref<1x8x128xi32, #tpu.memory_space<hbm>> -> memref<8x128xi32, #tpu.memory_space<hbm>>
    %dma_start3A_76 = arith.constant 0 : i32
    %dma_start3A_77 = arith.constant 0 : i32
    %dma_start3A_78 = tpu.memref_slice %arg7[%dma_start3A_67, %dma_start3A_76, %dma_start3A_77] : memref<2x8x128xi32, #tpu.memory_space<vmem>> -> memref<1x8x128xi32, #tpu.memory_space<vmem>>
    %dma_start3A_79 = tpu.memref_squeeze %dma_start3A_78 : memref<1x8x128xi32, #tpu.memory_space<vmem>> -> memref<8x128xi32, #tpu.memory_space<vmem>>
    %dma_start3A_80 = arith.constant 8 : i32
    %dma_start3A_81 = arith.constant 0 : i32
    %dma_start3A_82 = tpu.memref_slice %arg3[%add3A, %dma_start3A_80, %dma_start3A_81] : memref<32x80x128xi32, #tpu.memory_space<hbm>> -> memref<1x8x128xi32, #tpu.memory_space<hbm>>
    %dma_start3A_83 = tpu.memref_squeeze %dma_start3A_82 : memref<1x8x128xi32, #tpu.memory_space<hbm>> -> memref<8x128xi32, #tpu.memory_space<hbm>>
    tpu.enqueue_dma source(%dma_start3A_83 : memref<8x128xi32, #tpu.memory_space<hbm>>) target(%dma_start3A_79 : memref<8x128xi32, #tpu.memory_space<vmem>>) target_semaphore(%arg15 : memref<!tpu.dma_semaphore, #tpu.memory_space<semaphore_mem>>)
    %dma_start3A_84 = arith.constant 1 : i32
    %dma_start3A_85 = arith.constant 0 : i32
    %dma_start3A_86 = arith.constant 0 : i32
    %dma_start3A_87 = tpu.memref_slice %arg8[%dma_start3A_84, %dma_start3A_85, %dma_start3A_86] : memref<2x8x128xi32, #tpu.memory_space<vmem>> -> memref<1x8x128xi32, #tpu.memory_space<vmem>>
    %dma_start3A_88 = tpu.memref_squeeze %dma_start3A_87 : memref<1x8x128xi32, #tpu.memory_space<vmem>> -> memref<8x128xi32, #tpu.memory_space<vmem>>
    %dma_start3A_89 = arith.constant 8 : i32
    %dma_start3A_90 = arith.constant 0 : i32
    %dma_start3A_91 = tpu.memref_slice %arg4[%add3A, %dma_start3A_89, %dma_start3A_90] : memref<32x80x128xi32, #tpu.memory_space<hbm>> -> memref<1x8x128xi32, #tpu.memory_space<hbm>>
    %dma_start3A_92 = tpu.memref_squeeze %dma_start3A_91 : memref<1x8x128xi32, #tpu.memory_space<hbm>> -> memref<8x128xi32, #tpu.memory_space<hbm>>
    %dma_start3A_93 = arith.constant 0 : i32
    %dma_start3A_94 = arith.constant 0 : i32
    %dma_start3A_95 = tpu.memref_slice %arg8[%dma_start3A_84, %dma_start3A_93, %dma_start3A_94] : memref<2x8x128xi32, #tpu.memory_space<vmem>> -> memref<1x8x128xi32, #tpu.memory_space<vmem>>
    %dma_start3A_96 = tpu.memref_squeeze %dma_start3A_95 : memref<1x8x128xi32, #tpu.memory_space<vmem>> -> memref<8x128xi32, #tpu.memory_space<vmem>>
    %dma_start3A_97 = arith.constant 8 : i32
    %dma_start3A_98 = arith.constant 0 : i32
    %dma_start3A_99 = tpu.memref_slice %arg4[%add3A, %dma_start3A_97, %dma_start3A_98] : memref<32x80x128xi32, #tpu.memory_space<hbm>> -> memref<1x8x128xi32, #tpu.memory_space<hbm>>
    %dma_start3A_100 = tpu.memref_squeeze %dma_start3A_99 : memref<1x8x128xi32, #tpu.memory_space<hbm>> -> memref<8x128xi32, #tpu.memory_space<hbm>>
    tpu.enqueue_dma source(%dma_start3A_100 : memref<8x128xi32, #tpu.memory_space<hbm>>) target(%dma_start3A_96 : memref<8x128xi32, #tpu.memory_space<vmem>>) target_semaphore(%arg15 : memref<!tpu.dma_semaphore, #tpu.memory_space<semaphore_mem>>)
    %dma_start3A_101 = arith.constant 0 : i32
    %dma_start3A_102 = arith.constant 0 : i32
    %dma_start3A_103 = arith.constant 0 : i32
    %dma_start3A_104 = tpu.memref_slice %arg7[%dma_start3A_101, %dma_start3A_102, %dma_start3A_103] : memref<2x8x128xi32, #tpu.memory_space<vmem>> -> memref<1x1x128xi32, #tpu.memory_space<vmem>>
    %dma_start3A_105 = tpu.memref_squeeze %dma_start3A_104 : memref<1x1x128xi32, #tpu.memory_space<vmem>> -> memref<128xi32, #tpu.memory_space<vmem>>
    %dma_start3A_106 = arith.constant 0 : i32
    %dma_start3A_107 = arith.constant 0 : i32
    %dma_start3A_108 = tpu.memref_slice %arg2[%dma_start3A_106, %dma_start3A_107] : memref<10000x128xf32, #tpu.memory_space<hbm>> -> memref<10000x128xf32, #tpu.memory_space<hbm>>
    tpu.enqueue_indirect_dma source(%dma_start3A_108 : memref<10000x128xf32, #tpu.memory_space<hbm>>) target(%arg9 : memref<128x128xf32, #tpu.memory_space<vmem>>) offsets(%dma_start3A_105 : memref<128xi32, #tpu.memory_space<vmem>>) semaphore(%arg12 : memref<!tpu.dma_semaphore, #tpu.memory_space<semaphore_mem>>)
    %dma_start3A_109 = arith.constant 0 : i32
    %dma_start3A_110 = arith.constant 1 : i32
    %dma_start3A_111 = arith.constant 0 : i32
    %dma_start3A_112 = tpu.memref_slice %arg7[%dma_start3A_109, %dma_start3A_110, %dma_start3A_111] : memref<2x8x128xi32, #tpu.memory_space<vmem>> -> memref<1x1x128xi32, #tpu.memory_space<vmem>>
    %dma_start3A_113 = tpu.memref_squeeze %dma_start3A_112 : memref<1x1x128xi32, #tpu.memory_space<vmem>> -> memref<128xi32, #tpu.memory_space<vmem>>
    %dma_start3A_114 = arith.constant 0 : i32
    %dma_start3A_115 = arith.constant 0 : i32
    %dma_start3A_116 = tpu.memref_slice %arg2[%dma_start3A_114, %dma_start3A_115] : memref<10000x128xf32, #tpu.memory_space<hbm>> -> memref<10000x128xf32, #tpu.memory_space<hbm>>
    tpu.enqueue_indirect_dma source(%dma_start3A_116 : memref<10000x128xf32, #tpu.memory_space<hbm>>) target(%arg10 : memref<128x128xf32, #tpu.memory_space<vmem>>) offsets(%dma_start3A_113 : memref<128xi32, #tpu.memory_space<vmem>>) semaphore(%arg13 : memref<!tpu.dma_semaphore, #tpu.memory_space<semaphore_mem>>)
    %mul3A_117 = arith.constant 640 : i32
    %mul3A_118 = arith.muli %arg1, %mul3A_117 : i32
    "tpu.region"() ({
      %run_scoped3A = tpu.sem_alloc : memref<!tpu.dma_semaphore, #tpu.memory_space<semaphore_mem>>
      %dma_start3A_132 = arith.constant 0 : i32
      %dma_start3A_133 = tpu.memref_slice %arg11[%mul3A_118, %dma_start3A_132] : memref<10240x128xf32, #tpu.memory_space<vmem_shared>> -> memref<640x128xf32, #tpu.memory_space<vmem_shared>>
      %dma_start3A_134 = arith.constant 0 : i32
      %dma_start3A_135 = arith.constant 0 : i32
      %dma_start3A_136 = tpu.memref_slice %arg5[%add3A, %dma_start3A_134, %dma_start3A_135] : memref<32x640x128xf32, #tpu.memory_space<hbm>> -> memref<1x640x128xf32, #tpu.memory_space<hbm>>
      %dma_start3A_137 = tpu.memref_squeeze %dma_start3A_136 : memref<1x640x128xf32, #tpu.memory_space<hbm>> -> memref<640x128xf32, #tpu.memory_space<hbm>>
      tpu.enqueue_dma source(%dma_start3A_137 : memref<640x128xf32, #tpu.memory_space<hbm>>) target(%dma_start3A_133 : memref<640x128xf32, #tpu.memory_space<vmem_shared>>) target_semaphore(%run_scoped3A : memref<!tpu.dma_semaphore, #tpu.memory_space<semaphore_mem>>)
      %dma_wait3A_138 = arith.constant 0 : i32
      %dma_wait3A_139 = tpu.memref_slice %arg11[%mul3A_118, %dma_wait3A_138] : memref<10240x128xf32, #tpu.memory_space<vmem_shared>> -> memref<640x128xf32, #tpu.memory_space<vmem_shared>>
      %dma_wait3A_140 = arith.constant 0 : i32
      %dma_wait3A_141 = arith.constant 0 : i32
      %dma_wait3A_142 = tpu.memref_slice %arg5[%add3A, %dma_wait3A_140, %dma_wait3A_141] : memref<32x640x128xf32, #tpu.memory_space<hbm>> -> memref<1x640x128xf32, #tpu.memory_space<hbm>>
      %dma_wait3A_143 = tpu.memref_squeeze %dma_wait3A_142 : memref<1x640x128xf32, #tpu.memory_space<hbm>> -> memref<640x128xf32, #tpu.memory_space<hbm>>
      tpu.wait_dma2 semaphore(%run_scoped3A : memref<!tpu.dma_semaphore, #tpu.memory_space<semaphore_mem>>) src(%dma_wait3A_143 : memref<640x128xf32, #tpu.memory_space<hbm>>) dst(%dma_wait3A_139 : memref<640x128xf32, #tpu.memory_space<vmem_shared>>)
      tpu.yield
    }) : () -> ()
    %barrier3A = arith.constant 0 : index
    tpu.barrier barrier_id(%barrier3A)
    %scan3A = arith.constant 0 : i32
    %scan3A_119 = arith.constant 0 : i32
    %scan3A_120 = arith.constant 5 : i32
    %scan3A_121 = arith.addi %scan3A_119, %scan3A_120 : i32
    %scan3A_122 = arith.constant 1 : i32
    scf.for %scan3A_132 = %scan3A_119 to %scan3A_121 step %scan3A_122  : i32 {
      %mul3A_133 = arith.constant 2 : i32
      %mul3A_134 = arith.muli %scan3A_132, %mul3A_133 : i32
      %dma_wait3A_135 = arith.constant 0 : i32
      %dma_wait3A_136 = arith.constant 0 : i32
      %dma_wait3A_137 = arith.constant 0 : i32
      %dma_wait3A_138 = tpu.memref_slice %arg7[%dma_wait3A_135, %dma_wait3A_136, %dma_wait3A_137] : memref<2x8x128xi32, #tpu.memory_space<vmem>> -> memref<1x1x128xi32, #tpu.memory_space<vmem>>
      %dma_wait3A_139 = tpu.memref_squeeze %dma_wait3A_138 : memref<1x1x128xi32, #tpu.memory_space<vmem>> -> memref<128xi32, #tpu.memory_space<vmem>>
      %dma_wait3A_140 = arith.constant 0 : i32
      %dma_wait3A_141 = arith.constant 0 : i32
      %dma_wait3A_142 = tpu.memref_slice %arg2[%dma_wait3A_140, %dma_wait3A_141] : memref<10000x128xf32, #tpu.memory_space<hbm>> -> memref<10000x128xf32, #tpu.memory_space<hbm>>
      tpu.wait_indirect_dma semaphore(%arg12 : memref<!tpu.dma_semaphore, #tpu.memory_space<semaphore_mem>>) src(%dma_wait3A_142 : memref<10000x128xf32, #tpu.memory_space<hbm>>) dst(%arg9 : memref<128x128xf32, #tpu.memory_space<vmem>>)
      %run_scoped3A = arith.constant 0 : i32
      %run_scoped3A_143 = arith.constant 0 : i32
      "tpu.region"() ({
        %run_scoped3A_451 = tpu.sem_alloc : memref<!tpu.dma_semaphore, #tpu.memory_space<semaphore_mem>>
        %dma_start3A_452 = arith.constant 0 : i32
        %dma_start3A_453 = tpu.memref_slice %arg8[%run_scoped3A, %run_scoped3A_143, %dma_start3A_452] : memref<2x8x128xi32, #tpu.memory_space<vmem>> -> memref<1x1x128xi32, #tpu.memory_space<vmem>>
        %dma_start3A_454 = tpu.memref_squeeze %dma_start3A_453 : memref<1x1x128xi32, #tpu.memory_space<vmem>> -> memref<128xi32, #tpu.memory_space<vmem>>
        %dma_start3A_455 = arith.constant 0 : i32
        %dma_start3A_456 = arith.constant 0 : i32
        %dma_start3A_457 = tpu.memref_slice %arg11[%dma_start3A_455, %dma_start3A_456] : memref<10240x128xf32, #tpu.memory_space<vmem_shared>> -> memref<10240x128xf32, #tpu.memory_space<vmem_shared>>
        tpu.enqueue_indirect_dma source(%arg9 : memref<128x128xf32, #tpu.memory_space<vmem>>) target(%dma_start3A_457 : memref<10240x128xf32, #tpu.memory_space<vmem_shared>>) offsets(%dma_start3A_454 : memref<128xi32, #tpu.memory_space<vmem>>) semaphore(%run_scoped3A_451 : memref<!tpu.dma_semaphore, #tpu.memory_space<semaphore_mem>>) {add = true}
        %dma_wait3A_458 = arith.constant 0 : i32
        %dma_wait3A_459 = tpu.memref_slice %arg8[%run_scoped3A, %run_scoped3A_143, %dma_wait3A_458] : memref<2x8x128xi32, #tpu.memory_space<vmem>> -> memref<1x1x128xi32, #tpu.memory_space<vmem>>
        %dma_wait3A_460 = tpu.memref_squeeze %dma_wait3A_459 : memref<1x1x128xi32, #tpu.memory_space<vmem>> -> memref<128xi32, #tpu.memory_space<vmem>>
        %dma_wait3A_461 = arith.constant 0 : i32
        %dma_wait3A_462 = arith.constant 0 : i32
        %dma_wait3A_463 = tpu.memref_slice %arg11[%dma_wait3A_461, %dma_wait3A_462] : memref<10240x128xf32, #tpu.memory_space<vmem_shared>> -> memref<10240x128xf32, #tpu.memory_space<vmem_shared>>
        tpu.wait_indirect_dma semaphore(%run_scoped3A_451 : memref<!tpu.dma_semaphore, #tpu.memory_space<semaphore_mem>>) src(%arg9 : memref<128x128xf32, #tpu.memory_space<vmem>>) dst(%dma_wait3A_463 : memref<10240x128xf32, #tpu.memory_space<vmem_shared>>)
        tpu.yield
      }) : () -> ()
      %dma_start3A_144 = arith.constant 0 : i32
      %dma_start3A_145 = arith.constant 2 : i32
      %dma_start3A_146 = arith.constant 0 : i32
      %dma_start3A_147 = tpu.memref_slice %arg7[%dma_start3A_144, %dma_start3A_145, %dma_start3A_146] : memref<2x8x128xi32, #tpu.memory_space<vmem>> -> memref<1x1x128xi32, #tpu.memory_space<vmem>>
      %dma_start3A_148 = tpu.memref_squeeze %dma_start3A_147 : memref<1x1x128xi32, #tpu.memory_space<vmem>> -> memref<128xi32, #tpu.memory_space<vmem>>
      %dma_start3A_149 = arith.constant 0 : i32
      %dma_start3A_150 = arith.constant 0 : i32
      %dma_start3A_151 = tpu.memref_slice %arg2[%dma_start3A_149, %dma_start3A_150] : memref<10000x128xf32, #tpu.memory_space<hbm>> -> memref<10000x128xf32, #tpu.memory_space<hbm>>
      tpu.enqueue_indirect_dma source(%dma_start3A_151 : memref<10000x128xf32, #tpu.memory_space<hbm>>) target(%arg9 : memref<128x128xf32, #tpu.memory_space<vmem>>) offsets(%dma_start3A_148 : memref<128xi32, #tpu.memory_space<vmem>>) semaphore(%arg12 : memref<!tpu.dma_semaphore, #tpu.memory_space<semaphore_mem>>)
      %dma_wait3A_152 = arith.constant 0 : i32
      %dma_wait3A_153 = arith.constant 1 : i32
      %dma_wait3A_154 = arith.constant 0 : i32
      %dma_wait3A_155 = tpu.memref_slice %arg7[%dma_wait3A_152, %dma_wait3A_153, %dma_wait3A_154] : memref<2x8x128xi32, #tpu.memory_space<vmem>> -> memref<1x1x128xi32, #tpu.memory_space<vmem>>
      %dma_wait3A_156 = tpu.memref_squeeze %dma_wait3A_155 : memref<1x1x128xi32, #tpu.memory_space<vmem>> -> memref<128xi32, #tpu.memory_space<vmem>>
      %dma_wait3A_157 = arith.constant 0 : i32
      %dma_wait3A_158 = arith.constant 0 : i32
      %dma_wait3A_159 = tpu.memref_slice %arg2[%dma_wait3A_157, %dma_wait3A_158] : memref<10000x128xf32, #tpu.memory_space<hbm>> -> memref<10000x128xf32, #tpu.memory_space<hbm>>
      tpu.wait_indirect_dma semaphore(%arg13 : memref<!tpu.dma_semaphore, #tpu.memory_space<semaphore_mem>>) src(%dma_wait3A_159 : memref<10000x128xf32, #tpu.memory_space<hbm>>) dst(%arg10 : memref<128x128xf32, #tpu.memory_space<vmem>>)
      %run_scoped3A_160 = arith.constant 0 : i32
      %run_scoped3A_161 = arith.constant 1 : i32
      "tpu.region"() ({
        %run_scoped3A_451 = tpu.sem_alloc : memref<!tpu.dma_semaphore, #tpu.memory_space<semaphore_mem>>
        %dma_start3A_452 = arith.constant 0 : i32
        %dma_start3A_453 = tpu.memref_slice %arg8[%run_scoped3A_160, %run_scoped3A_161, %dma_start3A_452] : memref<2x8x128xi32, #tpu.memory_space<vmem>> -> memref<1x1x128xi32, #tpu.memory_space<vmem>>
        %dma_start3A_454 = tpu.memref_squeeze %dma_start3A_453 : memref<1x1x128xi32, #tpu.memory_space<vmem>> -> memref<128xi32, #tpu.memory_space<vmem>>
        %dma_start3A_455 = arith.constant 0 : i32
        %dma_start3A_456 = arith.constant 0 : i32
        %dma_start3A_457 = tpu.memref_slice %arg11[%dma_start3A_455, %dma_start3A_456] : memref<10240x128xf32, #tpu.memory_space<vmem_shared>> -> memref<10240x128xf32, #tpu.memory_space<vmem_shared>>
        tpu.enqueue_indirect_dma source(%arg10 : memref<128x128xf32, #tpu.memory_space<vmem>>) target(%dma_start3A_457 : memref<10240x128xf32, #tpu.memory_space<vmem_shared>>) offsets(%dma_start3A_454 : memref<128xi32, #tpu.memory_space<vmem>>) semaphore(%run_scoped3A_451 : memref<!tpu.dma_semaphore, #tpu.memory_space<semaphore_mem>>) {add = true}
        %dma_wait3A_458 = arith.constant 0 : i32
        %dma_wait3A_459 = tpu.memref_slice %arg8[%run_scoped3A_160, %run_scoped3A_161, %dma_wait3A_458] : memref<2x8x128xi32, #tpu.memory_space<vmem>> -> memref<1x1x128xi32, #tpu.memory_space<vmem>>
        %dma_wait3A_460 = tpu.memref_squeeze %dma_wait3A_459 : memref<1x1x128xi32, #tpu.memory_space<vmem>> -> memref<128xi32, #tpu.memory_space<vmem>>
        %dma_wait3A_461 = arith.constant 0 : i32
        %dma_wait3A_462 = arith.constant 0 : i32
        %dma_wait3A_463 = tpu.memref_slice %arg11[%dma_wait3A_461, %dma_wait3A_462] : memref<10240x128xf32, #tpu.memory_space<vmem_shared>> -> memref<10240x128xf32, #tpu.memory_space<vmem_shared>>
        tpu.wait_indirect_dma semaphore(%run_scoped3A_451 : memref<!tpu.dma_semaphore, #tpu.memory_space<semaphore_mem>>) src(%arg10 : memref<128x128xf32, #tpu.memory_space<vmem>>) dst(%dma_wait3A_463 : memref<10240x128xf32, #tpu.memory_space<vmem_shared>>)
        tpu.yield
      }) : () -> ()
      %gt3A = arith.constant 0 : i32
      %gt3A_162 = arith.cmpi sgt, %mul3A_134, %gt3A : i32
      %add3A_163 = arith.constant 1 : i32
      %add3A_164 = arith.addi %mul3A_134, %add3A_163 : i32
      %lt3A = arith.constant 10 : i32
      %lt3A_165 = arith.cmpi slt, %add3A_164, %lt3A : i32
      %and3A = arith.andi %gt3A_162, %lt3A_165 : i1
      %convert_element_type3A = arith.extui %and3A : i1 to i32
      %cond3A = arith.constant 0 : i32
      %cond3A_166 = arith.cmpi ne, %convert_element_type3A, %cond3A : i32
      scf.if %cond3A_166 {
        %add3A_451 = arith.constant 1 : i32
        %add3A_452 = arith.addi %mul3A_134, %add3A_451 : i32
        %mul3A_453 = arith.constant 8 : i32
        %mul3A_454 = arith.muli %add3A_452, %mul3A_453 : i32
        %dma_start3A_455 = arith.constant 1 : i32
        %dma_start3A_456 = arith.constant 0 : i32
        %dma_start3A_457 = arith.constant 0 : i32
        %dma_start3A_458 = tpu.memref_slice %arg7[%dma_start3A_455, %dma_start3A_456, %dma_start3A_457] : memref<2x8x128xi32, #tpu.memory_space<vmem>> -> memref<1x8x128xi32, #tpu.memory_space<vmem>>
        %dma_start3A_459 = tpu.memref_squeeze %dma_start3A_458 : memref<1x8x128xi32, #tpu.memory_space<vmem>> -> memref<8x128xi32, #tpu.memory_space<vmem>>
        %dma_start3A_460 = arith.constant 0 : i32
        %dma_start3A_461 = tpu.memref_slice %arg3[%add3A, %mul3A_454, %dma_start3A_460] : memref<32x80x128xi32, #tpu.memory_space<hbm>> -> memref<1x8x128xi32, #tpu.memory_space<hbm>>
        %dma_start3A_462 = tpu.memref_squeeze %dma_start3A_461 : memref<1x8x128xi32, #tpu.memory_space<hbm>> -> memref<8x128xi32, #tpu.memory_space<hbm>>
        %dma_start3A_463 = arith.constant 0 : i32
        %dma_start3A_464 = arith.constant 0 : i32
        %dma_start3A_465 = tpu.memref_slice %arg7[%dma_start3A_455, %dma_start3A_463, %dma_start3A_464] : memref<2x8x128xi32, #tpu.memory_space<vmem>> -> memref<1x8x128xi32, #tpu.memory_space<vmem>>
        %dma_start3A_466 = tpu.memref_squeeze %dma_start3A_465 : memref<1x8x128xi32, #tpu.memory_space<vmem>> -> memref<8x128xi32, #tpu.memory_space<vmem>>
        %dma_start3A_467 = arith.constant 0 : i32
        %dma_start3A_468 = tpu.memref_slice %arg3[%add3A, %mul3A_454, %dma_start3A_467] : memref<32x80x128xi32, #tpu.memory_space<hbm>> -> memref<1x8x128xi32, #tpu.memory_space<hbm>>
        %dma_start3A_469 = tpu.memref_squeeze %dma_start3A_468 : memref<1x8x128xi32, #tpu.memory_space<hbm>> -> memref<8x128xi32, #tpu.memory_space<hbm>>
        tpu.enqueue_dma source(%dma_start3A_469 : memref<8x128xi32, #tpu.memory_space<hbm>>) target(%dma_start3A_466 : memref<8x128xi32, #tpu.memory_space<vmem>>) target_semaphore(%arg15 : memref<!tpu.dma_semaphore, #tpu.memory_space<semaphore_mem>>)
        %mul3A_470 = arith.constant 8 : i32
        %mul3A_471 = arith.muli %add3A_452, %mul3A_470 : i32
        %dma_start3A_472 = arith.constant 1 : i32
        %dma_start3A_473 = arith.constant 0 : i32
        %dma_start3A_474 = arith.constant 0 : i32
        %dma_start3A_475 = tpu.memref_slice %arg8[%dma_start3A_472, %dma_start3A_473, %dma_start3A_474] : memref<2x8x128xi32, #tpu.memory_space<vmem>> -> memref<1x8x128xi32, #tpu.memory_space<vmem>>
        %dma_start3A_476 = tpu.memref_squeeze %dma_start3A_475 : memref<1x8x128xi32, #tpu.memory_space<vmem>> -> memref<8x128xi32, #tpu.memory_space<vmem>>
        %dma_start3A_477 = arith.constant 0 : i32
        %dma_start3A_478 = tpu.memref_slice %arg4[%add3A, %mul3A_471, %dma_start3A_477] : memref<32x80x128xi32, #tpu.memory_space<hbm>> -> memref<1x8x128xi32, #tpu.memory_space<hbm>>
        %dma_start3A_479 = tpu.memref_squeeze %dma_start3A_478 : memref<1x8x128xi32, #tpu.memory_space<hbm>> -> memref<8x128xi32, #tpu.memory_space<hbm>>
        %dma_start3A_480 = arith.constant 0 : i32
        %dma_start3A_481 = arith.constant 0 : i32
        %dma_start3A_482 = tpu.memref_slice %arg8[%dma_start3A_472, %dma_start3A_480, %dma_start3A_481] : memref<2x8x128xi32, #tpu.memory_space<vmem>> -> memref<1x8x128xi32, #tpu.memory_space<vmem>>
        %dma_start3A_483 = tpu.memref_squeeze %dma_start3A_482 : memref<1x8x128xi32, #tpu.memory_space<vmem>> -> memref<8x128xi32, #tpu.memory_space<vmem>>
        %dma_start3A_484 = arith.constant 0 : i32
        %dma_start3A_485 = tpu.memref_slice %arg4[%add3A, %mul3A_471, %dma_start3A_484] : memref<32x80x128xi32, #tpu.memory_space<hbm>> -> memref<1x8x128xi32, #tpu.memory_space<hbm>>
        %dma_start3A_486 = tpu.memref_squeeze %dma_start3A_485 : memref<1x8x128xi32, #tpu.memory_space<hbm>> -> memref<8x128xi32, #tpu.memory_space<hbm>>
        tpu.enqueue_dma source(%dma_start3A_486 : memref<8x128xi32, #tpu.memory_space<hbm>>) target(%dma_start3A_483 : memref<8x128xi32, #tpu.memory_space<vmem>>) target_semaphore(%arg15 : memref<!tpu.dma_semaphore, #tpu.memory_space<semaphore_mem>>)
      } else {
      }
      %dma_start3A_167 = arith.constant 0 : i32
      %dma_start3A_168 = arith.constant 3 : i32
      %dma_start3A_169 = arith.constant 0 : i32
      %dma_start3A_170 = tpu.memref_slice %arg7[%dma_start3A_167, %dma_start3A_168, %dma_start3A_169] : memref<2x8x128xi32, #tpu.memory_space<vmem>> -> memref<1x1x128xi32, #tpu.memory_space<vmem>>
      %dma_start3A_171 = tpu.memref_squeeze %dma_start3A_170 : memref<1x1x128xi32, #tpu.memory_space<vmem>> -> memref<128xi32, #tpu.memory_space<vmem>>
      %dma_start3A_172 = arith.constant 0 : i32
      %dma_start3A_173 = arith.constant 0 : i32
      %dma_start3A_174 = tpu.memref_slice %arg2[%dma_start3A_172, %dma_start3A_173] : memref<10000x128xf32, #tpu.memory_space<hbm>> -> memref<10000x128xf32, #tpu.memory_space<hbm>>
      tpu.enqueue_indirect_dma source(%dma_start3A_174 : memref<10000x128xf32, #tpu.memory_space<hbm>>) target(%arg10 : memref<128x128xf32, #tpu.memory_space<vmem>>) offsets(%dma_start3A_171 : memref<128xi32, #tpu.memory_space<vmem>>) semaphore(%arg13 : memref<!tpu.dma_semaphore, #tpu.memory_space<semaphore_mem>>)
      %dma_wait3A_175 = arith.constant 0 : i32
      %dma_wait3A_176 = arith.constant 2 : i32
      %dma_wait3A_177 = arith.constant 0 : i32
      %dma_wait3A_178 = tpu.memref_slice %arg7[%dma_wait3A_175, %dma_wait3A_176, %dma_wait3A_177] : memref<2x8x128xi32, #tpu.memory_space<vmem>> -> memref<1x1x128xi32, #tpu.memory_space<vmem>>
      %dma_wait3A_179 = tpu.memref_squeeze %dma_wait3A_178 : memref<1x1x128xi32, #tpu.memory_space<vmem>> -> memref<128xi32, #tpu.memory_space<vmem>>
      %dma_wait3A_180 = arith.constant 0 : i32
      %dma_wait3A_181 = arith.constant 0 : i32
      %dma_wait3A_182 = tpu.memref_slice %arg2[%dma_wait3A_180, %dma_wait3A_181] : memref<10000x128xf32, #tpu.memory_space<hbm>> -> memref<10000x128xf32, #tpu.memory_space<hbm>>
      tpu.wait_indirect_dma semaphore(%arg12 : memref<!tpu.dma_semaphore, #tpu.memory_space<semaphore_mem>>) src(%dma_wait3A_182 : memref<10000x128xf32, #tpu.memory_space<hbm>>) dst(%arg9 : memref<128x128xf32, #tpu.memory_space<vmem>>)
      %run_scoped3A_183 = arith.constant 0 : i32
      %run_scoped3A_184 = arith.constant 2 : i32
      "tpu.region"() ({
        %run_scoped3A_451 = tpu.sem_alloc : memref<!tpu.dma_semaphore, #tpu.memory_space<semaphore_mem>>
        %dma_start3A_452 = arith.constant 0 : i32
        %dma_start3A_453 = tpu.memref_slice %arg8[%run_scoped3A_183, %run_scoped3A_184, %dma_start3A_452] : memref<2x8x128xi32, #tpu.memory_space<vmem>> -> memref<1x1x128xi32, #tpu.memory_space<vmem>>
        %dma_start3A_454 = tpu.memref_squeeze %dma_start3A_453 : memref<1x1x128xi32, #tpu.memory_space<vmem>> -> memref<128xi32, #tpu.memory_space<vmem>>
        %dma_start3A_455 = arith.constant 0 : i32
        %dma_start3A_456 = arith.constant 0 : i32
        %dma_start3A_457 = tpu.memref_slice %arg11[%dma_start3A_455, %dma_start3A_456] : memref<10240x128xf32, #tpu.memory_space<vmem_shared>> -> memref<10240x128xf32, #tpu.memory_space<vmem_shared>>
        tpu.enqueue_indirect_dma source(%arg9 : memref<128x128xf32, #tpu.memory_space<vmem>>) target(%dma_start3A_457 : memref<10240x128xf32, #tpu.memory_space<vmem_shared>>) offsets(%dma_start3A_454 : memref<128xi32, #tpu.memory_space<vmem>>) semaphore(%run_scoped3A_451 : memref<!tpu.dma_semaphore, #tpu.memory_space<semaphore_mem>>) {add = true}
        %dma_wait3A_458 = arith.constant 0 : i32
        %dma_wait3A_459 = tpu.memref_slice %arg8[%run_scoped3A_183, %run_scoped3A_184, %dma_wait3A_458] : memref<2x8x128xi32, #tpu.memory_space<vmem>> -> memref<1x1x128xi32, #tpu.memory_space<vmem>>
        %dma_wait3A_460 = tpu.memref_squeeze %dma_wait3A_459 : memref<1x1x128xi32, #tpu.memory_space<vmem>> -> memref<128xi32, #tpu.memory_space<vmem>>
        %dma_wait3A_461 = arith.constant 0 : i32
        %dma_wait3A_462 = arith.constant 0 : i32
        %dma_wait3A_463 = tpu.memref_slice %arg11[%dma_wait3A_461, %dma_wait3A_462] : memref<10240x128xf32, #tpu.memory_space<vmem_shared>> -> memref<10240x128xf32, #tpu.memory_space<vmem_shared>>
        tpu.wait_indirect_dma semaphore(%run_scoped3A_451 : memref<!tpu.dma_semaphore, #tpu.memory_space<semaphore_mem>>) src(%arg9 : memref<128x128xf32, #tpu.memory_space<vmem>>) dst(%dma_wait3A_463 : memref<10240x128xf32, #tpu.memory_space<vmem_shared>>)
        tpu.yield
      }) : () -> ()
      %dma_start3A_185 = arith.constant 0 : i32
      %dma_start3A_186 = arith.constant 4 : i32
      %dma_start3A_187 = arith.constant 0 : i32
      %dma_start3A_188 = tpu.memref_slice %arg7[%dma_start3A_185, %dma_start3A_186, %dma_start3A_187] : memref<2x8x128xi32, #tpu.memory_space<vmem>> -> memref<1x1x128xi32, #tpu.memory_space<vmem>>
      %dma_start3A_189 = tpu.memref_squeeze %dma_start3A_188 : memref<1x1x128xi32, #tpu.memory_space<vmem>> -> memref<128xi32, #tpu.memory_space<vmem>>
      %dma_start3A_190 = arith.constant 0 : i32
      %dma_start3A_191 = arith.constant 0 : i32
      %dma_start3A_192 = tpu.memref_slice %arg2[%dma_start3A_190, %dma_start3A_191] : memref<10000x128xf32, #tpu.memory_space<hbm>> -> memref<10000x128xf32, #tpu.memory_space<hbm>>
      tpu.enqueue_indirect_dma source(%dma_start3A_192 : memref<10000x128xf32, #tpu.memory_space<hbm>>) target(%arg9 : memref<128x128xf32, #tpu.memory_space<vmem>>) offsets(%dma_start3A_189 : memref<128xi32, #tpu.memory_space<vmem>>) semaphore(%arg12 : memref<!tpu.dma_semaphore, #tpu.memory_space<semaphore_mem>>)
      %dma_wait3A_193 = arith.constant 0 : i32
      %dma_wait3A_194 = arith.constant 3 : i32
      %dma_wait3A_195 = arith.constant 0 : i32
      %dma_wait3A_196 = tpu.memref_slice %arg7[%dma_wait3A_193, %dma_wait3A_194, %dma_wait3A_195] : memref<2x8x128xi32, #tpu.memory_space<vmem>> -> memref<1x1x128xi32, #tpu.memory_space<vmem>>
      %dma_wait3A_197 = tpu.memref_squeeze %dma_wait3A_196 : memref<1x1x128xi32, #tpu.memory_space<vmem>> -> memref<128xi32, #tpu.memory_space<vmem>>
      %dma_wait3A_198 = arith.constant 0 : i32
      %dma_wait3A_199 = arith.constant 0 : i32
      %dma_wait3A_200 = tpu.memref_slice %arg2[%dma_wait3A_198, %dma_wait3A_199] : memref<10000x128xf32, #tpu.memory_space<hbm>> -> memref<10000x128xf32, #tpu.memory_space<hbm>>
      tpu.wait_indirect_dma semaphore(%arg13 : memref<!tpu.dma_semaphore, #tpu.memory_space<semaphore_mem>>) src(%dma_wait3A_200 : memref<10000x128xf32, #tpu.memory_space<hbm>>) dst(%arg10 : memref<128x128xf32, #tpu.memory_space<vmem>>)
      %run_scoped3A_201 = arith.constant 0 : i32
      %run_scoped3A_202 = arith.constant 3 : i32
      "tpu.region"() ({
        %run_scoped3A_451 = tpu.sem_alloc : memref<!tpu.dma_semaphore, #tpu.memory_space<semaphore_mem>>
        %dma_start3A_452 = arith.constant 0 : i32
        %dma_start3A_453 = tpu.memref_slice %arg8[%run_scoped3A_201, %run_scoped3A_202, %dma_start3A_452] : memref<2x8x128xi32, #tpu.memory_space<vmem>> -> memref<1x1x128xi32, #tpu.memory_space<vmem>>
        %dma_start3A_454 = tpu.memref_squeeze %dma_start3A_453 : memref<1x1x128xi32, #tpu.memory_space<vmem>> -> memref<128xi32, #tpu.memory_space<vmem>>
        %dma_start3A_455 = arith.constant 0 : i32
        %dma_start3A_456 = arith.constant 0 : i32
        %dma_start3A_457 = tpu.memref_slice %arg11[%dma_start3A_455, %dma_start3A_456] : memref<10240x128xf32, #tpu.memory_space<vmem_shared>> -> memref<10240x128xf32, #tpu.memory_space<vmem_shared>>
        tpu.enqueue_indirect_dma source(%arg10 : memref<128x128xf32, #tpu.memory_space<vmem>>) target(%dma_start3A_457 : memref<10240x128xf32, #tpu.memory_space<vmem_shared>>) offsets(%dma_start3A_454 : memref<128xi32, #tpu.memory_space<vmem>>) semaphore(%run_scoped3A_451 : memref<!tpu.dma_semaphore, #tpu.memory_space<semaphore_mem>>) {add = true}
        %dma_wait3A_458 = arith.constant 0 : i32
        %dma_wait3A_459 = tpu.memref_slice %arg8[%run_scoped3A_201, %run_scoped3A_202, %dma_wait3A_458] : memref<2x8x128xi32, #tpu.memory_space<vmem>> -> memref<1x1x128xi32, #tpu.memory_space<vmem>>
        %dma_wait3A_460 = tpu.memref_squeeze %dma_wait3A_459 : memref<1x1x128xi32, #tpu.memory_space<vmem>> -> memref<128xi32, #tpu.memory_space<vmem>>
        %dma_wait3A_461 = arith.constant 0 : i32
        %dma_wait3A_462 = arith.constant 0 : i32
        %dma_wait3A_463 = tpu.memref_slice %arg11[%dma_wait3A_461, %dma_wait3A_462] : memref<10240x128xf32, #tpu.memory_space<vmem_shared>> -> memref<10240x128xf32, #tpu.memory_space<vmem_shared>>
        tpu.wait_indirect_dma semaphore(%run_scoped3A_451 : memref<!tpu.dma_semaphore, #tpu.memory_space<semaphore_mem>>) src(%arg10 : memref<128x128xf32, #tpu.memory_space<vmem>>) dst(%dma_wait3A_463 : memref<10240x128xf32, #tpu.memory_space<vmem_shared>>)
        tpu.yield
      }) : () -> ()
      %dma_start3A_203 = arith.constant 0 : i32
      %dma_start3A_204 = arith.constant 5 : i32
      %dma_start3A_205 = arith.constant 0 : i32
      %dma_start3A_206 = tpu.memref_slice %arg7[%dma_start3A_203, %dma_start3A_204, %dma_start3A_205] : memref<2x8x128xi32, #tpu.memory_space<vmem>> -> memref<1x1x128xi32, #tpu.memory_space<vmem>>
      %dma_start3A_207 = tpu.memref_squeeze %dma_start3A_206 : memref<1x1x128xi32, #tpu.memory_space<vmem>> -> memref<128xi32, #tpu.memory_space<vmem>>
      %dma_start3A_208 = arith.constant 0 : i32
      %dma_start3A_209 = arith.constant 0 : i32
      %dma_start3A_210 = tpu.memref_slice %arg2[%dma_start3A_208, %dma_start3A_209] : memref<10000x128xf32, #tpu.memory_space<hbm>> -> memref<10000x128xf32, #tpu.memory_space<hbm>>
      tpu.enqueue_indirect_dma source(%dma_start3A_210 : memref<10000x128xf32, #tpu.memory_space<hbm>>) target(%arg10 : memref<128x128xf32, #tpu.memory_space<vmem>>) offsets(%dma_start3A_207 : memref<128xi32, #tpu.memory_space<vmem>>) semaphore(%arg13 : memref<!tpu.dma_semaphore, #tpu.memory_space<semaphore_mem>>)
      %dma_wait3A_211 = arith.constant 0 : i32
      %dma_wait3A_212 = arith.constant 4 : i32
      %dma_wait3A_213 = arith.constant 0 : i32
      %dma_wait3A_214 = tpu.memref_slice %arg7[%dma_wait3A_211, %dma_wait3A_212, %dma_wait3A_213] : memref<2x8x128xi32, #tpu.memory_space<vmem>> -> memref<1x1x128xi32, #tpu.memory_space<vmem>>
      %dma_wait3A_215 = tpu.memref_squeeze %dma_wait3A_214 : memref<1x1x128xi32, #tpu.memory_space<vmem>> -> memref<128xi32, #tpu.memory_space<vmem>>
      %dma_wait3A_216 = arith.constant 0 : i32
      %dma_wait3A_217 = arith.constant 0 : i32
      %dma_wait3A_218 = tpu.memref_slice %arg2[%dma_wait3A_216, %dma_wait3A_217] : memref<10000x128xf32, #tpu.memory_space<hbm>> -> memref<10000x128xf32, #tpu.memory_space<hbm>>
      tpu.wait_indirect_dma semaphore(%arg12 : memref<!tpu.dma_semaphore, #tpu.memory_space<semaphore_mem>>) src(%dma_wait3A_218 : memref<10000x128xf32, #tpu.memory_space<hbm>>) dst(%arg9 : memref<128x128xf32, #tpu.memory_space<vmem>>)
      %run_scoped3A_219 = arith.constant 0 : i32
      %run_scoped3A_220 = arith.constant 4 : i32
      "tpu.region"() ({
        %run_scoped3A_451 = tpu.sem_alloc : memref<!tpu.dma_semaphore, #tpu.memory_space<semaphore_mem>>
        %dma_start3A_452 = arith.constant 0 : i32
        %dma_start3A_453 = tpu.memref_slice %arg8[%run_scoped3A_219, %run_scoped3A_220, %dma_start3A_452] : memref<2x8x128xi32, #tpu.memory_space<vmem>> -> memref<1x1x128xi32, #tpu.memory_space<vmem>>
        %dma_start3A_454 = tpu.memref_squeeze %dma_start3A_453 : memref<1x1x128xi32, #tpu.memory_space<vmem>> -> memref<128xi32, #tpu.memory_space<vmem>>
        %dma_start3A_455 = arith.constant 0 : i32
        %dma_start3A_456 = arith.constant 0 : i32
        %dma_start3A_457 = tpu.memref_slice %arg11[%dma_start3A_455, %dma_start3A_456] : memref<10240x128xf32, #tpu.memory_space<vmem_shared>> -> memref<10240x128xf32, #tpu.memory_space<vmem_shared>>
        tpu.enqueue_indirect_dma source(%arg9 : memref<128x128xf32, #tpu.memory_space<vmem>>) target(%dma_start3A_457 : memref<10240x128xf32, #tpu.memory_space<vmem_shared>>) offsets(%dma_start3A_454 : memref<128xi32, #tpu.memory_space<vmem>>) semaphore(%run_scoped3A_451 : memref<!tpu.dma_semaphore, #tpu.memory_space<semaphore_mem>>) {add = true}
        %dma_wait3A_458 = arith.constant 0 : i32
        %dma_wait3A_459 = tpu.memref_slice %arg8[%run_scoped3A_219, %run_scoped3A_220, %dma_wait3A_458] : memref<2x8x128xi32, #tpu.memory_space<vmem>> -> memref<1x1x128xi32, #tpu.memory_space<vmem>>
        %dma_wait3A_460 = tpu.memref_squeeze %dma_wait3A_459 : memref<1x1x128xi32, #tpu.memory_space<vmem>> -> memref<128xi32, #tpu.memory_space<vmem>>
        %dma_wait3A_461 = arith.constant 0 : i32
        %dma_wait3A_462 = arith.constant 0 : i32
        %dma_wait3A_463 = tpu.memref_slice %arg11[%dma_wait3A_461, %dma_wait3A_462] : memref<10240x128xf32, #tpu.memory_space<vmem_shared>> -> memref<10240x128xf32, #tpu.memory_space<vmem_shared>>
        tpu.wait_indirect_dma semaphore(%run_scoped3A_451 : memref<!tpu.dma_semaphore, #tpu.memory_space<semaphore_mem>>) src(%arg9 : memref<128x128xf32, #tpu.memory_space<vmem>>) dst(%dma_wait3A_463 : memref<10240x128xf32, #tpu.memory_space<vmem_shared>>)
        tpu.yield
      }) : () -> ()
      %dma_start3A_221 = arith.constant 0 : i32
      %dma_start3A_222 = arith.constant 6 : i32
      %dma_start3A_223 = arith.constant 0 : i32
      %dma_start3A_224 = tpu.memref_slice %arg7[%dma_start3A_221, %dma_start3A_222, %dma_start3A_223] : memref<2x8x128xi32, #tpu.memory_space<vmem>> -> memref<1x1x128xi32, #tpu.memory_space<vmem>>
      %dma_start3A_225 = tpu.memref_squeeze %dma_start3A_224 : memref<1x1x128xi32, #tpu.memory_space<vmem>> -> memref<128xi32, #tpu.memory_space<vmem>>
      %dma_start3A_226 = arith.constant 0 : i32
      %dma_start3A_227 = arith.constant 0 : i32
      %dma_start3A_228 = tpu.memref_slice %arg2[%dma_start3A_226, %dma_start3A_227] : memref<10000x128xf32, #tpu.memory_space<hbm>> -> memref<10000x128xf32, #tpu.memory_space<hbm>>
      tpu.enqueue_indirect_dma source(%dma_start3A_228 : memref<10000x128xf32, #tpu.memory_space<hbm>>) target(%arg9 : memref<128x128xf32, #tpu.memory_space<vmem>>) offsets(%dma_start3A_225 : memref<128xi32, #tpu.memory_space<vmem>>) semaphore(%arg12 : memref<!tpu.dma_semaphore, #tpu.memory_space<semaphore_mem>>)
      %dma_wait3A_229 = arith.constant 0 : i32
      %dma_wait3A_230 = arith.constant 5 : i32
      %dma_wait3A_231 = arith.constant 0 : i32
      %dma_wait3A_232 = tpu.memref_slice %arg7[%dma_wait3A_229, %dma_wait3A_230, %dma_wait3A_231] : memref<2x8x128xi32, #tpu.memory_space<vmem>> -> memref<1x1x128xi32, #tpu.memory_space<vmem>>
      %dma_wait3A_233 = tpu.memref_squeeze %dma_wait3A_232 : memref<1x1x128xi32, #tpu.memory_space<vmem>> -> memref<128xi32, #tpu.memory_space<vmem>>
      %dma_wait3A_234 = arith.constant 0 : i32
      %dma_wait3A_235 = arith.constant 0 : i32
      %dma_wait3A_236 = tpu.memref_slice %arg2[%dma_wait3A_234, %dma_wait3A_235] : memref<10000x128xf32, #tpu.memory_space<hbm>> -> memref<10000x128xf32, #tpu.memory_space<hbm>>
      tpu.wait_indirect_dma semaphore(%arg13 : memref<!tpu.dma_semaphore, #tpu.memory_space<semaphore_mem>>) src(%dma_wait3A_236 : memref<10000x128xf32, #tpu.memory_space<hbm>>) dst(%arg10 : memref<128x128xf32, #tpu.memory_space<vmem>>)
      %run_scoped3A_237 = arith.constant 0 : i32
      %run_scoped3A_238 = arith.constant 5 : i32
      "tpu.region"() ({
        %run_scoped3A_451 = tpu.sem_alloc : memref<!tpu.dma_semaphore, #tpu.memory_space<semaphore_mem>>
        %dma_start3A_452 = arith.constant 0 : i32
        %dma_start3A_453 = tpu.memref_slice %arg8[%run_scoped3A_237, %run_scoped3A_238, %dma_start3A_452] : memref<2x8x128xi32, #tpu.memory_space<vmem>> -> memref<1x1x128xi32, #tpu.memory_space<vmem>>
        %dma_start3A_454 = tpu.memref_squeeze %dma_start3A_453 : memref<1x1x128xi32, #tpu.memory_space<vmem>> -> memref<128xi32, #tpu.memory_space<vmem>>
        %dma_start3A_455 = arith.constant 0 : i32
        %dma_start3A_456 = arith.constant 0 : i32
        %dma_start3A_457 = tpu.memref_slice %arg11[%dma_start3A_455, %dma_start3A_456] : memref<10240x128xf32, #tpu.memory_space<vmem_shared>> -> memref<10240x128xf32, #tpu.memory_space<vmem_shared>>
        tpu.enqueue_indirect_dma source(%arg10 : memref<128x128xf32, #tpu.memory_space<vmem>>) target(%dma_start3A_457 : memref<10240x128xf32, #tpu.memory_space<vmem_shared>>) offsets(%dma_start3A_454 : memref<128xi32, #tpu.memory_space<vmem>>) semaphore(%run_scoped3A_451 : memref<!tpu.dma_semaphore, #tpu.memory_space<semaphore_mem>>) {add = true}
        %dma_wait3A_458 = arith.constant 0 : i32
        %dma_wait3A_459 = tpu.memref_slice %arg8[%run_scoped3A_237, %run_scoped3A_238, %dma_wait3A_458] : memref<2x8x128xi32, #tpu.memory_space<vmem>> -> memref<1x1x128xi32, #tpu.memory_space<vmem>>
        %dma_wait3A_460 = tpu.memref_squeeze %dma_wait3A_459 : memref<1x1x128xi32, #tpu.memory_space<vmem>> -> memref<128xi32, #tpu.memory_space<vmem>>
        %dma_wait3A_461 = arith.constant 0 : i32
        %dma_wait3A_462 = arith.constant 0 : i32
        %dma_wait3A_463 = tpu.memref_slice %arg11[%dma_wait3A_461, %dma_wait3A_462] : memref<10240x128xf32, #tpu.memory_space<vmem_shared>> -> memref<10240x128xf32, #tpu.memory_space<vmem_shared>>
        tpu.wait_indirect_dma semaphore(%run_scoped3A_451 : memref<!tpu.dma_semaphore, #tpu.memory_space<semaphore_mem>>) src(%arg10 : memref<128x128xf32, #tpu.memory_space<vmem>>) dst(%dma_wait3A_463 : memref<10240x128xf32, #tpu.memory_space<vmem_shared>>)
        tpu.yield
      }) : () -> ()
      %dma_start3A_239 = arith.constant 0 : i32
      %dma_start3A_240 = arith.constant 7 : i32
      %dma_start3A_241 = arith.constant 0 : i32
      %dma_start3A_242 = tpu.memref_slice %arg7[%dma_start3A_239, %dma_start3A_240, %dma_start3A_241] : memref<2x8x128xi32, #tpu.memory_space<vmem>> -> memref<1x1x128xi32, #tpu.memory_space<vmem>>
      %dma_start3A_243 = tpu.memref_squeeze %dma_start3A_242 : memref<1x1x128xi32, #tpu.memory_space<vmem>> -> memref<128xi32, #tpu.memory_space<vmem>>
      %dma_start3A_244 = arith.constant 0 : i32
      %dma_start3A_245 = arith.constant 0 : i32
      %dma_start3A_246 = tpu.memref_slice %arg2[%dma_start3A_244, %dma_start3A_245] : memref<10000x128xf32, #tpu.memory_space<hbm>> -> memref<10000x128xf32, #tpu.memory_space<hbm>>
      tpu.enqueue_indirect_dma source(%dma_start3A_246 : memref<10000x128xf32, #tpu.memory_space<hbm>>) target(%arg10 : memref<128x128xf32, #tpu.memory_space<vmem>>) offsets(%dma_start3A_243 : memref<128xi32, #tpu.memory_space<vmem>>) semaphore(%arg13 : memref<!tpu.dma_semaphore, #tpu.memory_space<semaphore_mem>>)
      %dma_wait3A_247 = arith.constant 0 : i32
      %dma_wait3A_248 = arith.constant 6 : i32
      %dma_wait3A_249 = arith.constant 0 : i32
      %dma_wait3A_250 = tpu.memref_slice %arg7[%dma_wait3A_247, %dma_wait3A_248, %dma_wait3A_249] : memref<2x8x128xi32, #tpu.memory_space<vmem>> -> memref<1x1x128xi32, #tpu.memory_space<vmem>>
      %dma_wait3A_251 = tpu.memref_squeeze %dma_wait3A_250 : memref<1x1x128xi32, #tpu.memory_space<vmem>> -> memref<128xi32, #tpu.memory_space<vmem>>
      %dma_wait3A_252 = arith.constant 0 : i32
      %dma_wait3A_253 = arith.constant 0 : i32
      %dma_wait3A_254 = tpu.memref_slice %arg2[%dma_wait3A_252, %dma_wait3A_253] : memref<10000x128xf32, #tpu.memory_space<hbm>> -> memref<10000x128xf32, #tpu.memory_space<hbm>>
      tpu.wait_indirect_dma semaphore(%arg12 : memref<!tpu.dma_semaphore, #tpu.memory_space<semaphore_mem>>) src(%dma_wait3A_254 : memref<10000x128xf32, #tpu.memory_space<hbm>>) dst(%arg9 : memref<128x128xf32, #tpu.memory_space<vmem>>)
      %run_scoped3A_255 = arith.constant 0 : i32
      %run_scoped3A_256 = arith.constant 6 : i32
      "tpu.region"() ({
        %run_scoped3A_451 = tpu.sem_alloc : memref<!tpu.dma_semaphore, #tpu.memory_space<semaphore_mem>>
        %dma_start3A_452 = arith.constant 0 : i32
        %dma_start3A_453 = tpu.memref_slice %arg8[%run_scoped3A_255, %run_scoped3A_256, %dma_start3A_452] : memref<2x8x128xi32, #tpu.memory_space<vmem>> -> memref<1x1x128xi32, #tpu.memory_space<vmem>>
        %dma_start3A_454 = tpu.memref_squeeze %dma_start3A_453 : memref<1x1x128xi32, #tpu.memory_space<vmem>> -> memref<128xi32, #tpu.memory_space<vmem>>
        %dma_start3A_455 = arith.constant 0 : i32
        %dma_start3A_456 = arith.constant 0 : i32
        %dma_start3A_457 = tpu.memref_slice %arg11[%dma_start3A_455, %dma_start3A_456] : memref<10240x128xf32, #tpu.memory_space<vmem_shared>> -> memref<10240x128xf32, #tpu.memory_space<vmem_shared>>
        tpu.enqueue_indirect_dma source(%arg9 : memref<128x128xf32, #tpu.memory_space<vmem>>) target(%dma_start3A_457 : memref<10240x128xf32, #tpu.memory_space<vmem_shared>>) offsets(%dma_start3A_454 : memref<128xi32, #tpu.memory_space<vmem>>) semaphore(%run_scoped3A_451 : memref<!tpu.dma_semaphore, #tpu.memory_space<semaphore_mem>>) {add = true}
        %dma_wait3A_458 = arith.constant 0 : i32
        %dma_wait3A_459 = tpu.memref_slice %arg8[%run_scoped3A_255, %run_scoped3A_256, %dma_wait3A_458] : memref<2x8x128xi32, #tpu.memory_space<vmem>> -> memref<1x1x128xi32, #tpu.memory_space<vmem>>
        %dma_wait3A_460 = tpu.memref_squeeze %dma_wait3A_459 : memref<1x1x128xi32, #tpu.memory_space<vmem>> -> memref<128xi32, #tpu.memory_space<vmem>>
        %dma_wait3A_461 = arith.constant 0 : i32
        %dma_wait3A_462 = arith.constant 0 : i32
        %dma_wait3A_463 = tpu.memref_slice %arg11[%dma_wait3A_461, %dma_wait3A_462] : memref<10240x128xf32, #tpu.memory_space<vmem_shared>> -> memref<10240x128xf32, #tpu.memory_space<vmem_shared>>
        tpu.wait_indirect_dma semaphore(%run_scoped3A_451 : memref<!tpu.dma_semaphore, #tpu.memory_space<semaphore_mem>>) src(%arg9 : memref<128x128xf32, #tpu.memory_space<vmem>>) dst(%dma_wait3A_463 : memref<10240x128xf32, #tpu.memory_space<vmem_shared>>)
        tpu.yield
      }) : () -> ()
      %add3A_257 = arith.constant 1 : i32
      %add3A_258 = arith.addi %mul3A_134, %add3A_257 : i32
      %lt3A_259 = arith.constant 10 : i32
      %lt3A_260 = arith.cmpi slt, %add3A_258, %lt3A_259 : i32
      %convert_element_type3A_261 = arith.extui %lt3A_260 : i1 to i32
      %cond3A_262 = arith.constant 0 : i32
      %cond3A_263 = arith.cmpi ne, %convert_element_type3A_261, %cond3A_262 : i32
      scf.if %cond3A_263 {
        %dma_wait3A_451 = arith.constant 1 : i32
        %dma_wait3A_452 = arith.constant 0 : i32
        %dma_wait3A_453 = arith.constant 0 : i32
        %dma_wait3A_454 = tpu.memref_slice %arg7[%dma_wait3A_451, %dma_wait3A_452, %dma_wait3A_453] : memref<2x8x128xi32, #tpu.memory_space<vmem>> -> memref<1x8x128xi32, #tpu.memory_space<vmem>>
        %dma_wait3A_455 = tpu.memref_squeeze %dma_wait3A_454 : memref<1x8x128xi32, #tpu.memory_space<vmem>> -> memref<8x128xi32, #tpu.memory_space<vmem>>
        %dma_wait3A_456 = arith.constant 0 : i32
        %dma_wait3A_457 = arith.constant 0 : i32
        %dma_wait3A_458 = tpu.memref_slice %arg3[%add3A, %dma_wait3A_456, %dma_wait3A_457] : memref<32x80x128xi32, #tpu.memory_space<hbm>> -> memref<1x8x128xi32, #tpu.memory_space<hbm>>
        %dma_wait3A_459 = tpu.memref_squeeze %dma_wait3A_458 : memref<1x8x128xi32, #tpu.memory_space<hbm>> -> memref<8x128xi32, #tpu.memory_space<hbm>>
        %dma_wait3A_460 = arith.constant 0 : i32
        %dma_wait3A_461 = arith.constant 0 : i32
        %dma_wait3A_462 = tpu.memref_slice %arg7[%dma_wait3A_451, %dma_wait3A_460, %dma_wait3A_461] : memref<2x8x128xi32, #tpu.memory_space<vmem>> -> memref<1x8x128xi32, #tpu.memory_space<vmem>>
        %dma_wait3A_463 = tpu.memref_squeeze %dma_wait3A_462 : memref<1x8x128xi32, #tpu.memory_space<vmem>> -> memref<8x128xi32, #tpu.memory_space<vmem>>
        %dma_wait3A_464 = arith.constant 0 : i32
        %dma_wait3A_465 = arith.constant 0 : i32
        %dma_wait3A_466 = tpu.memref_slice %arg3[%add3A, %dma_wait3A_464, %dma_wait3A_465] : memref<32x80x128xi32, #tpu.memory_space<hbm>> -> memref<1x8x128xi32, #tpu.memory_space<hbm>>
        %dma_wait3A_467 = tpu.memref_squeeze %dma_wait3A_466 : memref<1x8x128xi32, #tpu.memory_space<hbm>> -> memref<8x128xi32, #tpu.memory_space<hbm>>
        tpu.wait_dma2 semaphore(%arg15 : memref<!tpu.dma_semaphore, #tpu.memory_space<semaphore_mem>>) src(%dma_wait3A_467 : memref<8x128xi32, #tpu.memory_space<hbm>>) dst(%dma_wait3A_463 : memref<8x128xi32, #tpu.memory_space<vmem>>)
        %dma_wait3A_468 = arith.constant 1 : i32
        %dma_wait3A_469 = arith.constant 0 : i32
        %dma_wait3A_470 = arith.constant 0 : i32
        %dma_wait3A_471 = tpu.memref_slice %arg8[%dma_wait3A_468, %dma_wait3A_469, %dma_wait3A_470] : memref<2x8x128xi32, #tpu.memory_space<vmem>> -> memref<1x8x128xi32, #tpu.memory_space<vmem>>
        %dma_wait3A_472 = tpu.memref_squeeze %dma_wait3A_471 : memref<1x8x128xi32, #tpu.memory_space<vmem>> -> memref<8x128xi32, #tpu.memory_space<vmem>>
        %dma_wait3A_473 = arith.constant 0 : i32
        %dma_wait3A_474 = arith.constant 0 : i32
        %dma_wait3A_475 = tpu.memref_slice %arg4[%add3A, %dma_wait3A_473, %dma_wait3A_474] : memref<32x80x128xi32, #tpu.memory_space<hbm>> -> memref<1x8x128xi32, #tpu.memory_space<hbm>>
        %dma_wait3A_476 = tpu.memref_squeeze %dma_wait3A_475 : memref<1x8x128xi32, #tpu.memory_space<hbm>> -> memref<8x128xi32, #tpu.memory_space<hbm>>
        %dma_wait3A_477 = arith.constant 0 : i32
        %dma_wait3A_478 = arith.constant 0 : i32
        %dma_wait3A_479 = tpu.memref_slice %arg8[%dma_wait3A_468, %dma_wait3A_477, %dma_wait3A_478] : memref<2x8x128xi32, #tpu.memory_space<vmem>> -> memref<1x8x128xi32, #tpu.memory_space<vmem>>
        %dma_wait3A_480 = tpu.memref_squeeze %dma_wait3A_479 : memref<1x8x128xi32, #tpu.memory_space<vmem>> -> memref<8x128xi32, #tpu.memory_space<vmem>>
        %dma_wait3A_481 = arith.constant 0 : i32
        %dma_wait3A_482 = arith.constant 0 : i32
        %dma_wait3A_483 = tpu.memref_slice %arg4[%add3A, %dma_wait3A_481, %dma_wait3A_482] : memref<32x80x128xi32, #tpu.memory_space<hbm>> -> memref<1x8x128xi32, #tpu.memory_space<hbm>>
        %dma_wait3A_484 = tpu.memref_squeeze %dma_wait3A_483 : memref<1x8x128xi32, #tpu.memory_space<hbm>> -> memref<8x128xi32, #tpu.memory_space<hbm>>
        tpu.wait_dma2 semaphore(%arg15 : memref<!tpu.dma_semaphore, #tpu.memory_space<semaphore_mem>>) src(%dma_wait3A_484 : memref<8x128xi32, #tpu.memory_space<hbm>>) dst(%dma_wait3A_480 : memref<8x128xi32, #tpu.memory_space<vmem>>)
      } else {
      }
      %add3A_264 = arith.constant 1 : i32
      %add3A_265 = arith.addi %mul3A_134, %add3A_264 : i32
      %lt3A_266 = arith.constant 10 : i32
      %lt3A_267 = arith.cmpi slt, %add3A_265, %lt3A_266 : i32
      %convert_element_type3A_268 = arith.extui %lt3A_267 : i1 to i32
      %cond3A_269 = arith.constant 0 : i32
      %cond3A_270 = arith.cmpi ne, %convert_element_type3A_268, %cond3A_269 : i32
      scf.if %cond3A_270 {
        %dma_start3A_451 = arith.constant 1 : i32
        %dma_start3A_452 = arith.constant 0 : i32
        %dma_start3A_453 = arith.constant 0 : i32
        %dma_start3A_454 = tpu.memref_slice %arg7[%dma_start3A_451, %dma_start3A_452, %dma_start3A_453] : memref<2x8x128xi32, #tpu.memory_space<vmem>> -> memref<1x1x128xi32, #tpu.memory_space<vmem>>
        %dma_start3A_455 = tpu.memref_squeeze %dma_start3A_454 : memref<1x1x128xi32, #tpu.memory_space<vmem>> -> memref<128xi32, #tpu.memory_space<vmem>>
        %dma_start3A_456 = arith.constant 0 : i32
        %dma_start3A_457 = arith.constant 0 : i32
        %dma_start3A_458 = tpu.memref_slice %arg2[%dma_start3A_456, %dma_start3A_457] : memref<10000x128xf32, #tpu.memory_space<hbm>> -> memref<10000x128xf32, #tpu.memory_space<hbm>>
        tpu.enqueue_indirect_dma source(%dma_start3A_458 : memref<10000x128xf32, #tpu.memory_space<hbm>>) target(%arg9 : memref<128x128xf32, #tpu.memory_space<vmem>>) offsets(%dma_start3A_455 : memref<128xi32, #tpu.memory_space<vmem>>) semaphore(%arg12 : memref<!tpu.dma_semaphore, #tpu.memory_space<semaphore_mem>>)
      } else {
      }
      %dma_wait3A_271 = arith.constant 0 : i32
      %dma_wait3A_272 = arith.constant 7 : i32
      %dma_wait3A_273 = arith.constant 0 : i32
      %dma_wait3A_274 = tpu.memref_slice %arg7[%dma_wait3A_271, %dma_wait3A_272, %dma_wait3A_273] : memref<2x8x128xi32, #tpu.memory_space<vmem>> -> memref<1x1x128xi32, #tpu.memory_space<vmem>>
      %dma_wait3A_275 = tpu.memref_squeeze %dma_wait3A_274 : memref<1x1x128xi32, #tpu.memory_space<vmem>> -> memref<128xi32, #tpu.memory_space<vmem>>
      %dma_wait3A_276 = arith.constant 0 : i32
      %dma_wait3A_277 = arith.constant 0 : i32
      %dma_wait3A_278 = tpu.memref_slice %arg2[%dma_wait3A_276, %dma_wait3A_277] : memref<10000x128xf32, #tpu.memory_space<hbm>> -> memref<10000x128xf32, #tpu.memory_space<hbm>>
      tpu.wait_indirect_dma semaphore(%arg13 : memref<!tpu.dma_semaphore, #tpu.memory_space<semaphore_mem>>) src(%dma_wait3A_278 : memref<10000x128xf32, #tpu.memory_space<hbm>>) dst(%arg10 : memref<128x128xf32, #tpu.memory_space<vmem>>)
      %run_scoped3A_279 = arith.constant 0 : i32
      %run_scoped3A_280 = arith.constant 7 : i32
      "tpu.region"() ({
        %run_scoped3A_451 = tpu.sem_alloc : memref<!tpu.dma_semaphore, #tpu.memory_space<semaphore_mem>>
        %dma_start3A_452 = arith.constant 0 : i32
        %dma_start3A_453 = tpu.memref_slice %arg8[%run_scoped3A_279, %run_scoped3A_280, %dma_start3A_452] : memref<2x8x128xi32, #tpu.memory_space<vmem>> -> memref<1x1x128xi32, #tpu.memory_space<vmem>>
        %dma_start3A_454 = tpu.memref_squeeze %dma_start3A_453 : memref<1x1x128xi32, #tpu.memory_space<vmem>> -> memref<128xi32, #tpu.memory_space<vmem>>
        %dma_start3A_455 = arith.constant 0 : i32
        %dma_start3A_456 = arith.constant 0 : i32
        %dma_start3A_457 = tpu.memref_slice %arg11[%dma_start3A_455, %dma_start3A_456] : memref<10240x128xf32, #tpu.memory_space<vmem_shared>> -> memref<10240x128xf32, #tpu.memory_space<vmem_shared>>
        tpu.enqueue_indirect_dma source(%arg10 : memref<128x128xf32, #tpu.memory_space<vmem>>) target(%dma_start3A_457 : memref<10240x128xf32, #tpu.memory_space<vmem_shared>>) offsets(%dma_start3A_454 : memref<128xi32, #tpu.memory_space<vmem>>) semaphore(%run_scoped3A_451 : memref<!tpu.dma_semaphore, #tpu.memory_space<semaphore_mem>>) {add = true}
        %dma_wait3A_458 = arith.constant 0 : i32
        %dma_wait3A_459 = tpu.memref_slice %arg8[%run_scoped3A_279, %run_scoped3A_280, %dma_wait3A_458] : memref<2x8x128xi32, #tpu.memory_space<vmem>> -> memref<1x1x128xi32, #tpu.memory_space<vmem>>
        %dma_wait3A_460 = tpu.memref_squeeze %dma_wait3A_459 : memref<1x1x128xi32, #tpu.memory_space<vmem>> -> memref<128xi32, #tpu.memory_space<vmem>>
        %dma_wait3A_461 = arith.constant 0 : i32
        %dma_wait3A_462 = arith.constant 0 : i32
        %dma_wait3A_463 = tpu.memref_slice %arg11[%dma_wait3A_461, %dma_wait3A_462] : memref<10240x128xf32, #tpu.memory_space<vmem_shared>> -> memref<10240x128xf32, #tpu.memory_space<vmem_shared>>
        tpu.wait_indirect_dma semaphore(%run_scoped3A_451 : memref<!tpu.dma_semaphore, #tpu.memory_space<semaphore_mem>>) src(%arg10 : memref<128x128xf32, #tpu.memory_space<vmem>>) dst(%dma_wait3A_463 : memref<10240x128xf32, #tpu.memory_space<vmem_shared>>)
        tpu.yield
      }) : () -> ()
      %add3A_281 = arith.constant 1 : i32
      %add3A_282 = arith.addi %mul3A_134, %add3A_281 : i32
      %lt3A_283 = arith.constant 10 : i32
      %lt3A_284 = arith.cmpi slt, %add3A_282, %lt3A_283 : i32
      %convert_element_type3A_285 = arith.extui %lt3A_284 : i1 to i32
      %cond3A_286 = arith.constant 0 : i32
      %cond3A_287 = arith.cmpi ne, %convert_element_type3A_285, %cond3A_286 : i32
      scf.if %cond3A_287 {
        %dma_start3A_451 = arith.constant 1 : i32
        %dma_start3A_452 = arith.constant 1 : i32
        %dma_start3A_453 = arith.constant 0 : i32
        %dma_start3A_454 = tpu.memref_slice %arg7[%dma_start3A_451, %dma_start3A_452, %dma_start3A_453] : memref<2x8x128xi32, #tpu.memory_space<vmem>> -> memref<1x1x128xi32, #tpu.memory_space<vmem>>
        %dma_start3A_455 = tpu.memref_squeeze %dma_start3A_454 : memref<1x1x128xi32, #tpu.memory_space<vmem>> -> memref<128xi32, #tpu.memory_space<vmem>>
        %dma_start3A_456 = arith.constant 0 : i32
        %dma_start3A_457 = arith.constant 0 : i32
        %dma_start3A_458 = tpu.memref_slice %arg2[%dma_start3A_456, %dma_start3A_457] : memref<10000x128xf32, #tpu.memory_space<hbm>> -> memref<10000x128xf32, #tpu.memory_space<hbm>>
        tpu.enqueue_indirect_dma source(%dma_start3A_458 : memref<10000x128xf32, #tpu.memory_space<hbm>>) target(%arg10 : memref<128x128xf32, #tpu.memory_space<vmem>>) offsets(%dma_start3A_455 : memref<128xi32, #tpu.memory_space<vmem>>) semaphore(%arg13 : memref<!tpu.dma_semaphore, #tpu.memory_space<semaphore_mem>>)
      } else {
      }
      %mul3A_288 = arith.constant 2 : i32
      %mul3A_289 = arith.muli %scan3A_132, %mul3A_288 : i32
      %add3A_290 = arith.constant 1 : i32
      %add3A_291 = arith.addi %mul3A_289, %add3A_290 : i32
      %dma_wait3A_292 = arith.constant 1 : i32
      %dma_wait3A_293 = arith.constant 0 : i32
      %dma_wait3A_294 = arith.constant 0 : i32
      %dma_wait3A_295 = tpu.memref_slice %arg7[%dma_wait3A_292, %dma_wait3A_293, %dma_wait3A_294] : memref<2x8x128xi32, #tpu.memory_space<vmem>> -> memref<1x1x128xi32, #tpu.memory_space<vmem>>
      %dma_wait3A_296 = tpu.memref_squeeze %dma_wait3A_295 : memref<1x1x128xi32, #tpu.memory_space<vmem>> -> memref<128xi32, #tpu.memory_space<vmem>>
      %dma_wait3A_297 = arith.constant 0 : i32
      %dma_wait3A_298 = arith.constant 0 : i32
      %dma_wait3A_299 = tpu.memref_slice %arg2[%dma_wait3A_297, %dma_wait3A_298] : memref<10000x128xf32, #tpu.memory_space<hbm>> -> memref<10000x128xf32, #tpu.memory_space<hbm>>
      tpu.wait_indirect_dma semaphore(%arg12 : memref<!tpu.dma_semaphore, #tpu.memory_space<semaphore_mem>>) src(%dma_wait3A_299 : memref<10000x128xf32, #tpu.memory_space<hbm>>) dst(%arg9 : memref<128x128xf32, #tpu.memory_space<vmem>>)
      %run_scoped3A_300 = arith.constant 1 : i32
      %run_scoped3A_301 = arith.constant 0 : i32
      "tpu.region"() ({
        %run_scoped3A_451 = tpu.sem_alloc : memref<!tpu.dma_semaphore, #tpu.memory_space<semaphore_mem>>
        %dma_start3A_452 = arith.constant 0 : i32
        %dma_start3A_453 = tpu.memref_slice %arg8[%run_scoped3A_300, %run_scoped3A_301, %dma_start3A_452] : memref<2x8x128xi32, #tpu.memory_space<vmem>> -> memref<1x1x128xi32, #tpu.memory_space<vmem>>
        %dma_start3A_454 = tpu.memref_squeeze %dma_start3A_453 : memref<1x1x128xi32, #tpu.memory_space<vmem>> -> memref<128xi32, #tpu.memory_space<vmem>>
        %dma_start3A_455 = arith.constant 0 : i32
        %dma_start3A_456 = arith.constant 0 : i32
        %dma_start3A_457 = tpu.memref_slice %arg11[%dma_start3A_455, %dma_start3A_456] : memref<10240x128xf32, #tpu.memory_space<vmem_shared>> -> memref<10240x128xf32, #tpu.memory_space<vmem_shared>>
        tpu.enqueue_indirect_dma source(%arg9 : memref<128x128xf32, #tpu.memory_space<vmem>>) target(%dma_start3A_457 : memref<10240x128xf32, #tpu.memory_space<vmem_shared>>) offsets(%dma_start3A_454 : memref<128xi32, #tpu.memory_space<vmem>>) semaphore(%run_scoped3A_451 : memref<!tpu.dma_semaphore, #tpu.memory_space<semaphore_mem>>) {add = true}
        %dma_wait3A_458 = arith.constant 0 : i32
        %dma_wait3A_459 = tpu.memref_slice %arg8[%run_scoped3A_300, %run_scoped3A_301, %dma_wait3A_458] : memref<2x8x128xi32, #tpu.memory_space<vmem>> -> memref<1x1x128xi32, #tpu.memory_space<vmem>>
        %dma_wait3A_460 = tpu.memref_squeeze %dma_wait3A_459 : memref<1x1x128xi32, #tpu.memory_space<vmem>> -> memref<128xi32, #tpu.memory_space<vmem>>
        %dma_wait3A_461 = arith.constant 0 : i32
        %dma_wait3A_462 = arith.constant 0 : i32
        %dma_wait3A_463 = tpu.memref_slice %arg11[%dma_wait3A_461, %dma_wait3A_462] : memref<10240x128xf32, #tpu.memory_space<vmem_shared>> -> memref<10240x128xf32, #tpu.memory_space<vmem_shared>>
        tpu.wait_indirect_dma semaphore(%run_scoped3A_451 : memref<!tpu.dma_semaphore, #tpu.memory_space<semaphore_mem>>) src(%arg9 : memref<128x128xf32, #tpu.memory_space<vmem>>) dst(%dma_wait3A_463 : memref<10240x128xf32, #tpu.memory_space<vmem_shared>>)
        tpu.yield
      }) : () -> ()
      %dma_start3A_302 = arith.constant 1 : i32
      %dma_start3A_303 = arith.constant 2 : i32
      %dma_start3A_304 = arith.constant 0 : i32
      %dma_start3A_305 = tpu.memref_slice %arg7[%dma_start3A_302, %dma_start3A_303, %dma_start3A_304] : memref<2x8x128xi32, #tpu.memory_space<vmem>> -> memref<1x1x128xi32, #tpu.memory_space<vmem>>
      %dma_start3A_306 = tpu.memref_squeeze %dma_start3A_305 : memref<1x1x128xi32, #tpu.memory_space<vmem>> -> memref<128xi32, #tpu.memory_space<vmem>>
      %dma_start3A_307 = arith.constant 0 : i32
      %dma_start3A_308 = arith.constant 0 : i32
      %dma_start3A_309 = tpu.memref_slice %arg2[%dma_start3A_307, %dma_start3A_308] : memref<10000x128xf32, #tpu.memory_space<hbm>> -> memref<10000x128xf32, #tpu.memory_space<hbm>>
      tpu.enqueue_indirect_dma source(%dma_start3A_309 : memref<10000x128xf32, #tpu.memory_space<hbm>>) target(%arg9 : memref<128x128xf32, #tpu.memory_space<vmem>>) offsets(%dma_start3A_306 : memref<128xi32, #tpu.memory_space<vmem>>) semaphore(%arg12 : memref<!tpu.dma_semaphore, #tpu.memory_space<semaphore_mem>>)
      %dma_wait3A_310 = arith.constant 1 : i32
      %dma_wait3A_311 = arith.constant 1 : i32
      %dma_wait3A_312 = arith.constant 0 : i32
      %dma_wait3A_313 = tpu.memref_slice %arg7[%dma_wait3A_310, %dma_wait3A_311, %dma_wait3A_312] : memref<2x8x128xi32, #tpu.memory_space<vmem>> -> memref<1x1x128xi32, #tpu.memory_space<vmem>>
      %dma_wait3A_314 = tpu.memref_squeeze %dma_wait3A_313 : memref<1x1x128xi32, #tpu.memory_space<vmem>> -> memref<128xi32, #tpu.memory_space<vmem>>
      %dma_wait3A_315 = arith.constant 0 : i32
      %dma_wait3A_316 = arith.constant 0 : i32
      %dma_wait3A_317 = tpu.memref_slice %arg2[%dma_wait3A_315, %dma_wait3A_316] : memref<10000x128xf32, #tpu.memory_space<hbm>> -> memref<10000x128xf32, #tpu.memory_space<hbm>>
      tpu.wait_indirect_dma semaphore(%arg13 : memref<!tpu.dma_semaphore, #tpu.memory_space<semaphore_mem>>) src(%dma_wait3A_317 : memref<10000x128xf32, #tpu.memory_space<hbm>>) dst(%arg10 : memref<128x128xf32, #tpu.memory_space<vmem>>)
      %run_scoped3A_318 = arith.constant 1 : i32
      %run_scoped3A_319 = arith.constant 1 : i32
      "tpu.region"() ({
        %run_scoped3A_451 = tpu.sem_alloc : memref<!tpu.dma_semaphore, #tpu.memory_space<semaphore_mem>>
        %dma_start3A_452 = arith.constant 0 : i32
        %dma_start3A_453 = tpu.memref_slice %arg8[%run_scoped3A_318, %run_scoped3A_319, %dma_start3A_452] : memref<2x8x128xi32, #tpu.memory_space<vmem>> -> memref<1x1x128xi32, #tpu.memory_space<vmem>>
        %dma_start3A_454 = tpu.memref_squeeze %dma_start3A_453 : memref<1x1x128xi32, #tpu.memory_space<vmem>> -> memref<128xi32, #tpu.memory_space<vmem>>
        %dma_start3A_455 = arith.constant 0 : i32
        %dma_start3A_456 = arith.constant 0 : i32
        %dma_start3A_457 = tpu.memref_slice %arg11[%dma_start3A_455, %dma_start3A_456] : memref<10240x128xf32, #tpu.memory_space<vmem_shared>> -> memref<10240x128xf32, #tpu.memory_space<vmem_shared>>
        tpu.enqueue_indirect_dma source(%arg10 : memref<128x128xf32, #tpu.memory_space<vmem>>) target(%dma_start3A_457 : memref<10240x128xf32, #tpu.memory_space<vmem_shared>>) offsets(%dma_start3A_454 : memref<128xi32, #tpu.memory_space<vmem>>) semaphore(%run_scoped3A_451 : memref<!tpu.dma_semaphore, #tpu.memory_space<semaphore_mem>>) {add = true}
        %dma_wait3A_458 = arith.constant 0 : i32
        %dma_wait3A_459 = tpu.memref_slice %arg8[%run_scoped3A_318, %run_scoped3A_319, %dma_wait3A_458] : memref<2x8x128xi32, #tpu.memory_space<vmem>> -> memref<1x1x128xi32, #tpu.memory_space<vmem>>
        %dma_wait3A_460 = tpu.memref_squeeze %dma_wait3A_459 : memref<1x1x128xi32, #tpu.memory_space<vmem>> -> memref<128xi32, #tpu.memory_space<vmem>>
        %dma_wait3A_461 = arith.constant 0 : i32
        %dma_wait3A_462 = arith.constant 0 : i32
        %dma_wait3A_463 = tpu.memref_slice %arg11[%dma_wait3A_461, %dma_wait3A_462] : memref<10240x128xf32, #tpu.memory_space<vmem_shared>> -> memref<10240x128xf32, #tpu.memory_space<vmem_shared>>
        tpu.wait_indirect_dma semaphore(%run_scoped3A_451 : memref<!tpu.dma_semaphore, #tpu.memory_space<semaphore_mem>>) src(%arg10 : memref<128x128xf32, #tpu.memory_space<vmem>>) dst(%dma_wait3A_463 : memref<10240x128xf32, #tpu.memory_space<vmem_shared>>)
        tpu.yield
      }) : () -> ()
      %gt3A_320 = arith.constant 0 : i32
      %gt3A_321 = arith.cmpi sgt, %add3A_291, %gt3A_320 : i32
      %add3A_322 = arith.constant 1 : i32
      %add3A_323 = arith.addi %add3A_291, %add3A_322 : i32
      %lt3A_324 = arith.constant 10 : i32
      %lt3A_325 = arith.cmpi slt, %add3A_323, %lt3A_324 : i32
      %and3A_326 = arith.andi %gt3A_321, %lt3A_325 : i1
      %convert_element_type3A_327 = arith.extui %and3A_326 : i1 to i32
      %cond3A_328 = arith.constant 0 : i32
      %cond3A_329 = arith.cmpi ne, %convert_element_type3A_327, %cond3A_328 : i32
      scf.if %cond3A_329 {
        %add3A_451 = arith.constant 1 : i32
        %add3A_452 = arith.addi %add3A_291, %add3A_451 : i32
        %mul3A_453 = arith.constant 8 : i32
        %mul3A_454 = arith.muli %add3A_452, %mul3A_453 : i32
        %dma_start3A_455 = arith.constant 0 : i32
        %dma_start3A_456 = arith.constant 0 : i32
        %dma_start3A_457 = arith.constant 0 : i32
        %dma_start3A_458 = tpu.memref_slice %arg7[%dma_start3A_455, %dma_start3A_456, %dma_start3A_457] : memref<2x8x128xi32, #tpu.memory_space<vmem>> -> memref<1x8x128xi32, #tpu.memory_space<vmem>>
        %dma_start3A_459 = tpu.memref_squeeze %dma_start3A_458 : memref<1x8x128xi32, #tpu.memory_space<vmem>> -> memref<8x128xi32, #tpu.memory_space<vmem>>
        %dma_start3A_460 = arith.constant 0 : i32
        %dma_start3A_461 = tpu.memref_slice %arg3[%add3A, %mul3A_454, %dma_start3A_460] : memref<32x80x128xi32, #tpu.memory_space<hbm>> -> memref<1x8x128xi32, #tpu.memory_space<hbm>>
        %dma_start3A_462 = tpu.memref_squeeze %dma_start3A_461 : memref<1x8x128xi32, #tpu.memory_space<hbm>> -> memref<8x128xi32, #tpu.memory_space<hbm>>
        %dma_start3A_463 = arith.constant 0 : i32
        %dma_start3A_464 = arith.constant 0 : i32
        %dma_start3A_465 = tpu.memref_slice %arg7[%dma_start3A_455, %dma_start3A_463, %dma_start3A_464] : memref<2x8x128xi32, #tpu.memory_space<vmem>> -> memref<1x8x128xi32, #tpu.memory_space<vmem>>
        %dma_start3A_466 = tpu.memref_squeeze %dma_start3A_465 : memref<1x8x128xi32, #tpu.memory_space<vmem>> -> memref<8x128xi32, #tpu.memory_space<vmem>>
        %dma_start3A_467 = arith.constant 0 : i32
        %dma_start3A_468 = tpu.memref_slice %arg3[%add3A, %mul3A_454, %dma_start3A_467] : memref<32x80x128xi32, #tpu.memory_space<hbm>> -> memref<1x8x128xi32, #tpu.memory_space<hbm>>
        %dma_start3A_469 = tpu.memref_squeeze %dma_start3A_468 : memref<1x8x128xi32, #tpu.memory_space<hbm>> -> memref<8x128xi32, #tpu.memory_space<hbm>>
        tpu.enqueue_dma source(%dma_start3A_469 : memref<8x128xi32, #tpu.memory_space<hbm>>) target(%dma_start3A_466 : memref<8x128xi32, #tpu.memory_space<vmem>>) target_semaphore(%arg14 : memref<!tpu.dma_semaphore, #tpu.memory_space<semaphore_mem>>)
        %mul3A_470 = arith.constant 8 : i32
        %mul3A_471 = arith.muli %add3A_452, %mul3A_470 : i32
        %dma_start3A_472 = arith.constant 0 : i32
        %dma_start3A_473 = arith.constant 0 : i32
        %dma_start3A_474 = arith.constant 0 : i32
        %dma_start3A_475 = tpu.memref_slice %arg8[%dma_start3A_472, %dma_start3A_473, %dma_start3A_474] : memref<2x8x128xi32, #tpu.memory_space<vmem>> -> memref<1x8x128xi32, #tpu.memory_space<vmem>>
        %dma_start3A_476 = tpu.memref_squeeze %dma_start3A_475 : memref<1x8x128xi32, #tpu.memory_space<vmem>> -> memref<8x128xi32, #tpu.memory_space<vmem>>
        %dma_start3A_477 = arith.constant 0 : i32
        %dma_start3A_478 = tpu.memref_slice %arg4[%add3A, %mul3A_471, %dma_start3A_477] : memref<32x80x128xi32, #tpu.memory_space<hbm>> -> memref<1x8x128xi32, #tpu.memory_space<hbm>>
        %dma_start3A_479 = tpu.memref_squeeze %dma_start3A_478 : memref<1x8x128xi32, #tpu.memory_space<hbm>> -> memref<8x128xi32, #tpu.memory_space<hbm>>
        %dma_start3A_480 = arith.constant 0 : i32
        %dma_start3A_481 = arith.constant 0 : i32
        %dma_start3A_482 = tpu.memref_slice %arg8[%dma_start3A_472, %dma_start3A_480, %dma_start3A_481] : memref<2x8x128xi32, #tpu.memory_space<vmem>> -> memref<1x8x128xi32, #tpu.memory_space<vmem>>
        %dma_start3A_483 = tpu.memref_squeeze %dma_start3A_482 : memref<1x8x128xi32, #tpu.memory_space<vmem>> -> memref<8x128xi32, #tpu.memory_space<vmem>>
        %dma_start3A_484 = arith.constant 0 : i32
        %dma_start3A_485 = tpu.memref_slice %arg4[%add3A, %mul3A_471, %dma_start3A_484] : memref<32x80x128xi32, #tpu.memory_space<hbm>> -> memref<1x8x128xi32, #tpu.memory_space<hbm>>
        %dma_start3A_486 = tpu.memref_squeeze %dma_start3A_485 : memref<1x8x128xi32, #tpu.memory_space<hbm>> -> memref<8x128xi32, #tpu.memory_space<hbm>>
        tpu.enqueue_dma source(%dma_start3A_486 : memref<8x128xi32, #tpu.memory_space<hbm>>) target(%dma_start3A_483 : memref<8x128xi32, #tpu.memory_space<vmem>>) target_semaphore(%arg14 : memref<!tpu.dma_semaphore, #tpu.memory_space<semaphore_mem>>)
      } else {
      }
      %dma_start3A_330 = arith.constant 1 : i32
      %dma_start3A_331 = arith.constant 3 : i32
      %dma_start3A_332 = arith.constant 0 : i32
      %dma_start3A_333 = tpu.memref_slice %arg7[%dma_start3A_330, %dma_start3A_331, %dma_start3A_332] : memref<2x8x128xi32, #tpu.memory_space<vmem>> -> memref<1x1x128xi32, #tpu.memory_space<vmem>>
      %dma_start3A_334 = tpu.memref_squeeze %dma_start3A_333 : memref<1x1x128xi32, #tpu.memory_space<vmem>> -> memref<128xi32, #tpu.memory_space<vmem>>
      %dma_start3A_335 = arith.constant 0 : i32
      %dma_start3A_336 = arith.constant 0 : i32
      %dma_start3A_337 = tpu.memref_slice %arg2[%dma_start3A_335, %dma_start3A_336] : memref<10000x128xf32, #tpu.memory_space<hbm>> -> memref<10000x128xf32, #tpu.memory_space<hbm>>
      tpu.enqueue_indirect_dma source(%dma_start3A_337 : memref<10000x128xf32, #tpu.memory_space<hbm>>) target(%arg10 : memref<128x128xf32, #tpu.memory_space<vmem>>) offsets(%dma_start3A_334 : memref<128xi32, #tpu.memory_space<vmem>>) semaphore(%arg13 : memref<!tpu.dma_semaphore, #tpu.memory_space<semaphore_mem>>)
      %dma_wait3A_338 = arith.constant 1 : i32
      %dma_wait3A_339 = arith.constant 2 : i32
      %dma_wait3A_340 = arith.constant 0 : i32
      %dma_wait3A_341 = tpu.memref_slice %arg7[%dma_wait3A_338, %dma_wait3A_339, %dma_wait3A_340] : memref<2x8x128xi32, #tpu.memory_space<vmem>> -> memref<1x1x128xi32, #tpu.memory_space<vmem>>
      %dma_wait3A_342 = tpu.memref_squeeze %dma_wait3A_341 : memref<1x1x128xi32, #tpu.memory_space<vmem>> -> memref<128xi32, #tpu.memory_space<vmem>>
      %dma_wait3A_343 = arith.constant 0 : i32
      %dma_wait3A_344 = arith.constant 0 : i32
      %dma_wait3A_345 = tpu.memref_slice %arg2[%dma_wait3A_343, %dma_wait3A_344] : memref<10000x128xf32, #tpu.memory_space<hbm>> -> memref<10000x128xf32, #tpu.memory_space<hbm>>
      tpu.wait_indirect_dma semaphore(%arg12 : memref<!tpu.dma_semaphore, #tpu.memory_space<semaphore_mem>>) src(%dma_wait3A_345 : memref<10000x128xf32, #tpu.memory_space<hbm>>) dst(%arg9 : memref<128x128xf32, #tpu.memory_space<vmem>>)
      %run_scoped3A_346 = arith.constant 1 : i32
      %run_scoped3A_347 = arith.constant 2 : i32
      "tpu.region"() ({
        %run_scoped3A_451 = tpu.sem_alloc : memref<!tpu.dma_semaphore, #tpu.memory_space<semaphore_mem>>
        %dma_start3A_452 = arith.constant 0 : i32
        %dma_start3A_453 = tpu.memref_slice %arg8[%run_scoped3A_346, %run_scoped3A_347, %dma_start3A_452] : memref<2x8x128xi32, #tpu.memory_space<vmem>> -> memref<1x1x128xi32, #tpu.memory_space<vmem>>
        %dma_start3A_454 = tpu.memref_squeeze %dma_start3A_453 : memref<1x1x128xi32, #tpu.memory_space<vmem>> -> memref<128xi32, #tpu.memory_space<vmem>>
        %dma_start3A_455 = arith.constant 0 : i32
        %dma_start3A_456 = arith.constant 0 : i32
        %dma_start3A_457 = tpu.memref_slice %arg11[%dma_start3A_455, %dma_start3A_456] : memref<10240x128xf32, #tpu.memory_space<vmem_shared>> -> memref<10240x128xf32, #tpu.memory_space<vmem_shared>>
        tpu.enqueue_indirect_dma source(%arg9 : memref<128x128xf32, #tpu.memory_space<vmem>>) target(%dma_start3A_457 : memref<10240x128xf32, #tpu.memory_space<vmem_shared>>) offsets(%dma_start3A_454 : memref<128xi32, #tpu.memory_space<vmem>>) semaphore(%run_scoped3A_451 : memref<!tpu.dma_semaphore, #tpu.memory_space<semaphore_mem>>) {add = true}
        %dma_wait3A_458 = arith.constant 0 : i32
        %dma_wait3A_459 = tpu.memref_slice %arg8[%run_scoped3A_346, %run_scoped3A_347, %dma_wait3A_458] : memref<2x8x128xi32, #tpu.memory_space<vmem>> -> memref<1x1x128xi32, #tpu.memory_space<vmem>>
        %dma_wait3A_460 = tpu.memref_squeeze %dma_wait3A_459 : memref<1x1x128xi32, #tpu.memory_space<vmem>> -> memref<128xi32, #tpu.memory_space<vmem>>
        %dma_wait3A_461 = arith.constant 0 : i32
        %dma_wait3A_462 = arith.constant 0 : i32
        %dma_wait3A_463 = tpu.memref_slice %arg11[%dma_wait3A_461, %dma_wait3A_462] : memref<10240x128xf32, #tpu.memory_space<vmem_shared>> -> memref<10240x128xf32, #tpu.memory_space<vmem_shared>>
        tpu.wait_indirect_dma semaphore(%run_scoped3A_451 : memref<!tpu.dma_semaphore, #tpu.memory_space<semaphore_mem>>) src(%arg9 : memref<128x128xf32, #tpu.memory_space<vmem>>) dst(%dma_wait3A_463 : memref<10240x128xf32, #tpu.memory_space<vmem_shared>>)
        tpu.yield
      }) : () -> ()
      %dma_start3A_348 = arith.constant 1 : i32
      %dma_start3A_349 = arith.constant 4 : i32
      %dma_start3A_350 = arith.constant 0 : i32
      %dma_start3A_351 = tpu.memref_slice %arg7[%dma_start3A_348, %dma_start3A_349, %dma_start3A_350] : memref<2x8x128xi32, #tpu.memory_space<vmem>> -> memref<1x1x128xi32, #tpu.memory_space<vmem>>
      %dma_start3A_352 = tpu.memref_squeeze %dma_start3A_351 : memref<1x1x128xi32, #tpu.memory_space<vmem>> -> memref<128xi32, #tpu.memory_space<vmem>>
      %dma_start3A_353 = arith.constant 0 : i32
      %dma_start3A_354 = arith.constant 0 : i32
      %dma_start3A_355 = tpu.memref_slice %arg2[%dma_start3A_353, %dma_start3A_354] : memref<10000x128xf32, #tpu.memory_space<hbm>> -> memref<10000x128xf32, #tpu.memory_space<hbm>>
      tpu.enqueue_indirect_dma source(%dma_start3A_355 : memref<10000x128xf32, #tpu.memory_space<hbm>>) target(%arg9 : memref<128x128xf32, #tpu.memory_space<vmem>>) offsets(%dma_start3A_352 : memref<128xi32, #tpu.memory_space<vmem>>) semaphore(%arg12 : memref<!tpu.dma_semaphore, #tpu.memory_space<semaphore_mem>>)
      %dma_wait3A_356 = arith.constant 1 : i32
      %dma_wait3A_357 = arith.constant 3 : i32
      %dma_wait3A_358 = arith.constant 0 : i32
      %dma_wait3A_359 = tpu.memref_slice %arg7[%dma_wait3A_356, %dma_wait3A_357, %dma_wait3A_358] : memref<2x8x128xi32, #tpu.memory_space<vmem>> -> memref<1x1x128xi32, #tpu.memory_space<vmem>>
      %dma_wait3A_360 = tpu.memref_squeeze %dma_wait3A_359 : memref<1x1x128xi32, #tpu.memory_space<vmem>> -> memref<128xi32, #tpu.memory_space<vmem>>
      %dma_wait3A_361 = arith.constant 0 : i32
      %dma_wait3A_362 = arith.constant 0 : i32
      %dma_wait3A_363 = tpu.memref_slice %arg2[%dma_wait3A_361, %dma_wait3A_362] : memref<10000x128xf32, #tpu.memory_space<hbm>> -> memref<10000x128xf32, #tpu.memory_space<hbm>>
      tpu.wait_indirect_dma semaphore(%arg13 : memref<!tpu.dma_semaphore, #tpu.memory_space<semaphore_mem>>) src(%dma_wait3A_363 : memref<10000x128xf32, #tpu.memory_space<hbm>>) dst(%arg10 : memref<128x128xf32, #tpu.memory_space<vmem>>)
      %run_scoped3A_364 = arith.constant 1 : i32
      %run_scoped3A_365 = arith.constant 3 : i32
      "tpu.region"() ({
        %run_scoped3A_451 = tpu.sem_alloc : memref<!tpu.dma_semaphore, #tpu.memory_space<semaphore_mem>>
        %dma_start3A_452 = arith.constant 0 : i32
        %dma_start3A_453 = tpu.memref_slice %arg8[%run_scoped3A_364, %run_scoped3A_365, %dma_start3A_452] : memref<2x8x128xi32, #tpu.memory_space<vmem>> -> memref<1x1x128xi32, #tpu.memory_space<vmem>>
        %dma_start3A_454 = tpu.memref_squeeze %dma_start3A_453 : memref<1x1x128xi32, #tpu.memory_space<vmem>> -> memref<128xi32, #tpu.memory_space<vmem>>
        %dma_start3A_455 = arith.constant 0 : i32
        %dma_start3A_456 = arith.constant 0 : i32
        %dma_start3A_457 = tpu.memref_slice %arg11[%dma_start3A_455, %dma_start3A_456] : memref<10240x128xf32, #tpu.memory_space<vmem_shared>> -> memref<10240x128xf32, #tpu.memory_space<vmem_shared>>
        tpu.enqueue_indirect_dma source(%arg10 : memref<128x128xf32, #tpu.memory_space<vmem>>) target(%dma_start3A_457 : memref<10240x128xf32, #tpu.memory_space<vmem_shared>>) offsets(%dma_start3A_454 : memref<128xi32, #tpu.memory_space<vmem>>) semaphore(%run_scoped3A_451 : memref<!tpu.dma_semaphore, #tpu.memory_space<semaphore_mem>>) {add = true}
        %dma_wait3A_458 = arith.constant 0 : i32
        %dma_wait3A_459 = tpu.memref_slice %arg8[%run_scoped3A_364, %run_scoped3A_365, %dma_wait3A_458] : memref<2x8x128xi32, #tpu.memory_space<vmem>> -> memref<1x1x128xi32, #tpu.memory_space<vmem>>
        %dma_wait3A_460 = tpu.memref_squeeze %dma_wait3A_459 : memref<1x1x128xi32, #tpu.memory_space<vmem>> -> memref<128xi32, #tpu.memory_space<vmem>>
        %dma_wait3A_461 = arith.constant 0 : i32
        %dma_wait3A_462 = arith.constant 0 : i32
        %dma_wait3A_463 = tpu.memref_slice %arg11[%dma_wait3A_461, %dma_wait3A_462] : memref<10240x128xf32, #tpu.memory_space<vmem_shared>> -> memref<10240x128xf32, #tpu.memory_space<vmem_shared>>
        tpu.wait_indirect_dma semaphore(%run_scoped3A_451 : memref<!tpu.dma_semaphore, #tpu.memory_space<semaphore_mem>>) src(%arg10 : memref<128x128xf32, #tpu.memory_space<vmem>>) dst(%dma_wait3A_463 : memref<10240x128xf32, #tpu.memory_space<vmem_shared>>)
        tpu.yield
      }) : () -> ()
      %dma_start3A_366 = arith.constant 1 : i32
      %dma_start3A_367 = arith.constant 5 : i32
      %dma_start3A_368 = arith.constant 0 : i32
      %dma_start3A_369 = tpu.memref_slice %arg7[%dma_start3A_366, %dma_start3A_367, %dma_start3A_368] : memref<2x8x128xi32, #tpu.memory_space<vmem>> -> memref<1x1x128xi32, #tpu.memory_space<vmem>>
      %dma_start3A_370 = tpu.memref_squeeze %dma_start3A_369 : memref<1x1x128xi32, #tpu.memory_space<vmem>> -> memref<128xi32, #tpu.memory_space<vmem>>
      %dma_start3A_371 = arith.constant 0 : i32
      %dma_start3A_372 = arith.constant 0 : i32
      %dma_start3A_373 = tpu.memref_slice %arg2[%dma_start3A_371, %dma_start3A_372] : memref<10000x128xf32, #tpu.memory_space<hbm>> -> memref<10000x128xf32, #tpu.memory_space<hbm>>
      tpu.enqueue_indirect_dma source(%dma_start3A_373 : memref<10000x128xf32, #tpu.memory_space<hbm>>) target(%arg10 : memref<128x128xf32, #tpu.memory_space<vmem>>) offsets(%dma_start3A_370 : memref<128xi32, #tpu.memory_space<vmem>>) semaphore(%arg13 : memref<!tpu.dma_semaphore, #tpu.memory_space<semaphore_mem>>)
      %dma_wait3A_374 = arith.constant 1 : i32
      %dma_wait3A_375 = arith.constant 4 : i32
      %dma_wait3A_376 = arith.constant 0 : i32
      %dma_wait3A_377 = tpu.memref_slice %arg7[%dma_wait3A_374, %dma_wait3A_375, %dma_wait3A_376] : memref<2x8x128xi32, #tpu.memory_space<vmem>> -> memref<1x1x128xi32, #tpu.memory_space<vmem>>
      %dma_wait3A_378 = tpu.memref_squeeze %dma_wait3A_377 : memref<1x1x128xi32, #tpu.memory_space<vmem>> -> memref<128xi32, #tpu.memory_space<vmem>>
      %dma_wait3A_379 = arith.constant 0 : i32
      %dma_wait3A_380 = arith.constant 0 : i32
      %dma_wait3A_381 = tpu.memref_slice %arg2[%dma_wait3A_379, %dma_wait3A_380] : memref<10000x128xf32, #tpu.memory_space<hbm>> -> memref<10000x128xf32, #tpu.memory_space<hbm>>
      tpu.wait_indirect_dma semaphore(%arg12 : memref<!tpu.dma_semaphore, #tpu.memory_space<semaphore_mem>>) src(%dma_wait3A_381 : memref<10000x128xf32, #tpu.memory_space<hbm>>) dst(%arg9 : memref<128x128xf32, #tpu.memory_space<vmem>>)
      %run_scoped3A_382 = arith.constant 1 : i32
      %run_scoped3A_383 = arith.constant 4 : i32
      "tpu.region"() ({
        %run_scoped3A_451 = tpu.sem_alloc : memref<!tpu.dma_semaphore, #tpu.memory_space<semaphore_mem>>
        %dma_start3A_452 = arith.constant 0 : i32
        %dma_start3A_453 = tpu.memref_slice %arg8[%run_scoped3A_382, %run_scoped3A_383, %dma_start3A_452] : memref<2x8x128xi32, #tpu.memory_space<vmem>> -> memref<1x1x128xi32, #tpu.memory_space<vmem>>
        %dma_start3A_454 = tpu.memref_squeeze %dma_start3A_453 : memref<1x1x128xi32, #tpu.memory_space<vmem>> -> memref<128xi32, #tpu.memory_space<vmem>>
        %dma_start3A_455 = arith.constant 0 : i32
        %dma_start3A_456 = arith.constant 0 : i32
        %dma_start3A_457 = tpu.memref_slice %arg11[%dma_start3A_455, %dma_start3A_456] : memref<10240x128xf32, #tpu.memory_space<vmem_shared>> -> memref<10240x128xf32, #tpu.memory_space<vmem_shared>>
        tpu.enqueue_indirect_dma source(%arg9 : memref<128x128xf32, #tpu.memory_space<vmem>>) target(%dma_start3A_457 : memref<10240x128xf32, #tpu.memory_space<vmem_shared>>) offsets(%dma_start3A_454 : memref<128xi32, #tpu.memory_space<vmem>>) semaphore(%run_scoped3A_451 : memref<!tpu.dma_semaphore, #tpu.memory_space<semaphore_mem>>) {add = true}
        %dma_wait3A_458 = arith.constant 0 : i32
        %dma_wait3A_459 = tpu.memref_slice %arg8[%run_scoped3A_382, %run_scoped3A_383, %dma_wait3A_458] : memref<2x8x128xi32, #tpu.memory_space<vmem>> -> memref<1x1x128xi32, #tpu.memory_space<vmem>>
        %dma_wait3A_460 = tpu.memref_squeeze %dma_wait3A_459 : memref<1x1x128xi32, #tpu.memory_space<vmem>> -> memref<128xi32, #tpu.memory_space<vmem>>
        %dma_wait3A_461 = arith.constant 0 : i32
        %dma_wait3A_462 = arith.constant 0 : i32
        %dma_wait3A_463 = tpu.memref_slice %arg11[%dma_wait3A_461, %dma_wait3A_462] : memref<10240x128xf32, #tpu.memory_space<vmem_shared>> -> memref<10240x128xf32, #tpu.memory_space<vmem_shared>>
        tpu.wait_indirect_dma semaphore(%run_scoped3A_451 : memref<!tpu.dma_semaphore, #tpu.memory_space<semaphore_mem>>) src(%arg9 : memref<128x128xf32, #tpu.memory_space<vmem>>) dst(%dma_wait3A_463 : memref<10240x128xf32, #tpu.memory_space<vmem_shared>>)
        tpu.yield
      }) : () -> ()
      %dma_start3A_384 = arith.constant 1 : i32
      %dma_start3A_385 = arith.constant 6 : i32
      %dma_start3A_386 = arith.constant 0 : i32
      %dma_start3A_387 = tpu.memref_slice %arg7[%dma_start3A_384, %dma_start3A_385, %dma_start3A_386] : memref<2x8x128xi32, #tpu.memory_space<vmem>> -> memref<1x1x128xi32, #tpu.memory_space<vmem>>
      %dma_start3A_388 = tpu.memref_squeeze %dma_start3A_387 : memref<1x1x128xi32, #tpu.memory_space<vmem>> -> memref<128xi32, #tpu.memory_space<vmem>>
      %dma_start3A_389 = arith.constant 0 : i32
      %dma_start3A_390 = arith.constant 0 : i32
      %dma_start3A_391 = tpu.memref_slice %arg2[%dma_start3A_389, %dma_start3A_390] : memref<10000x128xf32, #tpu.memory_space<hbm>> -> memref<10000x128xf32, #tpu.memory_space<hbm>>
      tpu.enqueue_indirect_dma source(%dma_start3A_391 : memref<10000x128xf32, #tpu.memory_space<hbm>>) target(%arg9 : memref<128x128xf32, #tpu.memory_space<vmem>>) offsets(%dma_start3A_388 : memref<128xi32, #tpu.memory_space<vmem>>) semaphore(%arg12 : memref<!tpu.dma_semaphore, #tpu.memory_space<semaphore_mem>>)
      %dma_wait3A_392 = arith.constant 1 : i32
      %dma_wait3A_393 = arith.constant 5 : i32
      %dma_wait3A_394 = arith.constant 0 : i32
      %dma_wait3A_395 = tpu.memref_slice %arg7[%dma_wait3A_392, %dma_wait3A_393, %dma_wait3A_394] : memref<2x8x128xi32, #tpu.memory_space<vmem>> -> memref<1x1x128xi32, #tpu.memory_space<vmem>>
      %dma_wait3A_396 = tpu.memref_squeeze %dma_wait3A_395 : memref<1x1x128xi32, #tpu.memory_space<vmem>> -> memref<128xi32, #tpu.memory_space<vmem>>
      %dma_wait3A_397 = arith.constant 0 : i32
      %dma_wait3A_398 = arith.constant 0 : i32
      %dma_wait3A_399 = tpu.memref_slice %arg2[%dma_wait3A_397, %dma_wait3A_398] : memref<10000x128xf32, #tpu.memory_space<hbm>> -> memref<10000x128xf32, #tpu.memory_space<hbm>>
      tpu.wait_indirect_dma semaphore(%arg13 : memref<!tpu.dma_semaphore, #tpu.memory_space<semaphore_mem>>) src(%dma_wait3A_399 : memref<10000x128xf32, #tpu.memory_space<hbm>>) dst(%arg10 : memref<128x128xf32, #tpu.memory_space<vmem>>)
      %run_scoped3A_400 = arith.constant 1 : i32
      %run_scoped3A_401 = arith.constant 5 : i32
      "tpu.region"() ({
        %run_scoped3A_451 = tpu.sem_alloc : memref<!tpu.dma_semaphore, #tpu.memory_space<semaphore_mem>>
        %dma_start3A_452 = arith.constant 0 : i32
        %dma_start3A_453 = tpu.memref_slice %arg8[%run_scoped3A_400, %run_scoped3A_401, %dma_start3A_452] : memref<2x8x128xi32, #tpu.memory_space<vmem>> -> memref<1x1x128xi32, #tpu.memory_space<vmem>>
        %dma_start3A_454 = tpu.memref_squeeze %dma_start3A_453 : memref<1x1x128xi32, #tpu.memory_space<vmem>> -> memref<128xi32, #tpu.memory_space<vmem>>
        %dma_start3A_455 = arith.constant 0 : i32
        %dma_start3A_456 = arith.constant 0 : i32
        %dma_start3A_457 = tpu.memref_slice %arg11[%dma_start3A_455, %dma_start3A_456] : memref<10240x128xf32, #tpu.memory_space<vmem_shared>> -> memref<10240x128xf32, #tpu.memory_space<vmem_shared>>
        tpu.enqueue_indirect_dma source(%arg10 : memref<128x128xf32, #tpu.memory_space<vmem>>) target(%dma_start3A_457 : memref<10240x128xf32, #tpu.memory_space<vmem_shared>>) offsets(%dma_start3A_454 : memref<128xi32, #tpu.memory_space<vmem>>) semaphore(%run_scoped3A_451 : memref<!tpu.dma_semaphore, #tpu.memory_space<semaphore_mem>>) {add = true}
        %dma_wait3A_458 = arith.constant 0 : i32
        %dma_wait3A_459 = tpu.memref_slice %arg8[%run_scoped3A_400, %run_scoped3A_401, %dma_wait3A_458] : memref<2x8x128xi32, #tpu.memory_space<vmem>> -> memref<1x1x128xi32, #tpu.memory_space<vmem>>
        %dma_wait3A_460 = tpu.memref_squeeze %dma_wait3A_459 : memref<1x1x128xi32, #tpu.memory_space<vmem>> -> memref<128xi32, #tpu.memory_space<vmem>>
        %dma_wait3A_461 = arith.constant 0 : i32
        %dma_wait3A_462 = arith.constant 0 : i32
        %dma_wait3A_463 = tpu.memref_slice %arg11[%dma_wait3A_461, %dma_wait3A_462] : memref<10240x128xf32, #tpu.memory_space<vmem_shared>> -> memref<10240x128xf32, #tpu.memory_space<vmem_shared>>
        tpu.wait_indirect_dma semaphore(%run_scoped3A_451 : memref<!tpu.dma_semaphore, #tpu.memory_space<semaphore_mem>>) src(%arg10 : memref<128x128xf32, #tpu.memory_space<vmem>>) dst(%dma_wait3A_463 : memref<10240x128xf32, #tpu.memory_space<vmem_shared>>)
        tpu.yield
      }) : () -> ()
      %dma_start3A_402 = arith.constant 1 : i32
      %dma_start3A_403 = arith.constant 7 : i32
      %dma_start3A_404 = arith.constant 0 : i32
      %dma_start3A_405 = tpu.memref_slice %arg7[%dma_start3A_402, %dma_start3A_403, %dma_start3A_404] : memref<2x8x128xi32, #tpu.memory_space<vmem>> -> memref<1x1x128xi32, #tpu.memory_space<vmem>>
      %dma_start3A_406 = tpu.memref_squeeze %dma_start3A_405 : memref<1x1x128xi32, #tpu.memory_space<vmem>> -> memref<128xi32, #tpu.memory_space<vmem>>
      %dma_start3A_407 = arith.constant 0 : i32
      %dma_start3A_408 = arith.constant 0 : i32
      %dma_start3A_409 = tpu.memref_slice %arg2[%dma_start3A_407, %dma_start3A_408] : memref<10000x128xf32, #tpu.memory_space<hbm>> -> memref<10000x128xf32, #tpu.memory_space<hbm>>
      tpu.enqueue_indirect_dma source(%dma_start3A_409 : memref<10000x128xf32, #tpu.memory_space<hbm>>) target(%arg10 : memref<128x128xf32, #tpu.memory_space<vmem>>) offsets(%dma_start3A_406 : memref<128xi32, #tpu.memory_space<vmem>>) semaphore(%arg13 : memref<!tpu.dma_semaphore, #tpu.memory_space<semaphore_mem>>)
      %dma_wait3A_410 = arith.constant 1 : i32
      %dma_wait3A_411 = arith.constant 6 : i32
      %dma_wait3A_412 = arith.constant 0 : i32
      %dma_wait3A_413 = tpu.memref_slice %arg7[%dma_wait3A_410, %dma_wait3A_411, %dma_wait3A_412] : memref<2x8x128xi32, #tpu.memory_space<vmem>> -> memref<1x1x128xi32, #tpu.memory_space<vmem>>
      %dma_wait3A_414 = tpu.memref_squeeze %dma_wait3A_413 : memref<1x1x128xi32, #tpu.memory_space<vmem>> -> memref<128xi32, #tpu.memory_space<vmem>>
      %dma_wait3A_415 = arith.constant 0 : i32
      %dma_wait3A_416 = arith.constant 0 : i32
      %dma_wait3A_417 = tpu.memref_slice %arg2[%dma_wait3A_415, %dma_wait3A_416] : memref<10000x128xf32, #tpu.memory_space<hbm>> -> memref<10000x128xf32, #tpu.memory_space<hbm>>
      tpu.wait_indirect_dma semaphore(%arg12 : memref<!tpu.dma_semaphore, #tpu.memory_space<semaphore_mem>>) src(%dma_wait3A_417 : memref<10000x128xf32, #tpu.memory_space<hbm>>) dst(%arg9 : memref<128x128xf32, #tpu.memory_space<vmem>>)
      %run_scoped3A_418 = arith.constant 1 : i32
      %run_scoped3A_419 = arith.constant 6 : i32
      "tpu.region"() ({
        %run_scoped3A_451 = tpu.sem_alloc : memref<!tpu.dma_semaphore, #tpu.memory_space<semaphore_mem>>
        %dma_start3A_452 = arith.constant 0 : i32
        %dma_start3A_453 = tpu.memref_slice %arg8[%run_scoped3A_418, %run_scoped3A_419, %dma_start3A_452] : memref<2x8x128xi32, #tpu.memory_space<vmem>> -> memref<1x1x128xi32, #tpu.memory_space<vmem>>
        %dma_start3A_454 = tpu.memref_squeeze %dma_start3A_453 : memref<1x1x128xi32, #tpu.memory_space<vmem>> -> memref<128xi32, #tpu.memory_space<vmem>>
        %dma_start3A_455 = arith.constant 0 : i32
        %dma_start3A_456 = arith.constant 0 : i32
        %dma_start3A_457 = tpu.memref_slice %arg11[%dma_start3A_455, %dma_start3A_456] : memref<10240x128xf32, #tpu.memory_space<vmem_shared>> -> memref<10240x128xf32, #tpu.memory_space<vmem_shared>>
        tpu.enqueue_indirect_dma source(%arg9 : memref<128x128xf32, #tpu.memory_space<vmem>>) target(%dma_start3A_457 : memref<10240x128xf32, #tpu.memory_space<vmem_shared>>) offsets(%dma_start3A_454 : memref<128xi32, #tpu.memory_space<vmem>>) semaphore(%run_scoped3A_451 : memref<!tpu.dma_semaphore, #tpu.memory_space<semaphore_mem>>) {add = true}
        %dma_wait3A_458 = arith.constant 0 : i32
        %dma_wait3A_459 = tpu.memref_slice %arg8[%run_scoped3A_418, %run_scoped3A_419, %dma_wait3A_458] : memref<2x8x128xi32, #tpu.memory_space<vmem>> -> memref<1x1x128xi32, #tpu.memory_space<vmem>>
        %dma_wait3A_460 = tpu.memref_squeeze %dma_wait3A_459 : memref<1x1x128xi32, #tpu.memory_space<vmem>> -> memref<128xi32, #tpu.memory_space<vmem>>
        %dma_wait3A_461 = arith.constant 0 : i32
        %dma_wait3A_462 = arith.constant 0 : i32
        %dma_wait3A_463 = tpu.memref_slice %arg11[%dma_wait3A_461, %dma_wait3A_462] : memref<10240x128xf32, #tpu.memory_space<vmem_shared>> -> memref<10240x128xf32, #tpu.memory_space<vmem_shared>>
        tpu.wait_indirect_dma semaphore(%run_scoped3A_451 : memref<!tpu.dma_semaphore, #tpu.memory_space<semaphore_mem>>) src(%arg9 : memref<128x128xf32, #tpu.memory_space<vmem>>) dst(%dma_wait3A_463 : memref<10240x128xf32, #tpu.memory_space<vmem_shared>>)
        tpu.yield
      }) : () -> ()
      %add3A_420 = arith.constant 1 : i32
      %add3A_421 = arith.addi %add3A_291, %add3A_420 : i32
      %lt3A_422 = arith.constant 10 : i32
      %lt3A_423 = arith.cmpi slt, %add3A_421, %lt3A_422 : i32
      %convert_element_type3A_424 = arith.extui %lt3A_423 : i1 to i32
      %cond3A_425 = arith.constant 0 : i32
      %cond3A_426 = arith.cmpi ne, %convert_element_type3A_424, %cond3A_425 : i32
      scf.if %cond3A_426 {
        %dma_wait3A_451 = arith.constant 0 : i32
        %dma_wait3A_452 = arith.constant 0 : i32
        %dma_wait3A_453 = arith.constant 0 : i32
        %dma_wait3A_454 = tpu.memref_slice %arg7[%dma_wait3A_451, %dma_wait3A_452, %dma_wait3A_453] : memref<2x8x128xi32, #tpu.memory_space<vmem>> -> memref<1x8x128xi32, #tpu.memory_space<vmem>>
        %dma_wait3A_455 = tpu.memref_squeeze %dma_wait3A_454 : memref<1x8x128xi32, #tpu.memory_space<vmem>> -> memref<8x128xi32, #tpu.memory_space<vmem>>
        %dma_wait3A_456 = arith.constant 0 : i32
        %dma_wait3A_457 = arith.constant 0 : i32
        %dma_wait3A_458 = tpu.memref_slice %arg3[%add3A, %dma_wait3A_456, %dma_wait3A_457] : memref<32x80x128xi32, #tpu.memory_space<hbm>> -> memref<1x8x128xi32, #tpu.memory_space<hbm>>
        %dma_wait3A_459 = tpu.memref_squeeze %dma_wait3A_458 : memref<1x8x128xi32, #tpu.memory_space<hbm>> -> memref<8x128xi32, #tpu.memory_space<hbm>>
        %dma_wait3A_460 = arith.constant 0 : i32
        %dma_wait3A_461 = arith.constant 0 : i32
        %dma_wait3A_462 = tpu.memref_slice %arg7[%dma_wait3A_451, %dma_wait3A_460, %dma_wait3A_461] : memref<2x8x128xi32, #tpu.memory_space<vmem>> -> memref<1x8x128xi32, #tpu.memory_space<vmem>>
        %dma_wait3A_463 = tpu.memref_squeeze %dma_wait3A_462 : memref<1x8x128xi32, #tpu.memory_space<vmem>> -> memref<8x128xi32, #tpu.memory_space<vmem>>
        %dma_wait3A_464 = arith.constant 0 : i32
        %dma_wait3A_465 = arith.constant 0 : i32
        %dma_wait3A_466 = tpu.memref_slice %arg3[%add3A, %dma_wait3A_464, %dma_wait3A_465] : memref<32x80x128xi32, #tpu.memory_space<hbm>> -> memref<1x8x128xi32, #tpu.memory_space<hbm>>
        %dma_wait3A_467 = tpu.memref_squeeze %dma_wait3A_466 : memref<1x8x128xi32, #tpu.memory_space<hbm>> -> memref<8x128xi32, #tpu.memory_space<hbm>>
        tpu.wait_dma2 semaphore(%arg14 : memref<!tpu.dma_semaphore, #tpu.memory_space<semaphore_mem>>) src(%dma_wait3A_467 : memref<8x128xi32, #tpu.memory_space<hbm>>) dst(%dma_wait3A_463 : memref<8x128xi32, #tpu.memory_space<vmem>>)
        %dma_wait3A_468 = arith.constant 0 : i32
        %dma_wait3A_469 = arith.constant 0 : i32
        %dma_wait3A_470 = arith.constant 0 : i32
        %dma_wait3A_471 = tpu.memref_slice %arg8[%dma_wait3A_468, %dma_wait3A_469, %dma_wait3A_470] : memref<2x8x128xi32, #tpu.memory_space<vmem>> -> memref<1x8x128xi32, #tpu.memory_space<vmem>>
        %dma_wait3A_472 = tpu.memref_squeeze %dma_wait3A_471 : memref<1x8x128xi32, #tpu.memory_space<vmem>> -> memref<8x128xi32, #tpu.memory_space<vmem>>
        %dma_wait3A_473 = arith.constant 0 : i32
        %dma_wait3A_474 = arith.constant 0 : i32
        %dma_wait3A_475 = tpu.memref_slice %arg4[%add3A, %dma_wait3A_473, %dma_wait3A_474] : memref<32x80x128xi32, #tpu.memory_space<hbm>> -> memref<1x8x128xi32, #tpu.memory_space<hbm>>
        %dma_wait3A_476 = tpu.memref_squeeze %dma_wait3A_475 : memref<1x8x128xi32, #tpu.memory_space<hbm>> -> memref<8x128xi32, #tpu.memory_space<hbm>>
        %dma_wait3A_477 = arith.constant 0 : i32
        %dma_wait3A_478 = arith.constant 0 : i32
        %dma_wait3A_479 = tpu.memref_slice %arg8[%dma_wait3A_468, %dma_wait3A_477, %dma_wait3A_478] : memref<2x8x128xi32, #tpu.memory_space<vmem>> -> memref<1x8x128xi32, #tpu.memory_space<vmem>>
        %dma_wait3A_480 = tpu.memref_squeeze %dma_wait3A_479 : memref<1x8x128xi32, #tpu.memory_space<vmem>> -> memref<8x128xi32, #tpu.memory_space<vmem>>
        %dma_wait3A_481 = arith.constant 0 : i32
        %dma_wait3A_482 = arith.constant 0 : i32
        %dma_wait3A_483 = tpu.memref_slice %arg4[%add3A, %dma_wait3A_481, %dma_wait3A_482] : memref<32x80x128xi32, #tpu.memory_space<hbm>> -> memref<1x8x128xi32, #tpu.memory_space<hbm>>
        %dma_wait3A_484 = tpu.memref_squeeze %dma_wait3A_483 : memref<1x8x128xi32, #tpu.memory_space<hbm>> -> memref<8x128xi32, #tpu.memory_space<hbm>>
        tpu.wait_dma2 semaphore(%arg14 : memref<!tpu.dma_semaphore, #tpu.memory_space<semaphore_mem>>) src(%dma_wait3A_484 : memref<8x128xi32, #tpu.memory_space<hbm>>) dst(%dma_wait3A_480 : memref<8x128xi32, #tpu.memory_space<vmem>>)
      } else {
      }
      %add3A_427 = arith.constant 1 : i32
      %add3A_428 = arith.addi %add3A_291, %add3A_427 : i32
      %lt3A_429 = arith.constant 10 : i32
      %lt3A_430 = arith.cmpi slt, %add3A_428, %lt3A_429 : i32
      %convert_element_type3A_431 = arith.extui %lt3A_430 : i1 to i32
      %cond3A_432 = arith.constant 0 : i32
      %cond3A_433 = arith.cmpi ne, %convert_element_type3A_431, %cond3A_432 : i32
      scf.if %cond3A_433 {
        %dma_start3A_451 = arith.constant 0 : i32
        %dma_start3A_452 = arith.constant 0 : i32
        %dma_start3A_453 = arith.constant 0 : i32
        %dma_start3A_454 = tpu.memref_slice %arg7[%dma_start3A_451, %dma_start3A_452, %dma_start3A_453] : memref<2x8x128xi32, #tpu.memory_space<vmem>> -> memref<1x1x128xi32, #tpu.memory_space<vmem>>
        %dma_start3A_455 = tpu.memref_squeeze %dma_start3A_454 : memref<1x1x128xi32, #tpu.memory_space<vmem>> -> memref<128xi32, #tpu.memory_space<vmem>>
        %dma_start3A_456 = arith.constant 0 : i32
        %dma_start3A_457 = arith.constant 0 : i32
        %dma_start3A_458 = tpu.memref_slice %arg2[%dma_start3A_456, %dma_start3A_457] : memref<10000x128xf32, #tpu.memory_space<hbm>> -> memref<10000x128xf32, #tpu.memory_space<hbm>>
        tpu.enqueue_indirect_dma source(%dma_start3A_458 : memref<10000x128xf32, #tpu.memory_space<hbm>>) target(%arg9 : memref<128x128xf32, #tpu.memory_space<vmem>>) offsets(%dma_start3A_455 : memref<128xi32, #tpu.memory_space<vmem>>) semaphore(%arg12 : memref<!tpu.dma_semaphore, #tpu.memory_space<semaphore_mem>>)
      } else {
      }
      %dma_wait3A_434 = arith.constant 1 : i32
      %dma_wait3A_435 = arith.constant 7 : i32
      %dma_wait3A_436 = arith.constant 0 : i32
      %dma_wait3A_437 = tpu.memref_slice %arg7[%dma_wait3A_434, %dma_wait3A_435, %dma_wait3A_436] : memref<2x8x128xi32, #tpu.memory_space<vmem>> -> memref<1x1x128xi32, #tpu.memory_space<vmem>>
      %dma_wait3A_438 = tpu.memref_squeeze %dma_wait3A_437 : memref<1x1x128xi32, #tpu.memory_space<vmem>> -> memref<128xi32, #tpu.memory_space<vmem>>
      %dma_wait3A_439 = arith.constant 0 : i32
      %dma_wait3A_440 = arith.constant 0 : i32
      %dma_wait3A_441 = tpu.memref_slice %arg2[%dma_wait3A_439, %dma_wait3A_440] : memref<10000x128xf32, #tpu.memory_space<hbm>> -> memref<10000x128xf32, #tpu.memory_space<hbm>>
      tpu.wait_indirect_dma semaphore(%arg13 : memref<!tpu.dma_semaphore, #tpu.memory_space<semaphore_mem>>) src(%dma_wait3A_441 : memref<10000x128xf32, #tpu.memory_space<hbm>>) dst(%arg10 : memref<128x128xf32, #tpu.memory_space<vmem>>)
      %run_scoped3A_442 = arith.constant 1 : i32
      %run_scoped3A_443 = arith.constant 7 : i32
      "tpu.region"() ({
        %run_scoped3A_451 = tpu.sem_alloc : memref<!tpu.dma_semaphore, #tpu.memory_space<semaphore_mem>>
        %dma_start3A_452 = arith.constant 0 : i32
        %dma_start3A_453 = tpu.memref_slice %arg8[%run_scoped3A_442, %run_scoped3A_443, %dma_start3A_452] : memref<2x8x128xi32, #tpu.memory_space<vmem>> -> memref<1x1x128xi32, #tpu.memory_space<vmem>>
        %dma_start3A_454 = tpu.memref_squeeze %dma_start3A_453 : memref<1x1x128xi32, #tpu.memory_space<vmem>> -> memref<128xi32, #tpu.memory_space<vmem>>
        %dma_start3A_455 = arith.constant 0 : i32
        %dma_start3A_456 = arith.constant 0 : i32
        %dma_start3A_457 = tpu.memref_slice %arg11[%dma_start3A_455, %dma_start3A_456] : memref<10240x128xf32, #tpu.memory_space<vmem_shared>> -> memref<10240x128xf32, #tpu.memory_space<vmem_shared>>
        tpu.enqueue_indirect_dma source(%arg10 : memref<128x128xf32, #tpu.memory_space<vmem>>) target(%dma_start3A_457 : memref<10240x128xf32, #tpu.memory_space<vmem_shared>>) offsets(%dma_start3A_454 : memref<128xi32, #tpu.memory_space<vmem>>) semaphore(%run_scoped3A_451 : memref<!tpu.dma_semaphore, #tpu.memory_space<semaphore_mem>>) {add = true}
        %dma_wait3A_458 = arith.constant 0 : i32
        %dma_wait3A_459 = tpu.memref_slice %arg8[%run_scoped3A_442, %run_scoped3A_443, %dma_wait3A_458] : memref<2x8x128xi32, #tpu.memory_space<vmem>> -> memref<1x1x128xi32, #tpu.memory_space<vmem>>
        %dma_wait3A_460 = tpu.memref_squeeze %dma_wait3A_459 : memref<1x1x128xi32, #tpu.memory_space<vmem>> -> memref<128xi32, #tpu.memory_space<vmem>>
        %dma_wait3A_461 = arith.constant 0 : i32
        %dma_wait3A_462 = arith.constant 0 : i32
        %dma_wait3A_463 = tpu.memref_slice %arg11[%dma_wait3A_461, %dma_wait3A_462] : memref<10240x128xf32, #tpu.memory_space<vmem_shared>> -> memref<10240x128xf32, #tpu.memory_space<vmem_shared>>
        tpu.wait_indirect_dma semaphore(%run_scoped3A_451 : memref<!tpu.dma_semaphore, #tpu.memory_space<semaphore_mem>>) src(%arg10 : memref<128x128xf32, #tpu.memory_space<vmem>>) dst(%dma_wait3A_463 : memref<10240x128xf32, #tpu.memory_space<vmem_shared>>)
        tpu.yield
      }) : () -> ()
      %add3A_444 = arith.constant 1 : i32
      %add3A_445 = arith.addi %add3A_291, %add3A_444 : i32
      %lt3A_446 = arith.constant 10 : i32
      %lt3A_447 = arith.cmpi slt, %add3A_445, %lt3A_446 : i32
      %convert_element_type3A_448 = arith.extui %lt3A_447 : i1 to i32
      %cond3A_449 = arith.constant 0 : i32
      %cond3A_450 = arith.cmpi ne, %convert_element_type3A_448, %cond3A_449 : i32
      scf.if %cond3A_450 {
        %dma_start3A_451 = arith.constant 0 : i32
        %dma_start3A_452 = arith.constant 1 : i32
        %dma_start3A_453 = arith.constant 0 : i32
        %dma_start3A_454 = tpu.memref_slice %arg7[%dma_start3A_451, %dma_start3A_452, %dma_start3A_453] : memref<2x8x128xi32, #tpu.memory_space<vmem>> -> memref<1x1x128xi32, #tpu.memory_space<vmem>>
        %dma_start3A_455 = tpu.memref_squeeze %dma_start3A_454 : memref<1x1x128xi32, #tpu.memory_space<vmem>> -> memref<128xi32, #tpu.memory_space<vmem>>
        %dma_start3A_456 = arith.constant 0 : i32
        %dma_start3A_457 = arith.constant 0 : i32
        %dma_start3A_458 = tpu.memref_slice %arg2[%dma_start3A_456, %dma_start3A_457] : memref<10000x128xf32, #tpu.memory_space<hbm>> -> memref<10000x128xf32, #tpu.memory_space<hbm>>
        tpu.enqueue_indirect_dma source(%dma_start3A_458 : memref<10000x128xf32, #tpu.memory_space<hbm>>) target(%arg10 : memref<128x128xf32, #tpu.memory_space<vmem>>) offsets(%dma_start3A_455 : memref<128xi32, #tpu.memory_space<vmem>>) semaphore(%arg13 : memref<!tpu.dma_semaphore, #tpu.memory_space<semaphore_mem>>)
      } else {
      }
    }
    %scan3A_123 = arith.constant 5 : i32
    %barrier3A_124 = arith.constant 0 : index
    tpu.barrier barrier_id(%barrier3A_124)
    %mul3A_125 = arith.constant 640 : i32
    %mul3A_126 = arith.muli %arg1, %mul3A_125 : i32
    %mul3A_127 = arith.constant 10240 : i32
    %mul3A_128 = arith.muli %arg0, %mul3A_127 : i32
    %mul3A_129 = arith.constant 640 : i32
    %mul3A_130 = arith.muli %arg1, %mul3A_129 : i32
    %add3A_131 = arith.addi %mul3A_128, %mul3A_130 : i32
    "tpu.region"() ({
      %run_scoped3A = tpu.sem_alloc : memref<!tpu.dma_semaphore, #tpu.memory_space<semaphore_mem>>
      %dma_start3A_132 = arith.constant 0 : i32
      %dma_start3A_133 = tpu.memref_slice %arg6[%add3A_131, %dma_start3A_132] : memref<20480x128xf32, #tpu.memory_space<hbm>> -> memref<640x128xf32, #tpu.memory_space<hbm>>
      %dma_start3A_134 = arith.constant 0 : i32
      %dma_start3A_135 = tpu.memref_slice %arg11[%mul3A_126, %dma_start3A_134] : memref<10240x128xf32, #tpu.memory_space<vmem_shared>> -> memref<640x128xf32, #tpu.memory_space<vmem_shared>>
      tpu.enqueue_dma source(%dma_start3A_135 : memref<640x128xf32, #tpu.memory_space<vmem_shared>>) target(%dma_start3A_133 : memref<640x128xf32, #tpu.memory_space<hbm>>) target_semaphore(%run_scoped3A : memref<!tpu.dma_semaphore, #tpu.memory_space<semaphore_mem>>)
      %dma_wait3A_136 = arith.constant 0 : i32
      %dma_wait3A_137 = tpu.memref_slice %arg6[%add3A_131, %dma_wait3A_136] : memref<20480x128xf32, #tpu.memory_space<hbm>> -> memref<640x128xf32, #tpu.memory_space<hbm>>
      %dma_wait3A_138 = arith.constant 0 : i32
      %dma_wait3A_139 = tpu.memref_slice %arg11[%mul3A_126, %dma_wait3A_138] : memref<10240x128xf32, #tpu.memory_space<vmem_shared>> -> memref<640x128xf32, #tpu.memory_space<vmem_shared>>
      tpu.wait_dma2 semaphore(%run_scoped3A : memref<!tpu.dma_semaphore, #tpu.memory_space<semaphore_mem>>) src(%dma_wait3A_139 : memref<640x128xf32, #tpu.memory_space<vmem_shared>>) dst(%dma_wait3A_137 : memref<640x128xf32, #tpu.memory_space<hbm>>)
      tpu.yield
    }) : () -> ()
    return
  }
}

#map = affine_map<(d0, d1) -> (0, 0)>
#map1 = affine_map<(d0, d1) -> (0, 0, 0)>
module attributes {stable_mosaic.version = 14 : i64} {
  func.func @k(%arg0: i32, %arg1: i32, %arg2: memref<10000x128xf32, #tpu.memory_space<hbm>>, %arg3: memref<32x80x128xi32, #tpu.memory_space<hbm>>, %arg4: memref<32x80x128xi32, #tpu.memory_space<hbm>>, %arg5: memref<32x640x128xf32, #tpu.memory_space<hbm>>, %arg6: memref<20480x128xf32, #tpu.memory_space<hbm>>, %arg7: memref<2x8x128xi32, #tpu.memory_space<vmem>>, %arg8: memref<2x8x128xi32, #tpu.memory_space<vmem>>, %arg9: memref<128x128xf32, #tpu.memory_space<vmem>>, %arg10: memref<128x128xf32, #tpu.memory_space<vmem>>, %arg11: memref<10240x128xf32, #tpu.memory_space<vmem_shared>>, %arg12: memref<!tpu.dma_semaphore, #tpu.memory_space<semaphore_mem>>, %arg13: memref<!tpu.dma_semaphore, #tpu.memory_space<semaphore_mem>>, %arg14: memref<!tpu.dma_semaphore, #tpu.memory_space<semaphore_mem>>, %arg15: memref<!tpu.dma_semaphore, #tpu.memory_space<semaphore_mem>>) attributes {dimension_semantics = [#tpu.dimension_semantics<core_parallel>, #tpu.dimension_semantics<subcore_parallel>], iteration_bounds = array<i64: 2, 16>, scalar_prefetch = 0 : i64, scratch_operands = 9 : i64, tpu.core_type = #tpu.core_type<sc_vector_subcore>, window_params = [{transform_indices = #map}, {transform_indices = #map1}, {transform_indices = #map1}, {transform_indices = #map1}, {transform_indices = #map}]} {
    %mul3A = arith.constant 2 : i32
    %mul3A_0 = arith.muli %arg1, %mul3A : i32
    %add3A = arith.addi %mul3A_0, %arg0 : i32
    %dma_start3A = arith.constant 0 : i32
    %dma_start3A_1 = arith.constant 0 : i32
    %dma_start3A_2 = arith.constant 0 : i32
    %dma_start3A_3 = tpu.memref_slice %arg7[%dma_start3A, %dma_start3A_1, %dma_start3A_2] : memref<2x8x128xi32, #tpu.memory_space<vmem>> -> memref<1x8x128xi32, #tpu.memory_space<vmem>>
    %dma_start3A_4 = tpu.memref_squeeze %dma_start3A_3 : memref<1x8x128xi32, #tpu.memory_space<vmem>> -> memref<8x128xi32, #tpu.memory_space<vmem>>
    %dma_start3A_5 = arith.constant 0 : i32
    %dma_start3A_6 = arith.constant 0 : i32
    %dma_start3A_7 = tpu.memref_slice %arg3[%add3A, %dma_start3A_5, %dma_start3A_6] : memref<32x80x128xi32, #tpu.memory_space<hbm>> -> memref<1x8x128xi32, #tpu.memory_space<hbm>>
    %dma_start3A_8 = tpu.memref_squeeze %dma_start3A_7 : memref<1x8x128xi32, #tpu.memory_space<hbm>> -> memref<8x128xi32, #tpu.memory_space<hbm>>
    %dma_start3A_9 = arith.constant 0 : i32
    %dma_start3A_10 = arith.constant 0 : i32
    %dma_start3A_11 = tpu.memref_slice %arg7[%dma_start3A, %dma_start3A_9, %dma_start3A_10] : memref<2x8x128xi32, #tpu.memory_space<vmem>> -> memref<1x8x128xi32, #tpu.memory_space<vmem>>
    %dma_start3A_12 = tpu.memref_squeeze %dma_start3A_11 : memref<1x8x128xi32, #tpu.memory_space<vmem>> -> memref<8x128xi32, #tpu.memory_space<vmem>>
    %dma_start3A_13 = arith.constant 0 : i32
    %dma_start3A_14 = arith.constant 0 : i32
    %dma_start3A_15 = tpu.memref_slice %arg3[%add3A, %dma_start3A_13, %dma_start3A_14] : memref<32x80x128xi32, #tpu.memory_space<hbm>> -> memref<1x8x128xi32, #tpu.memory_space<hbm>>
    %dma_start3A_16 = tpu.memref_squeeze %dma_start3A_15 : memref<1x8x128xi32, #tpu.memory_space<hbm>> -> memref<8x128xi32, #tpu.memory_space<hbm>>
    tpu.enqueue_dma source(%dma_start3A_16 : memref<8x128xi32, #tpu.memory_space<hbm>>) target(%dma_start3A_12 : memref<8x128xi32, #tpu.memory_space<vmem>>) target_semaphore(%arg14 : memref<!tpu.dma_semaphore, #tpu.memory_space<semaphore_mem>>)
    %dma_start3A_17 = arith.constant 0 : i32
    %dma_start3A_18 = arith.constant 0 : i32
    %dma_start3A_19 = arith.constant 0 : i32
    %dma_start3A_20 = tpu.memref_slice %arg8[%dma_start3A_17, %dma_start3A_18, %dma_start3A_19] : memref<2x8x128xi32, #tpu.memory_space<vmem>> -> memref<1x8x128xi32, #tpu.memory_space<vmem>>
    %dma_start3A_21 = tpu.memref_squeeze %dma_start3A_20 : memref<1x8x128xi32, #tpu.memory_space<vmem>> -> memref<8x128xi32, #tpu.memory_space<vmem>>
    %dma_start3A_22 = arith.constant 0 : i32
    %dma_start3A_23 = arith.constant 0 : i32
    %dma_start3A_24 = tpu.memref_slice %arg4[%add3A, %dma_start3A_22, %dma_start3A_23] : memref<32x80x128xi32, #tpu.memory_space<hbm>> -> memref<1x8x128xi32, #tpu.memory_space<hbm>>
    %dma_start3A_25 = tpu.memref_squeeze %dma_start3A_24 : memref<1x8x128xi32, #tpu.memory_space<hbm>> -> memref<8x128xi32, #tpu.memory_space<hbm>>
    %dma_start3A_26 = arith.constant 0 : i32
    %dma_start3A_27 = arith.constant 0 : i32
    %dma_start3A_28 = tpu.memref_slice %arg8[%dma_start3A_17, %dma_start3A_26, %dma_start3A_27] : memref<2x8x128xi32, #tpu.memory_space<vmem>> -> memref<1x8x128xi32, #tpu.memory_space<vmem>>
    %dma_start3A_29 = tpu.memref_squeeze %dma_start3A_28 : memref<1x8x128xi32, #tpu.memory_space<vmem>> -> memref<8x128xi32, #tpu.memory_space<vmem>>
    %dma_start3A_30 = arith.constant 0 : i32
    %dma_start3A_31 = arith.constant 0 : i32
    %dma_start3A_32 = tpu.memref_slice %arg4[%add3A, %dma_start3A_30, %dma_start3A_31] : memref<32x80x128xi32, #tpu.memory_space<hbm>> -> memref<1x8x128xi32, #tpu.memory_space<hbm>>
    %dma_start3A_33 = tpu.memref_squeeze %dma_start3A_32 : memref<1x8x128xi32, #tpu.memory_space<hbm>> -> memref<8x128xi32, #tpu.memory_space<hbm>>
    tpu.enqueue_dma source(%dma_start3A_33 : memref<8x128xi32, #tpu.memory_space<hbm>>) target(%dma_start3A_29 : memref<8x128xi32, #tpu.memory_space<vmem>>) target_semaphore(%arg14 : memref<!tpu.dma_semaphore, #tpu.memory_space<semaphore_mem>>)
    %dma_wait3A = arith.constant 0 : i32
    %dma_wait3A_34 = arith.constant 0 : i32
    %dma_wait3A_35 = arith.constant 0 : i32
    %dma_wait3A_36 = tpu.memref_slice %arg7[%dma_wait3A, %dma_wait3A_34, %dma_wait3A_35] : memref<2x8x128xi32, #tpu.memory_space<vmem>> -> memref<1x8x128xi32, #tpu.memory_space<vmem>>
    %dma_wait3A_37 = tpu.memref_squeeze %dma_wait3A_36 : memref<1x8x128xi32, #tpu.memory_space<vmem>> -> memref<8x128xi32, #tpu.memory_space<vmem>>
    %dma_wait3A_38 = arith.constant 0 : i32
    %dma_wait3A_39 = arith.constant 0 : i32
    %dma_wait3A_40 = tpu.memref_slice %arg3[%add3A, %dma_wait3A_38, %dma_wait3A_39] : memref<32x80x128xi32, #tpu.memory_space<hbm>> -> memref<1x8x128xi32, #tpu.memory_space<hbm>>
    %dma_wait3A_41 = tpu.memref_squeeze %dma_wait3A_40 : memref<1x8x128xi32, #tpu.memory_space<hbm>> -> memref<8x128xi32, #tpu.memory_space<hbm>>
    %dma_wait3A_42 = arith.constant 0 : i32
    %dma_wait3A_43 = arith.constant 0 : i32
    %dma_wait3A_44 = tpu.memref_slice %arg7[%dma_wait3A, %dma_wait3A_42, %dma_wait3A_43] : memref<2x8x128xi32, #tpu.memory_space<vmem>> -> memref<1x8x128xi32, #tpu.memory_space<vmem>>
    %dma_wait3A_45 = tpu.memref_squeeze %dma_wait3A_44 : memref<1x8x128xi32, #tpu.memory_space<vmem>> -> memref<8x128xi32, #tpu.memory_space<vmem>>
    %dma_wait3A_46 = arith.constant 0 : i32
    %dma_wait3A_47 = arith.constant 0 : i32
    %dma_wait3A_48 = tpu.memref_slice %arg3[%add3A, %dma_wait3A_46, %dma_wait3A_47] : memref<32x80x128xi32, #tpu.memory_space<hbm>> -> memref<1x8x128xi32, #tpu.memory_space<hbm>>
    %dma_wait3A_49 = tpu.memref_squeeze %dma_wait3A_48 : memref<1x8x128xi32, #tpu.memory_space<hbm>> -> memref<8x128xi32, #tpu.memory_space<hbm>>
    tpu.wait_dma2 semaphore(%arg14 : memref<!tpu.dma_semaphore, #tpu.memory_space<semaphore_mem>>) src(%dma_wait3A_49 : memref<8x128xi32, #tpu.memory_space<hbm>>) dst(%dma_wait3A_45 : memref<8x128xi32, #tpu.memory_space<vmem>>)
    %dma_wait3A_50 = arith.constant 0 : i32
    %dma_wait3A_51 = arith.constant 0 : i32
    %dma_wait3A_52 = arith.constant 0 : i32
    %dma_wait3A_53 = tpu.memref_slice %arg8[%dma_wait3A_50, %dma_wait3A_51, %dma_wait3A_52] : memref<2x8x128xi32, #tpu.memory_space<vmem>> -> memref<1x8x128xi32, #tpu.memory_space<vmem>>
    %dma_wait3A_54 = tpu.memref_squeeze %dma_wait3A_53 : memref<1x8x128xi32, #tpu.memory_space<vmem>> -> memref<8x128xi32, #tpu.memory_space<vmem>>
    %dma_wait3A_55 = arith.constant 0 : i32
    %dma_wait3A_56 = arith.constant 0 : i32
    %dma_wait3A_57 = tpu.memref_slice %arg4[%add3A, %dma_wait3A_55, %dma_wait3A_56] : memref<32x80x128xi32, #tpu.memory_space<hbm>> -> memref<1x8x128xi32, #tpu.memory_space<hbm>>
    %dma_wait3A_58 = tpu.memref_squeeze %dma_wait3A_57 : memref<1x8x128xi32, #tpu.memory_space<hbm>> -> memref<8x128xi32, #tpu.memory_space<hbm>>
    %dma_wait3A_59 = arith.constant 0 : i32
    %dma_wait3A_60 = arith.constant 0 : i32
    %dma_wait3A_61 = tpu.memref_slice %arg8[%dma_wait3A_50, %dma_wait3A_59, %dma_wait3A_60] : memref<2x8x128xi32, #tpu.memory_space<vmem>> -> memref<1x8x128xi32, #tpu.memory_space<vmem>>
    %dma_wait3A_62 = tpu.memref_squeeze %dma_wait3A_61 : memref<1x8x128xi32, #tpu.memory_space<vmem>> -> memref<8x128xi32, #tpu.memory_space<vmem>>
    %dma_wait3A_63 = arith.constant 0 : i32
    %dma_wait3A_64 = arith.constant 0 : i32
    %dma_wait3A_65 = tpu.memref_slice %arg4[%add3A, %dma_wait3A_63, %dma_wait3A_64] : memref<32x80x128xi32, #tpu.memory_space<hbm>> -> memref<1x8x128xi32, #tpu.memory_space<hbm>>
    %dma_wait3A_66 = tpu.memref_squeeze %dma_wait3A_65 : memref<1x8x128xi32, #tpu.memory_space<hbm>> -> memref<8x128xi32, #tpu.memory_space<hbm>>
    tpu.wait_dma2 semaphore(%arg14 : memref<!tpu.dma_semaphore, #tpu.memory_space<semaphore_mem>>) src(%dma_wait3A_66 : memref<8x128xi32, #tpu.memory_space<hbm>>) dst(%dma_wait3A_62 : memref<8x128xi32, #tpu.memory_space<vmem>>)
    %dma_start3A_67 = arith.constant 1 : i32
    %dma_start3A_68 = arith.constant 0 : i32
    %dma_start3A_69 = arith.constant 0 : i32
    %dma_start3A_70 = tpu.memref_slice %arg7[%dma_start3A_67, %dma_start3A_68, %dma_start3A_69] : memref<2x8x128xi32, #tpu.memory_space<vmem>> -> memref<1x8x128xi32, #tpu.memory_space<vmem>>
    %dma_start3A_71 = tpu.memref_squeeze %dma_start3A_70 : memref<1x8x128xi32, #tpu.memory_space<vmem>> -> memref<8x128xi32, #tpu.memory_space<vmem>>
    %dma_start3A_72 = arith.constant 8 : i32
    %dma_start3A_73 = arith.constant 0 : i32
    %dma_start3A_74 = tpu.memref_slice %arg3[%add3A, %dma_start3A_72, %dma_start3A_73] : memref<32x80x128xi32, #tpu.memory_space<hbm>> -> memref<1x8x128xi32, #tpu.memory_space<hbm>>
    %dma_start3A_75 = tpu.memref_squeeze %dma_start3A_74 : memref<1x8x128xi32, #tpu.memory_space<hbm>> -> memref<8x128xi32, #tpu.memory_space<hbm>>
    %dma_start3A_76 = arith.constant 0 : i32
    %dma_start3A_77 = arith.constant 0 : i32
    %dma_start3A_78 = tpu.memref_slice %arg7[%dma_start3A_67, %dma_start3A_76, %dma_start3A_77] : memref<2x8x128xi32, #tpu.memory_space<vmem>> -> memref<1x8x128xi32, #tpu.memory_space<vmem>>
    %dma_start3A_79 = tpu.memref_squeeze %dma_start3A_78 : memref<1x8x128xi32, #tpu.memory_space<vmem>> -> memref<8x128xi32, #tpu.memory_space<vmem>>
    %dma_start3A_80 = arith.constant 8 : i32
    %dma_start3A_81 = arith.constant 0 : i32
    %dma_start3A_82 = tpu.memref_slice %arg3[%add3A, %dma_start3A_80, %dma_start3A_81] : memref<32x80x128xi32, #tpu.memory_space<hbm>> -> memref<1x8x128xi32, #tpu.memory_space<hbm>>
    %dma_start3A_83 = tpu.memref_squeeze %dma_start3A_82 : memref<1x8x128xi32, #tpu.memory_space<hbm>> -> memref<8x128xi32, #tpu.memory_space<hbm>>
    tpu.enqueue_dma source(%dma_start3A_83 : memref<8x128xi32, #tpu.memory_space<hbm>>) target(%dma_start3A_79 : memref<8x128xi32, #tpu.memory_space<vmem>>) target_semaphore(%arg15 : memref<!tpu.dma_semaphore, #tpu.memory_space<semaphore_mem>>)
    %dma_start3A_84 = arith.constant 1 : i32
    %dma_start3A_85 = arith.constant 0 : i32
    %dma_start3A_86 = arith.constant 0 : i32
    %dma_start3A_87 = tpu.memref_slice %arg8[%dma_start3A_84, %dma_start3A_85, %dma_start3A_86] : memref<2x8x128xi32, #tpu.memory_space<vmem>> -> memref<1x8x128xi32, #tpu.memory_space<vmem>>
    %dma_start3A_88 = tpu.memref_squeeze %dma_start3A_87 : memref<1x8x128xi32, #tpu.memory_space<vmem>> -> memref<8x128xi32, #tpu.memory_space<vmem>>
    %dma_start3A_89 = arith.constant 8 : i32
    %dma_start3A_90 = arith.constant 0 : i32
    %dma_start3A_91 = tpu.memref_slice %arg4[%add3A, %dma_start3A_89, %dma_start3A_90] : memref<32x80x128xi32, #tpu.memory_space<hbm>> -> memref<1x8x128xi32, #tpu.memory_space<hbm>>
    %dma_start3A_92 = tpu.memref_squeeze %dma_start3A_91 : memref<1x8x128xi32, #tpu.memory_space<hbm>> -> memref<8x128xi32, #tpu.memory_space<hbm>>
    %dma_start3A_93 = arith.constant 0 : i32
    %dma_start3A_94 = arith.constant 0 : i32
    %dma_start3A_95 = tpu.memref_slice %arg8[%dma_start3A_84, %dma_start3A_93, %dma_start3A_94] : memref<2x8x128xi32, #tpu.memory_space<vmem>> -> memref<1x8x128xi32, #tpu.memory_space<vmem>>
    %dma_start3A_96 = tpu.memref_squeeze %dma_start3A_95 : memref<1x8x128xi32, #tpu.memory_space<vmem>> -> memref<8x128xi32, #tpu.memory_space<vmem>>
    %dma_start3A_97 = arith.constant 8 : i32
    %dma_start3A_98 = arith.constant 0 : i32
    %dma_start3A_99 = tpu.memref_slice %arg4[%add3A, %dma_start3A_97, %dma_start3A_98] : memref<32x80x128xi32, #tpu.memory_space<hbm>> -> memref<1x8x128xi32, #tpu.memory_space<hbm>>
    %dma_start3A_100 = tpu.memref_squeeze %dma_start3A_99 : memref<1x8x128xi32, #tpu.memory_space<hbm>> -> memref<8x128xi32, #tpu.memory_space<hbm>>
    tpu.enqueue_dma source(%dma_start3A_100 : memref<8x128xi32, #tpu.memory_space<hbm>>) target(%dma_start3A_96 : memref<8x128xi32, #tpu.memory_space<vmem>>) target_semaphore(%arg15 : memref<!tpu.dma_semaphore, #tpu.memory_space<semaphore_mem>>)
    %dma_start3A_101 = arith.constant 0 : i32
    %dma_start3A_102 = arith.constant 0 : i32
    %dma_start3A_103 = arith.constant 0 : i32
    %dma_start3A_104 = tpu.memref_slice %arg7[%dma_start3A_101, %dma_start3A_102, %dma_start3A_103] : memref<2x8x128xi32, #tpu.memory_space<vmem>> -> memref<1x1x128xi32, #tpu.memory_space<vmem>>
    %dma_start3A_105 = tpu.memref_squeeze %dma_start3A_104 : memref<1x1x128xi32, #tpu.memory_space<vmem>> -> memref<128xi32, #tpu.memory_space<vmem>>
    %dma_start3A_106 = arith.constant 0 : i32
    %dma_start3A_107 = arith.constant 0 : i32
    %dma_start3A_108 = tpu.memref_slice %arg2[%dma_start3A_106, %dma_start3A_107] : memref<10000x128xf32, #tpu.memory_space<hbm>> -> memref<10000x128xf32, #tpu.memory_space<hbm>>
    tpu.enqueue_indirect_dma source(%dma_start3A_108 : memref<10000x128xf32, #tpu.memory_space<hbm>>) target(%arg9 : memref<128x128xf32, #tpu.memory_space<vmem>>) offsets(%dma_start3A_105 : memref<128xi32, #tpu.memory_space<vmem>>) semaphore(%arg12 : memref<!tpu.dma_semaphore, #tpu.memory_space<semaphore_mem>>)
    %dma_start3A_109 = arith.constant 0 : i32
    %dma_start3A_110 = arith.constant 1 : i32
    %dma_start3A_111 = arith.constant 0 : i32
    %dma_start3A_112 = tpu.memref_slice %arg7[%dma_start3A_109, %dma_start3A_110, %dma_start3A_111] : memref<2x8x128xi32, #tpu.memory_space<vmem>> -> memref<1x1x128xi32, #tpu.memory_space<vmem>>
    %dma_start3A_113 = tpu.memref_squeeze %dma_start3A_112 : memref<1x1x128xi32, #tpu.memory_space<vmem>> -> memref<128xi32, #tpu.memory_space<vmem>>
    %dma_start3A_114 = arith.constant 0 : i32
    %dma_start3A_115 = arith.constant 0 : i32
    %dma_start3A_116 = tpu.memref_slice %arg2[%dma_start3A_114, %dma_start3A_115] : memref<10000x128xf32, #tpu.memory_space<hbm>> -> memref<10000x128xf32, #tpu.memory_space<hbm>>
    tpu.enqueue_indirect_dma source(%dma_start3A_116 : memref<10000x128xf32, #tpu.memory_space<hbm>>) target(%arg10 : memref<128x128xf32, #tpu.memory_space<vmem>>) offsets(%dma_start3A_113 : memref<128xi32, #tpu.memory_space<vmem>>) semaphore(%arg13 : memref<!tpu.dma_semaphore, #tpu.memory_space<semaphore_mem>>)
    %mul3A_117 = arith.constant 640 : i32
    %mul3A_118 = arith.muli %arg1, %mul3A_117 : i32
    "tpu.region"() ({
      %run_scoped3A = tpu.sem_alloc : memref<!tpu.dma_semaphore, #tpu.memory_space<semaphore_mem>>
      %dma_start3A_132 = arith.constant 0 : i32
      %dma_start3A_133 = tpu.memref_slice %arg11[%mul3A_118, %dma_start3A_132] : memref<10240x128xf32, #tpu.memory_space<vmem_shared>> -> memref<640x128xf32, #tpu.memory_space<vmem_shared>>
      %dma_start3A_134 = arith.constant 0 : i32
      %dma_start3A_135 = arith.constant 0 : i32
      %dma_start3A_136 = tpu.memref_slice %arg5[%add3A, %dma_start3A_134, %dma_start3A_135] : memref<32x640x128xf32, #tpu.memory_space<hbm>> -> memref<1x640x128xf32, #tpu.memory_space<hbm>>
      %dma_start3A_137 = tpu.memref_squeeze %dma_start3A_136 : memref<1x640x128xf32, #tpu.memory_space<hbm>> -> memref<640x128xf32, #tpu.memory_space<hbm>>
      tpu.enqueue_dma source(%dma_start3A_137 : memref<640x128xf32, #tpu.memory_space<hbm>>) target(%dma_start3A_133 : memref<640x128xf32, #tpu.memory_space<vmem_shared>>) target_semaphore(%run_scoped3A : memref<!tpu.dma_semaphore, #tpu.memory_space<semaphore_mem>>)
      %dma_wait3A_138 = arith.constant 0 : i32
      %dma_wait3A_139 = tpu.memref_slice %arg11[%mul3A_118, %dma_wait3A_138] : memref<10240x128xf32, #tpu.memory_space<vmem_shared>> -> memref<640x128xf32, #tpu.memory_space<vmem_shared>>
      %dma_wait3A_140 = arith.constant 0 : i32
      %dma_wait3A_141 = arith.constant 0 : i32
      %dma_wait3A_142 = tpu.memref_slice %arg5[%add3A, %dma_wait3A_140, %dma_wait3A_141] : memref<32x640x128xf32, #tpu.memory_space<hbm>> -> memref<1x640x128xf32, #tpu.memory_space<hbm>>
      %dma_wait3A_143 = tpu.memref_squeeze %dma_wait3A_142 : memref<1x640x128xf32, #tpu.memory_space<hbm>> -> memref<640x128xf32, #tpu.memory_space<hbm>>
      tpu.wait_dma2 semaphore(%run_scoped3A : memref<!tpu.dma_semaphore, #tpu.memory_space<semaphore_mem>>) src(%dma_wait3A_143 : memref<640x128xf32, #tpu.memory_space<hbm>>) dst(%dma_wait3A_139 : memref<640x128xf32, #tpu.memory_space<vmem_shared>>)
      tpu.yield
    }) : () -> ()
    %barrier3A = arith.constant 0 : index
    tpu.barrier barrier_id(%barrier3A)
    %scan3A = arith.constant 0 : i32
    %scan3A_119 = arith.constant 0 : i32
    %scan3A_120 = arith.constant 5 : i32
    %scan3A_121 = arith.addi %scan3A_119, %scan3A_120 : i32
    %scan3A_122 = arith.constant 1 : i32
    scf.for %scan3A_132 = %scan3A_119 to %scan3A_121 step %scan3A_122  : i32 {
      %mul3A_133 = arith.constant 2 : i32
      %mul3A_134 = arith.muli %scan3A_132, %mul3A_133 : i32
      %dma_wait3A_135 = arith.constant 0 : i32
      %dma_wait3A_136 = arith.constant 0 : i32
      %dma_wait3A_137 = arith.constant 0 : i32
      %dma_wait3A_138 = tpu.memref_slice %arg7[%dma_wait3A_135, %dma_wait3A_136, %dma_wait3A_137] : memref<2x8x128xi32, #tpu.memory_space<vmem>> -> memref<1x1x128xi32, #tpu.memory_space<vmem>>
      %dma_wait3A_139 = tpu.memref_squeeze %dma_wait3A_138 : memref<1x1x128xi32, #tpu.memory_space<vmem>> -> memref<128xi32, #tpu.memory_space<vmem>>
      %dma_wait3A_140 = arith.constant 0 : i32
      %dma_wait3A_141 = arith.constant 0 : i32
      %dma_wait3A_142 = tpu.memref_slice %arg2[%dma_wait3A_140, %dma_wait3A_141] : memref<10000x128xf32, #tpu.memory_space<hbm>> -> memref<10000x128xf32, #tpu.memory_space<hbm>>
      tpu.wait_indirect_dma semaphore(%arg12 : memref<!tpu.dma_semaphore, #tpu.memory_space<semaphore_mem>>) src(%dma_wait3A_142 : memref<10000x128xf32, #tpu.memory_space<hbm>>) dst(%arg9 : memref<128x128xf32, #tpu.memory_space<vmem>>)
      %run_scoped3A = arith.constant 0 : i32
      %run_scoped3A_143 = arith.constant 0 : i32
      "tpu.region"() ({
        %run_scoped3A_451 = tpu.sem_alloc : memref<!tpu.dma_semaphore, #tpu.memory_space<semaphore_mem>>
        %dma_start3A_452 = arith.constant 0 : i32
        %dma_start3A_453 = tpu.memref_slice %arg8[%run_scoped3A, %run_scoped3A_143, %dma_start3A_452] : memref<2x8x128xi32, #tpu.memory_space<vmem>> -> memref<1x1x128xi32, #tpu.memory_space<vmem>>
        %dma_start3A_454 = tpu.memref_squeeze %dma_start3A_453 : memref<1x1x128xi32, #tpu.memory_space<vmem>> -> memref<128xi32, #tpu.memory_space<vmem>>
        %dma_start3A_455 = arith.constant 0 : i32
        %dma_start3A_456 = arith.constant 0 : i32
        %dma_start3A_457 = tpu.memref_slice %arg11[%dma_start3A_455, %dma_start3A_456] : memref<10240x128xf32, #tpu.memory_space<vmem_shared>> -> memref<10240x128xf32, #tpu.memory_space<vmem_shared>>
        tpu.enqueue_indirect_dma source(%arg9 : memref<128x128xf32, #tpu.memory_space<vmem>>) target(%dma_start3A_457 : memref<10240x128xf32, #tpu.memory_space<vmem_shared>>) offsets(%dma_start3A_454 : memref<128xi32, #tpu.memory_space<vmem>>) semaphore(%run_scoped3A_451 : memref<!tpu.dma_semaphore, #tpu.memory_space<semaphore_mem>>) {add = true}
        %dma_wait3A_458 = arith.constant 0 : i32
        %dma_wait3A_459 = tpu.memref_slice %arg8[%run_scoped3A, %run_scoped3A_143, %dma_wait3A_458] : memref<2x8x128xi32, #tpu.memory_space<vmem>> -> memref<1x1x128xi32, #tpu.memory_space<vmem>>
        %dma_wait3A_460 = tpu.memref_squeeze %dma_wait3A_459 : memref<1x1x128xi32, #tpu.memory_space<vmem>> -> memref<128xi32, #tpu.memory_space<vmem>>
        %dma_wait3A_461 = arith.constant 0 : i32
        %dma_wait3A_462 = arith.constant 0 : i32
        %dma_wait3A_463 = tpu.memref_slice %arg11[%dma_wait3A_461, %dma_wait3A_462] : memref<10240x128xf32, #tpu.memory_space<vmem_shared>> -> memref<10240x128xf32, #tpu.memory_space<vmem_shared>>
        tpu.wait_indirect_dma semaphore(%run_scoped3A_451 : memref<!tpu.dma_semaphore, #tpu.memory_space<semaphore_mem>>) src(%arg9 : memref<128x128xf32, #tpu.memory_space<vmem>>) dst(%dma_wait3A_463 : memref<10240x128xf32, #tpu.memory_space<vmem_shared>>)
        tpu.yield
      }) : () -> ()
      %dma_start3A_144 = arith.constant 0 : i32
      %dma_start3A_145 = arith.constant 2 : i32
      %dma_start3A_146 = arith.constant 0 : i32
      %dma_start3A_147 = tpu.memref_slice %arg7[%dma_start3A_144, %dma_start3A_145, %dma_start3A_146] : memref<2x8x128xi32, #tpu.memory_space<vmem>> -> memref<1x1x128xi32, #tpu.memory_space<vmem>>
      %dma_start3A_148 = tpu.memref_squeeze %dma_start3A_147 : memref<1x1x128xi32, #tpu.memory_space<vmem>> -> memref<128xi32, #tpu.memory_space<vmem>>
      %dma_start3A_149 = arith.constant 0 : i32
      %dma_start3A_150 = arith.constant 0 : i32
      %dma_start3A_151 = tpu.memref_slice %arg2[%dma_start3A_149, %dma_start3A_150] : memref<10000x128xf32, #tpu.memory_space<hbm>> -> memref<10000x128xf32, #tpu.memory_space<hbm>>
      tpu.enqueue_indirect_dma source(%dma_start3A_151 : memref<10000x128xf32, #tpu.memory_space<hbm>>) target(%arg9 : memref<128x128xf32, #tpu.memory_space<vmem>>) offsets(%dma_start3A_148 : memref<128xi32, #tpu.memory_space<vmem>>) semaphore(%arg12 : memref<!tpu.dma_semaphore, #tpu.memory_space<semaphore_mem>>)
      %dma_wait3A_152 = arith.constant 0 : i32
      %dma_wait3A_153 = arith.constant 1 : i32
      %dma_wait3A_154 = arith.constant 0 : i32
      %dma_wait3A_155 = tpu.memref_slice %arg7[%dma_wait3A_152, %dma_wait3A_153, %dma_wait3A_154] : memref<2x8x128xi32, #tpu.memory_space<vmem>> -> memref<1x1x128xi32, #tpu.memory_space<vmem>>
      %dma_wait3A_156 = tpu.memref_squeeze %dma_wait3A_155 : memref<1x1x128xi32, #tpu.memory_space<vmem>> -> memref<128xi32, #tpu.memory_space<vmem>>
      %dma_wait3A_157 = arith.constant 0 : i32
      %dma_wait3A_158 = arith.constant 0 : i32
      %dma_wait3A_159 = tpu.memref_slice %arg2[%dma_wait3A_157, %dma_wait3A_158] : memref<10000x128xf32, #tpu.memory_space<hbm>> -> memref<10000x128xf32, #tpu.memory_space<hbm>>
      tpu.wait_indirect_dma semaphore(%arg13 : memref<!tpu.dma_semaphore, #tpu.memory_space<semaphore_mem>>) src(%dma_wait3A_159 : memref<10000x128xf32, #tpu.memory_space<hbm>>) dst(%arg10 : memref<128x128xf32, #tpu.memory_space<vmem>>)
      %run_scoped3A_160 = arith.constant 0 : i32
      %run_scoped3A_161 = arith.constant 1 : i32
      "tpu.region"() ({
        %run_scoped3A_451 = tpu.sem_alloc : memref<!tpu.dma_semaphore, #tpu.memory_space<semaphore_mem>>
        %dma_start3A_452 = arith.constant 0 : i32
        %dma_start3A_453 = tpu.memref_slice %arg8[%run_scoped3A_160, %run_scoped3A_161, %dma_start3A_452] : memref<2x8x128xi32, #tpu.memory_space<vmem>> -> memref<1x1x128xi32, #tpu.memory_space<vmem>>
        %dma_start3A_454 = tpu.memref_squeeze %dma_start3A_453 : memref<1x1x128xi32, #tpu.memory_space<vmem>> -> memref<128xi32, #tpu.memory_space<vmem>>
        %dma_start3A_455 = arith.constant 0 : i32
        %dma_start3A_456 = arith.constant 0 : i32
        %dma_start3A_457 = tpu.memref_slice %arg11[%dma_start3A_455, %dma_start3A_456] : memref<10240x128xf32, #tpu.memory_space<vmem_shared>> -> memref<10240x128xf32, #tpu.memory_space<vmem_shared>>
        tpu.enqueue_indirect_dma source(%arg10 : memref<128x128xf32, #tpu.memory_space<vmem>>) target(%dma_start3A_457 : memref<10240x128xf32, #tpu.memory_space<vmem_shared>>) offsets(%dma_start3A_454 : memref<128xi32, #tpu.memory_space<vmem>>) semaphore(%run_scoped3A_451 : memref<!tpu.dma_semaphore, #tpu.memory_space<semaphore_mem>>) {add = true}
        %dma_wait3A_458 = arith.constant 0 : i32
        %dma_wait3A_459 = tpu.memref_slice %arg8[%run_scoped3A_160, %run_scoped3A_161, %dma_wait3A_458] : memref<2x8x128xi32, #tpu.memory_space<vmem>> -> memref<1x1x128xi32, #tpu.memory_space<vmem>>
        %dma_wait3A_460 = tpu.memref_squeeze %dma_wait3A_459 : memref<1x1x128xi32, #tpu.memory_space<vmem>> -> memref<128xi32, #tpu.memory_space<vmem>>
        %dma_wait3A_461 = arith.constant 0 : i32
        %dma_wait3A_462 = arith.constant 0 : i32
        %dma_wait3A_463 = tpu.memref_slice %arg11[%dma_wait3A_461, %dma_wait3A_462] : memref<10240x128xf32, #tpu.memory_space<vmem_shared>> -> memref<10240x128xf32, #tpu.memory_space<vmem_shared>>
        tpu.wait_indirect_dma semaphore(%run_scoped3A_451 : memref<!tpu.dma_semaphore, #tpu.memory_space<semaphore_mem>>) src(%arg10 : memref<128x128xf32, #tpu.memory_space<vmem>>) dst(%dma_wait3A_463 : memref<10240x128xf32, #tpu.memory_space<vmem_shared>>)
        tpu.yield
      }) : () -> ()
      %gt3A = arith.constant 0 : i32
      %gt3A_162 = arith.cmpi sgt, %mul3A_134, %gt3A : i32
      %add3A_163 = arith.constant 1 : i32
      %add3A_164 = arith.addi %mul3A_134, %add3A_163 : i32
      %lt3A = arith.constant 10 : i32
      %lt3A_165 = arith.cmpi slt, %add3A_164, %lt3A : i32
      %and3A = arith.andi %gt3A_162, %lt3A_165 : i1
      %convert_element_type3A = arith.extui %and3A : i1 to i32
      %cond3A = arith.constant 0 : i32
      %cond3A_166 = arith.cmpi ne, %convert_element_type3A, %cond3A : i32
      scf.if %cond3A_166 {
        %add3A_451 = arith.constant 1 : i32
        %add3A_452 = arith.addi %mul3A_134, %add3A_451 : i32
        %mul3A_453 = arith.constant 8 : i32
        %mul3A_454 = arith.muli %add3A_452, %mul3A_453 : i32
        %dma_start3A_455 = arith.constant 1 : i32
        %dma_start3A_456 = arith.constant 0 : i32
        %dma_start3A_457 = arith.constant 0 : i32
        %dma_start3A_458 = tpu.memref_slice %arg7[%dma_start3A_455, %dma_start3A_456, %dma_start3A_457] : memref<2x8x128xi32, #tpu.memory_space<vmem>> -> memref<1x8x128xi32, #tpu.memory_space<vmem>>
        %dma_start3A_459 = tpu.memref_squeeze %dma_start3A_458 : memref<1x8x128xi32, #tpu.memory_space<vmem>> -> memref<8x128xi32, #tpu.memory_space<vmem>>
        %dma_start3A_460 = arith.constant 0 : i32
        %dma_start3A_461 = tpu.memref_slice %arg3[%add3A, %mul3A_454, %dma_start3A_460] : memref<32x80x128xi32, #tpu.memory_space<hbm>> -> memref<1x8x128xi32, #tpu.memory_space<hbm>>
        %dma_start3A_462 = tpu.memref_squeeze %dma_start3A_461 : memref<1x8x128xi32, #tpu.memory_space<hbm>> -> memref<8x128xi32, #tpu.memory_space<hbm>>
        %dma_start3A_463 = arith.constant 0 : i32
        %dma_start3A_464 = arith.constant 0 : i32
        %dma_start3A_465 = tpu.memref_slice %arg7[%dma_start3A_455, %dma_start3A_463, %dma_start3A_464] : memref<2x8x128xi32, #tpu.memory_space<vmem>> -> memref<1x8x128xi32, #tpu.memory_space<vmem>>
        %dma_start3A_466 = tpu.memref_squeeze %dma_start3A_465 : memref<1x8x128xi32, #tpu.memory_space<vmem>> -> memref<8x128xi32, #tpu.memory_space<vmem>>
        %dma_start3A_467 = arith.constant 0 : i32
        %dma_start3A_468 = tpu.memref_slice %arg3[%add3A, %mul3A_454, %dma_start3A_467] : memref<32x80x128xi32, #tpu.memory_space<hbm>> -> memref<1x8x128xi32, #tpu.memory_space<hbm>>
        %dma_start3A_469 = tpu.memref_squeeze %dma_start3A_468 : memref<1x8x128xi32, #tpu.memory_space<hbm>> -> memref<8x128xi32, #tpu.memory_space<hbm>>
        tpu.enqueue_dma source(%dma_start3A_469 : memref<8x128xi32, #tpu.memory_space<hbm>>) target(%dma_start3A_466 : memref<8x128xi32, #tpu.memory_space<vmem>>) target_semaphore(%arg15 : memref<!tpu.dma_semaphore, #tpu.memory_space<semaphore_mem>>)
        %mul3A_470 = arith.constant 8 : i32
        %mul3A_471 = arith.muli %add3A_452, %mul3A_470 : i32
        %dma_start3A_472 = arith.constant 1 : i32
        %dma_start3A_473 = arith.constant 0 : i32
        %dma_start3A_474 = arith.constant 0 : i32
        %dma_start3A_475 = tpu.memref_slice %arg8[%dma_start3A_472, %dma_start3A_473, %dma_start3A_474] : memref<2x8x128xi32, #tpu.memory_space<vmem>> -> memref<1x8x128xi32, #tpu.memory_space<vmem>>
        %dma_start3A_476 = tpu.memref_squeeze %dma_start3A_475 : memref<1x8x128xi32, #tpu.memory_space<vmem>> -> memref<8x128xi32, #tpu.memory_space<vmem>>
        %dma_start3A_477 = arith.constant 0 : i32
        %dma_start3A_478 = tpu.memref_slice %arg4[%add3A, %mul3A_471, %dma_start3A_477] : memref<32x80x128xi32, #tpu.memory_space<hbm>> -> memref<1x8x128xi32, #tpu.memory_space<hbm>>
        %dma_start3A_479 = tpu.memref_squeeze %dma_start3A_478 : memref<1x8x128xi32, #tpu.memory_space<hbm>> -> memref<8x128xi32, #tpu.memory_space<hbm>>
        %dma_start3A_480 = arith.constant 0 : i32
        %dma_start3A_481 = arith.constant 0 : i32
        %dma_start3A_482 = tpu.memref_slice %arg8[%dma_start3A_472, %dma_start3A_480, %dma_start3A_481] : memref<2x8x128xi32, #tpu.memory_space<vmem>> -> memref<1x8x128xi32, #tpu.memory_space<vmem>>
        %dma_start3A_483 = tpu.memref_squeeze %dma_start3A_482 : memref<1x8x128xi32, #tpu.memory_space<vmem>> -> memref<8x128xi32, #tpu.memory_space<vmem>>
        %dma_start3A_484 = arith.constant 0 : i32
        %dma_start3A_485 = tpu.memref_slice %arg4[%add3A, %mul3A_471, %dma_start3A_484] : memref<32x80x128xi32, #tpu.memory_space<hbm>> -> memref<1x8x128xi32, #tpu.memory_space<hbm>>
        %dma_start3A_486 = tpu.memref_squeeze %dma_start3A_485 : memref<1x8x128xi32, #tpu.memory_space<hbm>> -> memref<8x128xi32, #tpu.memory_space<hbm>>
        tpu.enqueue_dma source(%dma_start3A_486 : memref<8x128xi32, #tpu.memory_space<hbm>>) target(%dma_start3A_483 : memref<8x128xi32, #tpu.memory_space<vmem>>) target_semaphore(%arg15 : memref<!tpu.dma_semaphore, #tpu.memory_space<semaphore_mem>>)
      } else {
      }
      %dma_start3A_167 = arith.constant 0 : i32
      %dma_start3A_168 = arith.constant 3 : i32
      %dma_start3A_169 = arith.constant 0 : i32
      %dma_start3A_170 = tpu.memref_slice %arg7[%dma_start3A_167, %dma_start3A_168, %dma_start3A_169] : memref<2x8x128xi32, #tpu.memory_space<vmem>> -> memref<1x1x128xi32, #tpu.memory_space<vmem>>
      %dma_start3A_171 = tpu.memref_squeeze %dma_start3A_170 : memref<1x1x128xi32, #tpu.memory_space<vmem>> -> memref<128xi32, #tpu.memory_space<vmem>>
      %dma_start3A_172 = arith.constant 0 : i32
      %dma_start3A_173 = arith.constant 0 : i32
      %dma_start3A_174 = tpu.memref_slice %arg2[%dma_start3A_172, %dma_start3A_173] : memref<10000x128xf32, #tpu.memory_space<hbm>> -> memref<10000x128xf32, #tpu.memory_space<hbm>>
      tpu.enqueue_indirect_dma source(%dma_start3A_174 : memref<10000x128xf32, #tpu.memory_space<hbm>>) target(%arg10 : memref<128x128xf32, #tpu.memory_space<vmem>>) offsets(%dma_start3A_171 : memref<128xi32, #tpu.memory_space<vmem>>) semaphore(%arg13 : memref<!tpu.dma_semaphore, #tpu.memory_space<semaphore_mem>>)
      %dma_wait3A_175 = arith.constant 0 : i32
      %dma_wait3A_176 = arith.constant 2 : i32
      %dma_wait3A_177 = arith.constant 0 : i32
      %dma_wait3A_178 = tpu.memref_slice %arg7[%dma_wait3A_175, %dma_wait3A_176, %dma_wait3A_177] : memref<2x8x128xi32, #tpu.memory_space<vmem>> -> memref<1x1x128xi32, #tpu.memory_space<vmem>>
      %dma_wait3A_179 = tpu.memref_squeeze %dma_wait3A_178 : memref<1x1x128xi32, #tpu.memory_space<vmem>> -> memref<128xi32, #tpu.memory_space<vmem>>
      %dma_wait3A_180 = arith.constant 0 : i32
      %dma_wait3A_181 = arith.constant 0 : i32
      %dma_wait3A_182 = tpu.memref_slice %arg2[%dma_wait3A_180, %dma_wait3A_181] : memref<10000x128xf32, #tpu.memory_space<hbm>> -> memref<10000x128xf32, #tpu.memory_space<hbm>>
      tpu.wait_indirect_dma semaphore(%arg12 : memref<!tpu.dma_semaphore, #tpu.memory_space<semaphore_mem>>) src(%dma_wait3A_182 : memref<10000x128xf32, #tpu.memory_space<hbm>>) dst(%arg9 : memref<128x128xf32, #tpu.memory_space<vmem>>)
      %run_scoped3A_183 = arith.constant 0 : i32
      %run_scoped3A_184 = arith.constant 2 : i32
      "tpu.region"() ({
        %run_scoped3A_451 = tpu.sem_alloc : memref<!tpu.dma_semaphore, #tpu.memory_space<semaphore_mem>>
        %dma_start3A_452 = arith.constant 0 : i32
        %dma_start3A_453 = tpu.memref_slice %arg8[%run_scoped3A_183, %run_scoped3A_184, %dma_start3A_452] : memref<2x8x128xi32, #tpu.memory_space<vmem>> -> memref<1x1x128xi32, #tpu.memory_space<vmem>>
        %dma_start3A_454 = tpu.memref_squeeze %dma_start3A_453 : memref<1x1x128xi32, #tpu.memory_space<vmem>> -> memref<128xi32, #tpu.memory_space<vmem>>
        %dma_start3A_455 = arith.constant 0 : i32
        %dma_start3A_456 = arith.constant 0 : i32
        %dma_start3A_457 = tpu.memref_slice %arg11[%dma_start3A_455, %dma_start3A_456] : memref<10240x128xf32, #tpu.memory_space<vmem_shared>> -> memref<10240x128xf32, #tpu.memory_space<vmem_shared>>
        tpu.enqueue_indirect_dma source(%arg9 : memref<128x128xf32, #tpu.memory_space<vmem>>) target(%dma_start3A_457 : memref<10240x128xf32, #tpu.memory_space<vmem_shared>>) offsets(%dma_start3A_454 : memref<128xi32, #tpu.memory_space<vmem>>) semaphore(%run_scoped3A_451 : memref<!tpu.dma_semaphore, #tpu.memory_space<semaphore_mem>>) {add = true}
        %dma_wait3A_458 = arith.constant 0 : i32
        %dma_wait3A_459 = tpu.memref_slice %arg8[%run_scoped3A_183, %run_scoped3A_184, %dma_wait3A_458] : memref<2x8x128xi32, #tpu.memory_space<vmem>> -> memref<1x1x128xi32, #tpu.memory_space<vmem>>
        %dma_wait3A_460 = tpu.memref_squeeze %dma_wait3A_459 : memref<1x1x128xi32, #tpu.memory_space<vmem>> -> memref<128xi32, #tpu.memory_space<vmem>>
        %dma_wait3A_461 = arith.constant 0 : i32
        %dma_wait3A_462 = arith.constant 0 : i32
        %dma_wait3A_463 = tpu.memref_slice %arg11[%dma_wait3A_461, %dma_wait3A_462] : memref<10240x128xf32, #tpu.memory_space<vmem_shared>> -> memref<10240x128xf32, #tpu.memory_space<vmem_shared>>
        tpu.wait_indirect_dma semaphore(%run_scoped3A_451 : memref<!tpu.dma_semaphore, #tpu.memory_space<semaphore_mem>>) src(%arg9 : memref<128x128xf32, #tpu.memory_space<vmem>>) dst(%dma_wait3A_463 : memref<10240x128xf32, #tpu.memory_space<vmem_shared>>)
        tpu.yield
      }) : () -> ()
      %dma_start3A_185 = arith.constant 0 : i32
      %dma_start3A_186 = arith.constant 4 : i32
      %dma_start3A_187 = arith.constant 0 : i32
      %dma_start3A_188 = tpu.memref_slice %arg7[%dma_start3A_185, %dma_start3A_186, %dma_start3A_187] : memref<2x8x128xi32, #tpu.memory_space<vmem>> -> memref<1x1x128xi32, #tpu.memory_space<vmem>>
      %dma_start3A_189 = tpu.memref_squeeze %dma_start3A_188 : memref<1x1x128xi32, #tpu.memory_space<vmem>> -> memref<128xi32, #tpu.memory_space<vmem>>
      %dma_start3A_190 = arith.constant 0 : i32
      %dma_start3A_191 = arith.constant 0 : i32
      %dma_start3A_192 = tpu.memref_slice %arg2[%dma_start3A_190, %dma_start3A_191] : memref<10000x128xf32, #tpu.memory_space<hbm>> -> memref<10000x128xf32, #tpu.memory_space<hbm>>
      tpu.enqueue_indirect_dma source(%dma_start3A_192 : memref<10000x128xf32, #tpu.memory_space<hbm>>) target(%arg9 : memref<128x128xf32, #tpu.memory_space<vmem>>) offsets(%dma_start3A_189 : memref<128xi32, #tpu.memory_space<vmem>>) semaphore(%arg12 : memref<!tpu.dma_semaphore, #tpu.memory_space<semaphore_mem>>)
      %dma_wait3A_193 = arith.constant 0 : i32
      %dma_wait3A_194 = arith.constant 3 : i32
      %dma_wait3A_195 = arith.constant 0 : i32
      %dma_wait3A_196 = tpu.memref_slice %arg7[%dma_wait3A_193, %dma_wait3A_194, %dma_wait3A_195] : memref<2x8x128xi32, #tpu.memory_space<vmem>> -> memref<1x1x128xi32, #tpu.memory_space<vmem>>
      %dma_wait3A_197 = tpu.memref_squeeze %dma_wait3A_196 : memref<1x1x128xi32, #tpu.memory_space<vmem>> -> memref<128xi32, #tpu.memory_space<vmem>>
      %dma_wait3A_198 = arith.constant 0 : i32
      %dma_wait3A_199 = arith.constant 0 : i32
      %dma_wait3A_200 = tpu.memref_slice %arg2[%dma_wait3A_198, %dma_wait3A_199] : memref<10000x128xf32, #tpu.memory_space<hbm>> -> memref<10000x128xf32, #tpu.memory_space<hbm>>
      tpu.wait_indirect_dma semaphore(%arg13 : memref<!tpu.dma_semaphore, #tpu.memory_space<semaphore_mem>>) src(%dma_wait3A_200 : memref<10000x128xf32, #tpu.memory_space<hbm>>) dst(%arg10 : memref<128x128xf32, #tpu.memory_space<vmem>>)
      %run_scoped3A_201 = arith.constant 0 : i32
      %run_scoped3A_202 = arith.constant 3 : i32
      "tpu.region"() ({
        %run_scoped3A_451 = tpu.sem_alloc : memref<!tpu.dma_semaphore, #tpu.memory_space<semaphore_mem>>
        %dma_start3A_452 = arith.constant 0 : i32
        %dma_start3A_453 = tpu.memref_slice %arg8[%run_scoped3A_201, %run_scoped3A_202, %dma_start3A_452] : memref<2x8x128xi32, #tpu.memory_space<vmem>> -> memref<1x1x128xi32, #tpu.memory_space<vmem>>
        %dma_start3A_454 = tpu.memref_squeeze %dma_start3A_453 : memref<1x1x128xi32, #tpu.memory_space<vmem>> -> memref<128xi32, #tpu.memory_space<vmem>>
        %dma_start3A_455 = arith.constant 0 : i32
        %dma_start3A_456 = arith.constant 0 : i32
        %dma_start3A_457 = tpu.memref_slice %arg11[%dma_start3A_455, %dma_start3A_456] : memref<10240x128xf32, #tpu.memory_space<vmem_shared>> -> memref<10240x128xf32, #tpu.memory_space<vmem_shared>>
        tpu.enqueue_indirect_dma source(%arg10 : memref<128x128xf32, #tpu.memory_space<vmem>>) target(%dma_start3A_457 : memref<10240x128xf32, #tpu.memory_space<vmem_shared>>) offsets(%dma_start3A_454 : memref<128xi32, #tpu.memory_space<vmem>>) semaphore(%run_scoped3A_451 : memref<!tpu.dma_semaphore, #tpu.memory_space<semaphore_mem>>) {add = true}
        %dma_wait3A_458 = arith.constant 0 : i32
        %dma_wait3A_459 = tpu.memref_slice %arg8[%run_scoped3A_201, %run_scoped3A_202, %dma_wait3A_458] : memref<2x8x128xi32, #tpu.memory_space<vmem>> -> memref<1x1x128xi32, #tpu.memory_space<vmem>>
        %dma_wait3A_460 = tpu.memref_squeeze %dma_wait3A_459 : memref<1x1x128xi32, #tpu.memory_space<vmem>> -> memref<128xi32, #tpu.memory_space<vmem>>
        %dma_wait3A_461 = arith.constant 0 : i32
        %dma_wait3A_462 = arith.constant 0 : i32
        %dma_wait3A_463 = tpu.memref_slice %arg11[%dma_wait3A_461, %dma_wait3A_462] : memref<10240x128xf32, #tpu.memory_space<vmem_shared>> -> memref<10240x128xf32, #tpu.memory_space<vmem_shared>>
        tpu.wait_indirect_dma semaphore(%run_scoped3A_451 : memref<!tpu.dma_semaphore, #tpu.memory_space<semaphore_mem>>) src(%arg10 : memref<128x128xf32, #tpu.memory_space<vmem>>) dst(%dma_wait3A_463 : memref<10240x128xf32, #tpu.memory_space<vmem_shared>>)
        tpu.yield
      }) : () -> ()
      %dma_start3A_203 = arith.constant 0 : i32
      %dma_start3A_204 = arith.constant 5 : i32
      %dma_start3A_205 = arith.constant 0 : i32
      %dma_start3A_206 = tpu.memref_slice %arg7[%dma_start3A_203, %dma_start3A_204, %dma_start3A_205] : memref<2x8x128xi32, #tpu.memory_space<vmem>> -> memref<1x1x128xi32, #tpu.memory_space<vmem>>
      %dma_start3A_207 = tpu.memref_squeeze %dma_start3A_206 : memref<1x1x128xi32, #tpu.memory_space<vmem>> -> memref<128xi32, #tpu.memory_space<vmem>>
      %dma_start3A_208 = arith.constant 0 : i32
      %dma_start3A_209 = arith.constant 0 : i32
      %dma_start3A_210 = tpu.memref_slice %arg2[%dma_start3A_208, %dma_start3A_209] : memref<10000x128xf32, #tpu.memory_space<hbm>> -> memref<10000x128xf32, #tpu.memory_space<hbm>>
      tpu.enqueue_indirect_dma source(%dma_start3A_210 : memref<10000x128xf32, #tpu.memory_space<hbm>>) target(%arg10 : memref<128x128xf32, #tpu.memory_space<vmem>>) offsets(%dma_start3A_207 : memref<128xi32, #tpu.memory_space<vmem>>) semaphore(%arg13 : memref<!tpu.dma_semaphore, #tpu.memory_space<semaphore_mem>>)
      %dma_wait3A_211 = arith.constant 0 : i32
      %dma_wait3A_212 = arith.constant 4 : i32
      %dma_wait3A_213 = arith.constant 0 : i32
      %dma_wait3A_214 = tpu.memref_slice %arg7[%dma_wait3A_211, %dma_wait3A_212, %dma_wait3A_213] : memref<2x8x128xi32, #tpu.memory_space<vmem>> -> memref<1x1x128xi32, #tpu.memory_space<vmem>>
      %dma_wait3A_215 = tpu.memref_squeeze %dma_wait3A_214 : memref<1x1x128xi32, #tpu.memory_space<vmem>> -> memref<128xi32, #tpu.memory_space<vmem>>
      %dma_wait3A_216 = arith.constant 0 : i32
      %dma_wait3A_217 = arith.constant 0 : i32
      %dma_wait3A_218 = tpu.memref_slice %arg2[%dma_wait3A_216, %dma_wait3A_217] : memref<10000x128xf32, #tpu.memory_space<hbm>> -> memref<10000x128xf32, #tpu.memory_space<hbm>>
      tpu.wait_indirect_dma semaphore(%arg12 : memref<!tpu.dma_semaphore, #tpu.memory_space<semaphore_mem>>) src(%dma_wait3A_218 : memref<10000x128xf32, #tpu.memory_space<hbm>>) dst(%arg9 : memref<128x128xf32, #tpu.memory_space<vmem>>)
      %run_scoped3A_219 = arith.constant 0 : i32
      %run_scoped3A_220 = arith.constant 4 : i32
      "tpu.region"() ({
        %run_scoped3A_451 = tpu.sem_alloc : memref<!tpu.dma_semaphore, #tpu.memory_space<semaphore_mem>>
        %dma_start3A_452 = arith.constant 0 : i32
        %dma_start3A_453 = tpu.memref_slice %arg8[%run_scoped3A_219, %run_scoped3A_220, %dma_start3A_452] : memref<2x8x128xi32, #tpu.memory_space<vmem>> -> memref<1x1x128xi32, #tpu.memory_space<vmem>>
        %dma_start3A_454 = tpu.memref_squeeze %dma_start3A_453 : memref<1x1x128xi32, #tpu.memory_space<vmem>> -> memref<128xi32, #tpu.memory_space<vmem>>
        %dma_start3A_455 = arith.constant 0 : i32
        %dma_start3A_456 = arith.constant 0 : i32
        %dma_start3A_457 = tpu.memref_slice %arg11[%dma_start3A_455, %dma_start3A_456] : memref<10240x128xf32, #tpu.memory_space<vmem_shared>> -> memref<10240x128xf32, #tpu.memory_space<vmem_shared>>
        tpu.enqueue_indirect_dma source(%arg9 : memref<128x128xf32, #tpu.memory_space<vmem>>) target(%dma_start3A_457 : memref<10240x128xf32, #tpu.memory_space<vmem_shared>>) offsets(%dma_start3A_454 : memref<128xi32, #tpu.memory_space<vmem>>) semaphore(%run_scoped3A_451 : memref<!tpu.dma_semaphore, #tpu.memory_space<semaphore_mem>>) {add = true}
        %dma_wait3A_458 = arith.constant 0 : i32
        %dma_wait3A_459 = tpu.memref_slice %arg8[%run_scoped3A_219, %run_scoped3A_220, %dma_wait3A_458] : memref<2x8x128xi32, #tpu.memory_space<vmem>> -> memref<1x1x128xi32, #tpu.memory_space<vmem>>
        %dma_wait3A_460 = tpu.memref_squeeze %dma_wait3A_459 : memref<1x1x128xi32, #tpu.memory_space<vmem>> -> memref<128xi32, #tpu.memory_space<vmem>>
        %dma_wait3A_461 = arith.constant 0 : i32
        %dma_wait3A_462 = arith.constant 0 : i32
        %dma_wait3A_463 = tpu.memref_slice %arg11[%dma_wait3A_461, %dma_wait3A_462] : memref<10240x128xf32, #tpu.memory_space<vmem_shared>> -> memref<10240x128xf32, #tpu.memory_space<vmem_shared>>
        tpu.wait_indirect_dma semaphore(%run_scoped3A_451 : memref<!tpu.dma_semaphore, #tpu.memory_space<semaphore_mem>>) src(%arg9 : memref<128x128xf32, #tpu.memory_space<vmem>>) dst(%dma_wait3A_463 : memref<10240x128xf32, #tpu.memory_space<vmem_shared>>)
        tpu.yield
      }) : () -> ()
      %dma_start3A_221 = arith.constant 0 : i32
      %dma_start3A_222 = arith.constant 6 : i32
      %dma_start3A_223 = arith.constant 0 : i32
      %dma_start3A_224 = tpu.memref_slice %arg7[%dma_start3A_221, %dma_start3A_222, %dma_start3A_223] : memref<2x8x128xi32, #tpu.memory_space<vmem>> -> memref<1x1x128xi32, #tpu.memory_space<vmem>>
      %dma_start3A_225 = tpu.memref_squeeze %dma_start3A_224 : memref<1x1x128xi32, #tpu.memory_space<vmem>> -> memref<128xi32, #tpu.memory_space<vmem>>
      %dma_start3A_226 = arith.constant 0 : i32
      %dma_start3A_227 = arith.constant 0 : i32
      %dma_start3A_228 = tpu.memref_slice %arg2[%dma_start3A_226, %dma_start3A_227] : memref<10000x128xf32, #tpu.memory_space<hbm>> -> memref<10000x128xf32, #tpu.memory_space<hbm>>
      tpu.enqueue_indirect_dma source(%dma_start3A_228 : memref<10000x128xf32, #tpu.memory_space<hbm>>) target(%arg9 : memref<128x128xf32, #tpu.memory_space<vmem>>) offsets(%dma_start3A_225 : memref<128xi32, #tpu.memory_space<vmem>>) semaphore(%arg12 : memref<!tpu.dma_semaphore, #tpu.memory_space<semaphore_mem>>)
      %dma_wait3A_229 = arith.constant 0 : i32
      %dma_wait3A_230 = arith.constant 5 : i32
      %dma_wait3A_231 = arith.constant 0 : i32
      %dma_wait3A_232 = tpu.memref_slice %arg7[%dma_wait3A_229, %dma_wait3A_230, %dma_wait3A_231] : memref<2x8x128xi32, #tpu.memory_space<vmem>> -> memref<1x1x128xi32, #tpu.memory_space<vmem>>
      %dma_wait3A_233 = tpu.memref_squeeze %dma_wait3A_232 : memref<1x1x128xi32, #tpu.memory_space<vmem>> -> memref<128xi32, #tpu.memory_space<vmem>>
      %dma_wait3A_234 = arith.constant 0 : i32
      %dma_wait3A_235 = arith.constant 0 : i32
      %dma_wait3A_236 = tpu.memref_slice %arg2[%dma_wait3A_234, %dma_wait3A_235] : memref<10000x128xf32, #tpu.memory_space<hbm>> -> memref<10000x128xf32, #tpu.memory_space<hbm>>
      tpu.wait_indirect_dma semaphore(%arg13 : memref<!tpu.dma_semaphore, #tpu.memory_space<semaphore_mem>>) src(%dma_wait3A_236 : memref<10000x128xf32, #tpu.memory_space<hbm>>) dst(%arg10 : memref<128x128xf32, #tpu.memory_space<vmem>>)
      %run_scoped3A_237 = arith.constant 0 : i32
      %run_scoped3A_238 = arith.constant 5 : i32
      "tpu.region"() ({
        %run_scoped3A_451 = tpu.sem_alloc : memref<!tpu.dma_semaphore, #tpu.memory_space<semaphore_mem>>
        %dma_start3A_452 = arith.constant 0 : i32
        %dma_start3A_453 = tpu.memref_slice %arg8[%run_scoped3A_237, %run_scoped3A_238, %dma_start3A_452] : memref<2x8x128xi32, #tpu.memory_space<vmem>> -> memref<1x1x128xi32, #tpu.memory_space<vmem>>
        %dma_start3A_454 = tpu.memref_squeeze %dma_start3A_453 : memref<1x1x128xi32, #tpu.memory_space<vmem>> -> memref<128xi32, #tpu.memory_space<vmem>>
        %dma_start3A_455 = arith.constant 0 : i32
        %dma_start3A_456 = arith.constant 0 : i32
        %dma_start3A_457 = tpu.memref_slice %arg11[%dma_start3A_455, %dma_start3A_456] : memref<10240x128xf32, #tpu.memory_space<vmem_shared>> -> memref<10240x128xf32, #tpu.memory_space<vmem_shared>>
        tpu.enqueue_indirect_dma source(%arg10 : memref<128x128xf32, #tpu.memory_space<vmem>>) target(%dma_start3A_457 : memref<10240x128xf32, #tpu.memory_space<vmem_shared>>) offsets(%dma_start3A_454 : memref<128xi32, #tpu.memory_space<vmem>>) semaphore(%run_scoped3A_451 : memref<!tpu.dma_semaphore, #tpu.memory_space<semaphore_mem>>) {add = true}
        %dma_wait3A_458 = arith.constant 0 : i32
        %dma_wait3A_459 = tpu.memref_slice %arg8[%run_scoped3A_237, %run_scoped3A_238, %dma_wait3A_458] : memref<2x8x128xi32, #tpu.memory_space<vmem>> -> memref<1x1x128xi32, #tpu.memory_space<vmem>>
        %dma_wait3A_460 = tpu.memref_squeeze %dma_wait3A_459 : memref<1x1x128xi32, #tpu.memory_space<vmem>> -> memref<128xi32, #tpu.memory_space<vmem>>
        %dma_wait3A_461 = arith.constant 0 : i32
        %dma_wait3A_462 = arith.constant 0 : i32
        %dma_wait3A_463 = tpu.memref_slice %arg11[%dma_wait3A_461, %dma_wait3A_462] : memref<10240x128xf32, #tpu.memory_space<vmem_shared>> -> memref<10240x128xf32, #tpu.memory_space<vmem_shared>>
        tpu.wait_indirect_dma semaphore(%run_scoped3A_451 : memref<!tpu.dma_semaphore, #tpu.memory_space<semaphore_mem>>) src(%arg10 : memref<128x128xf32, #tpu.memory_space<vmem>>) dst(%dma_wait3A_463 : memref<10240x128xf32, #tpu.memory_space<vmem_shared>>)
        tpu.yield
      }) : () -> ()
      %dma_start3A_239 = arith.constant 0 : i32
      %dma_start3A_240 = arith.constant 7 : i32
      %dma_start3A_241 = arith.constant 0 : i32
      %dma_start3A_242 = tpu.memref_slice %arg7[%dma_start3A_239, %dma_start3A_240, %dma_start3A_241] : memref<2x8x128xi32, #tpu.memory_space<vmem>> -> memref<1x1x128xi32, #tpu.memory_space<vmem>>
      %dma_start3A_243 = tpu.memref_squeeze %dma_start3A_242 : memref<1x1x128xi32, #tpu.memory_space<vmem>> -> memref<128xi32, #tpu.memory_space<vmem>>
      %dma_start3A_244 = arith.constant 0 : i32
      %dma_start3A_245 = arith.constant 0 : i32
      %dma_start3A_246 = tpu.memref_slice %arg2[%dma_start3A_244, %dma_start3A_245] : memref<10000x128xf32, #tpu.memory_space<hbm>> -> memref<10000x128xf32, #tpu.memory_space<hbm>>
      tpu.enqueue_indirect_dma source(%dma_start3A_246 : memref<10000x128xf32, #tpu.memory_space<hbm>>) target(%arg10 : memref<128x128xf32, #tpu.memory_space<vmem>>) offsets(%dma_start3A_243 : memref<128xi32, #tpu.memory_space<vmem>>) semaphore(%arg13 : memref<!tpu.dma_semaphore, #tpu.memory_space<semaphore_mem>>)
      %dma_wait3A_247 = arith.constant 0 : i32
      %dma_wait3A_248 = arith.constant 6 : i32
      %dma_wait3A_249 = arith.constant 0 : i32
      %dma_wait3A_250 = tpu.memref_slice %arg7[%dma_wait3A_247, %dma_wait3A_248, %dma_wait3A_249] : memref<2x8x128xi32, #tpu.memory_space<vmem>> -> memref<1x1x128xi32, #tpu.memory_space<vmem>>
      %dma_wait3A_251 = tpu.memref_squeeze %dma_wait3A_250 : memref<1x1x128xi32, #tpu.memory_space<vmem>> -> memref<128xi32, #tpu.memory_space<vmem>>
      %dma_wait3A_252 = arith.constant 0 : i32
      %dma_wait3A_253 = arith.constant 0 : i32
      %dma_wait3A_254 = tpu.memref_slice %arg2[%dma_wait3A_252, %dma_wait3A_253] : memref<10000x128xf32, #tpu.memory_space<hbm>> -> memref<10000x128xf32, #tpu.memory_space<hbm>>
      tpu.wait_indirect_dma semaphore(%arg12 : memref<!tpu.dma_semaphore, #tpu.memory_space<semaphore_mem>>) src(%dma_wait3A_254 : memref<10000x128xf32, #tpu.memory_space<hbm>>) dst(%arg9 : memref<128x128xf32, #tpu.memory_space<vmem>>)
      %run_scoped3A_255 = arith.constant 0 : i32
      %run_scoped3A_256 = arith.constant 6 : i32
      "tpu.region"() ({
        %run_scoped3A_451 = tpu.sem_alloc : memref<!tpu.dma_semaphore, #tpu.memory_space<semaphore_mem>>
        %dma_start3A_452 = arith.constant 0 : i32
        %dma_start3A_453 = tpu.memref_slice %arg8[%run_scoped3A_255, %run_scoped3A_256, %dma_start3A_452] : memref<2x8x128xi32, #tpu.memory_space<vmem>> -> memref<1x1x128xi32, #tpu.memory_space<vmem>>
        %dma_start3A_454 = tpu.memref_squeeze %dma_start3A_453 : memref<1x1x128xi32, #tpu.memory_space<vmem>> -> memref<128xi32, #tpu.memory_space<vmem>>
        %dma_start3A_455 = arith.constant 0 : i32
        %dma_start3A_456 = arith.constant 0 : i32
        %dma_start3A_457 = tpu.memref_slice %arg11[%dma_start3A_455, %dma_start3A_456] : memref<10240x128xf32, #tpu.memory_space<vmem_shared>> -> memref<10240x128xf32, #tpu.memory_space<vmem_shared>>
        tpu.enqueue_indirect_dma source(%arg9 : memref<128x128xf32, #tpu.memory_space<vmem>>) target(%dma_start3A_457 : memref<10240x128xf32, #tpu.memory_space<vmem_shared>>) offsets(%dma_start3A_454 : memref<128xi32, #tpu.memory_space<vmem>>) semaphore(%run_scoped3A_451 : memref<!tpu.dma_semaphore, #tpu.memory_space<semaphore_mem>>) {add = true}
        %dma_wait3A_458 = arith.constant 0 : i32
        %dma_wait3A_459 = tpu.memref_slice %arg8[%run_scoped3A_255, %run_scoped3A_256, %dma_wait3A_458] : memref<2x8x128xi32, #tpu.memory_space<vmem>> -> memref<1x1x128xi32, #tpu.memory_space<vmem>>
        %dma_wait3A_460 = tpu.memref_squeeze %dma_wait3A_459 : memref<1x1x128xi32, #tpu.memory_space<vmem>> -> memref<128xi32, #tpu.memory_space<vmem>>
        %dma_wait3A_461 = arith.constant 0 : i32
        %dma_wait3A_462 = arith.constant 0 : i32
        %dma_wait3A_463 = tpu.memref_slice %arg11[%dma_wait3A_461, %dma_wait3A_462] : memref<10240x128xf32, #tpu.memory_space<vmem_shared>> -> memref<10240x128xf32, #tpu.memory_space<vmem_shared>>
        tpu.wait_indirect_dma semaphore(%run_scoped3A_451 : memref<!tpu.dma_semaphore, #tpu.memory_space<semaphore_mem>>) src(%arg9 : memref<128x128xf32, #tpu.memory_space<vmem>>) dst(%dma_wait3A_463 : memref<10240x128xf32, #tpu.memory_space<vmem_shared>>)
        tpu.yield
      }) : () -> ()
      %add3A_257 = arith.constant 1 : i32
      %add3A_258 = arith.addi %mul3A_134, %add3A_257 : i32
      %lt3A_259 = arith.constant 10 : i32
      %lt3A_260 = arith.cmpi slt, %add3A_258, %lt3A_259 : i32
      %convert_element_type3A_261 = arith.extui %lt3A_260 : i1 to i32
      %cond3A_262 = arith.constant 0 : i32
      %cond3A_263 = arith.cmpi ne, %convert_element_type3A_261, %cond3A_262 : i32
      scf.if %cond3A_263 {
        %dma_wait3A_451 = arith.constant 1 : i32
        %dma_wait3A_452 = arith.constant 0 : i32
        %dma_wait3A_453 = arith.constant 0 : i32
        %dma_wait3A_454 = tpu.memref_slice %arg7[%dma_wait3A_451, %dma_wait3A_452, %dma_wait3A_453] : memref<2x8x128xi32, #tpu.memory_space<vmem>> -> memref<1x8x128xi32, #tpu.memory_space<vmem>>
        %dma_wait3A_455 = tpu.memref_squeeze %dma_wait3A_454 : memref<1x8x128xi32, #tpu.memory_space<vmem>> -> memref<8x128xi32, #tpu.memory_space<vmem>>
        %dma_wait3A_456 = arith.constant 0 : i32
        %dma_wait3A_457 = arith.constant 0 : i32
        %dma_wait3A_458 = tpu.memref_slice %arg3[%add3A, %dma_wait3A_456, %dma_wait3A_457] : memref<32x80x128xi32, #tpu.memory_space<hbm>> -> memref<1x8x128xi32, #tpu.memory_space<hbm>>
        %dma_wait3A_459 = tpu.memref_squeeze %dma_wait3A_458 : memref<1x8x128xi32, #tpu.memory_space<hbm>> -> memref<8x128xi32, #tpu.memory_space<hbm>>
        %dma_wait3A_460 = arith.constant 0 : i32
        %dma_wait3A_461 = arith.constant 0 : i32
        %dma_wait3A_462 = tpu.memref_slice %arg7[%dma_wait3A_451, %dma_wait3A_460, %dma_wait3A_461] : memref<2x8x128xi32, #tpu.memory_space<vmem>> -> memref<1x8x128xi32, #tpu.memory_space<vmem>>
        %dma_wait3A_463 = tpu.memref_squeeze %dma_wait3A_462 : memref<1x8x128xi32, #tpu.memory_space<vmem>> -> memref<8x128xi32, #tpu.memory_space<vmem>>
        %dma_wait3A_464 = arith.constant 0 : i32
        %dma_wait3A_465 = arith.constant 0 : i32
        %dma_wait3A_466 = tpu.memref_slice %arg3[%add3A, %dma_wait3A_464, %dma_wait3A_465] : memref<32x80x128xi32, #tpu.memory_space<hbm>> -> memref<1x8x128xi32, #tpu.memory_space<hbm>>
        %dma_wait3A_467 = tpu.memref_squeeze %dma_wait3A_466 : memref<1x8x128xi32, #tpu.memory_space<hbm>> -> memref<8x128xi32, #tpu.memory_space<hbm>>
        tpu.wait_dma2 semaphore(%arg15 : memref<!tpu.dma_semaphore, #tpu.memory_space<semaphore_mem>>) src(%dma_wait3A_467 : memref<8x128xi32, #tpu.memory_space<hbm>>) dst(%dma_wait3A_463 : memref<8x128xi32, #tpu.memory_space<vmem>>)
        %dma_wait3A_468 = arith.constant 1 : i32
        %dma_wait3A_469 = arith.constant 0 : i32
        %dma_wait3A_470 = arith.constant 0 : i32
        %dma_wait3A_471 = tpu.memref_slice %arg8[%dma_wait3A_468, %dma_wait3A_469, %dma_wait3A_470] : memref<2x8x128xi32, #tpu.memory_space<vmem>> -> memref<1x8x128xi32, #tpu.memory_space<vmem>>
        %dma_wait3A_472 = tpu.memref_squeeze %dma_wait3A_471 : memref<1x8x128xi32, #tpu.memory_space<vmem>> -> memref<8x128xi32, #tpu.memory_space<vmem>>
        %dma_wait3A_473 = arith.constant 0 : i32
        %dma_wait3A_474 = arith.constant 0 : i32
        %dma_wait3A_475 = tpu.memref_slice %arg4[%add3A, %dma_wait3A_473, %dma_wait3A_474] : memref<32x80x128xi32, #tpu.memory_space<hbm>> -> memref<1x8x128xi32, #tpu.memory_space<hbm>>
        %dma_wait3A_476 = tpu.memref_squeeze %dma_wait3A_475 : memref<1x8x128xi32, #tpu.memory_space<hbm>> -> memref<8x128xi32, #tpu.memory_space<hbm>>
        %dma_wait3A_477 = arith.constant 0 : i32
        %dma_wait3A_478 = arith.constant 0 : i32
        %dma_wait3A_479 = tpu.memref_slice %arg8[%dma_wait3A_468, %dma_wait3A_477, %dma_wait3A_478] : memref<2x8x128xi32, #tpu.memory_space<vmem>> -> memref<1x8x128xi32, #tpu.memory_space<vmem>>
        %dma_wait3A_480 = tpu.memref_squeeze %dma_wait3A_479 : memref<1x8x128xi32, #tpu.memory_space<vmem>> -> memref<8x128xi32, #tpu.memory_space<vmem>>
        %dma_wait3A_481 = arith.constant 0 : i32
        %dma_wait3A_482 = arith.constant 0 : i32
        %dma_wait3A_483 = tpu.memref_slice %arg4[%add3A, %dma_wait3A_481, %dma_wait3A_482] : memref<32x80x128xi32, #tpu.memory_space<hbm>> -> memref<1x8x128xi32, #tpu.memory_space<hbm>>
        %dma_wait3A_484 = tpu.memref_squeeze %dma_wait3A_483 : memref<1x8x128xi32, #tpu.memory_space<hbm>> -> memref<8x128xi32, #tpu.memory_space<hbm>>
        tpu.wait_dma2 semaphore(%arg15 : memref<!tpu.dma_semaphore, #tpu.memory_space<semaphore_mem>>) src(%dma_wait3A_484 : memref<8x128xi32, #tpu.memory_space<hbm>>) dst(%dma_wait3A_480 : memref<8x128xi32, #tpu.memory_space<vmem>>)
      } else {
      }
      %add3A_264 = arith.constant 1 : i32
      %add3A_265 = arith.addi %mul3A_134, %add3A_264 : i32
      %lt3A_266 = arith.constant 10 : i32
      %lt3A_267 = arith.cmpi slt, %add3A_265, %lt3A_266 : i32
      %convert_element_type3A_268 = arith.extui %lt3A_267 : i1 to i32
      %cond3A_269 = arith.constant 0 : i32
      %cond3A_270 = arith.cmpi ne, %convert_element_type3A_268, %cond3A_269 : i32
      scf.if %cond3A_270 {
        %dma_start3A_451 = arith.constant 1 : i32
        %dma_start3A_452 = arith.constant 0 : i32
        %dma_start3A_453 = arith.constant 0 : i32
        %dma_start3A_454 = tpu.memref_slice %arg7[%dma_start3A_451, %dma_start3A_452, %dma_start3A_453] : memref<2x8x128xi32, #tpu.memory_space<vmem>> -> memref<1x1x128xi32, #tpu.memory_space<vmem>>
        %dma_start3A_455 = tpu.memref_squeeze %dma_start3A_454 : memref<1x1x128xi32, #tpu.memory_space<vmem>> -> memref<128xi32, #tpu.memory_space<vmem>>
        %dma_start3A_456 = arith.constant 0 : i32
        %dma_start3A_457 = arith.constant 0 : i32
        %dma_start3A_458 = tpu.memref_slice %arg2[%dma_start3A_456, %dma_start3A_457] : memref<10000x128xf32, #tpu.memory_space<hbm>> -> memref<10000x128xf32, #tpu.memory_space<hbm>>
        tpu.enqueue_indirect_dma source(%dma_start3A_458 : memref<10000x128xf32, #tpu.memory_space<hbm>>) target(%arg9 : memref<128x128xf32, #tpu.memory_space<vmem>>) offsets(%dma_start3A_455 : memref<128xi32, #tpu.memory_space<vmem>>) semaphore(%arg12 : memref<!tpu.dma_semaphore, #tpu.memory_space<semaphore_mem>>)
      } else {
      }
      %dma_wait3A_271 = arith.constant 0 : i32
      %dma_wait3A_272 = arith.constant 7 : i32
      %dma_wait3A_273 = arith.constant 0 : i32
      %dma_wait3A_274 = tpu.memref_slice %arg7[%dma_wait3A_271, %dma_wait3A_272, %dma_wait3A_273] : memref<2x8x128xi32, #tpu.memory_space<vmem>> -> memref<1x1x128xi32, #tpu.memory_space<vmem>>
      %dma_wait3A_275 = tpu.memref_squeeze %dma_wait3A_274 : memref<1x1x128xi32, #tpu.memory_space<vmem>> -> memref<128xi32, #tpu.memory_space<vmem>>
      %dma_wait3A_276 = arith.constant 0 : i32
      %dma_wait3A_277 = arith.constant 0 : i32
      %dma_wait3A_278 = tpu.memref_slice %arg2[%dma_wait3A_276, %dma_wait3A_277] : memref<10000x128xf32, #tpu.memory_space<hbm>> -> memref<10000x128xf32, #tpu.memory_space<hbm>>
      tpu.wait_indirect_dma semaphore(%arg13 : memref<!tpu.dma_semaphore, #tpu.memory_space<semaphore_mem>>) src(%dma_wait3A_278 : memref<10000x128xf32, #tpu.memory_space<hbm>>) dst(%arg10 : memref<128x128xf32, #tpu.memory_space<vmem>>)
      %run_scoped3A_279 = arith.constant 0 : i32
      %run_scoped3A_280 = arith.constant 7 : i32
      "tpu.region"() ({
        %run_scoped3A_451 = tpu.sem_alloc : memref<!tpu.dma_semaphore, #tpu.memory_space<semaphore_mem>>
        %dma_start3A_452 = arith.constant 0 : i32
        %dma_start3A_453 = tpu.memref_slice %arg8[%run_scoped3A_279, %run_scoped3A_280, %dma_start3A_452] : memref<2x8x128xi32, #tpu.memory_space<vmem>> -> memref<1x1x128xi32, #tpu.memory_space<vmem>>
        %dma_start3A_454 = tpu.memref_squeeze %dma_start3A_453 : memref<1x1x128xi32, #tpu.memory_space<vmem>> -> memref<128xi32, #tpu.memory_space<vmem>>
        %dma_start3A_455 = arith.constant 0 : i32
        %dma_start3A_456 = arith.constant 0 : i32
        %dma_start3A_457 = tpu.memref_slice %arg11[%dma_start3A_455, %dma_start3A_456] : memref<10240x128xf32, #tpu.memory_space<vmem_shared>> -> memref<10240x128xf32, #tpu.memory_space<vmem_shared>>
        tpu.enqueue_indirect_dma source(%arg10 : memref<128x128xf32, #tpu.memory_space<vmem>>) target(%dma_start3A_457 : memref<10240x128xf32, #tpu.memory_space<vmem_shared>>) offsets(%dma_start3A_454 : memref<128xi32, #tpu.memory_space<vmem>>) semaphore(%run_scoped3A_451 : memref<!tpu.dma_semaphore, #tpu.memory_space<semaphore_mem>>) {add = true}
        %dma_wait3A_458 = arith.constant 0 : i32
        %dma_wait3A_459 = tpu.memref_slice %arg8[%run_scoped3A_279, %run_scoped3A_280, %dma_wait3A_458] : memref<2x8x128xi32, #tpu.memory_space<vmem>> -> memref<1x1x128xi32, #tpu.memory_space<vmem>>
        %dma_wait3A_460 = tpu.memref_squeeze %dma_wait3A_459 : memref<1x1x128xi32, #tpu.memory_space<vmem>> -> memref<128xi32, #tpu.memory_space<vmem>>
        %dma_wait3A_461 = arith.constant 0 : i32
        %dma_wait3A_462 = arith.constant 0 : i32
        %dma_wait3A_463 = tpu.memref_slice %arg11[%dma_wait3A_461, %dma_wait3A_462] : memref<10240x128xf32, #tpu.memory_space<vmem_shared>> -> memref<10240x128xf32, #tpu.memory_space<vmem_shared>>
        tpu.wait_indirect_dma semaphore(%run_scoped3A_451 : memref<!tpu.dma_semaphore, #tpu.memory_space<semaphore_mem>>) src(%arg10 : memref<128x128xf32, #tpu.memory_space<vmem>>) dst(%dma_wait3A_463 : memref<10240x128xf32, #tpu.memory_space<vmem_shared>>)
        tpu.yield
      }) : () -> ()
      %add3A_281 = arith.constant 1 : i32
      %add3A_282 = arith.addi %mul3A_134, %add3A_281 : i32
      %lt3A_283 = arith.constant 10 : i32
      %lt3A_284 = arith.cmpi slt, %add3A_282, %lt3A_283 : i32
      %convert_element_type3A_285 = arith.extui %lt3A_284 : i1 to i32
      %cond3A_286 = arith.constant 0 : i32
      %cond3A_287 = arith.cmpi ne, %convert_element_type3A_285, %cond3A_286 : i32
      scf.if %cond3A_287 {
        %dma_start3A_451 = arith.constant 1 : i32
        %dma_start3A_452 = arith.constant 1 : i32
        %dma_start3A_453 = arith.constant 0 : i32
        %dma_start3A_454 = tpu.memref_slice %arg7[%dma_start3A_451, %dma_start3A_452, %dma_start3A_453] : memref<2x8x128xi32, #tpu.memory_space<vmem>> -> memref<1x1x128xi32, #tpu.memory_space<vmem>>
        %dma_start3A_455 = tpu.memref_squeeze %dma_start3A_454 : memref<1x1x128xi32, #tpu.memory_space<vmem>> -> memref<128xi32, #tpu.memory_space<vmem>>
        %dma_start3A_456 = arith.constant 0 : i32
        %dma_start3A_457 = arith.constant 0 : i32
        %dma_start3A_458 = tpu.memref_slice %arg2[%dma_start3A_456, %dma_start3A_457] : memref<10000x128xf32, #tpu.memory_space<hbm>> -> memref<10000x128xf32, #tpu.memory_space<hbm>>
        tpu.enqueue_indirect_dma source(%dma_start3A_458 : memref<10000x128xf32, #tpu.memory_space<hbm>>) target(%arg10 : memref<128x128xf32, #tpu.memory_space<vmem>>) offsets(%dma_start3A_455 : memref<128xi32, #tpu.memory_space<vmem>>) semaphore(%arg13 : memref<!tpu.dma_semaphore, #tpu.memory_space<semaphore_mem>>)
      } else {
      }
      %mul3A_288 = arith.constant 2 : i32
      %mul3A_289 = arith.muli %scan3A_132, %mul3A_288 : i32
      %add3A_290 = arith.constant 1 : i32
      %add3A_291 = arith.addi %mul3A_289, %add3A_290 : i32
      %dma_wait3A_292 = arith.constant 1 : i32
      %dma_wait3A_293 = arith.constant 0 : i32
      %dma_wait3A_294 = arith.constant 0 : i32
      %dma_wait3A_295 = tpu.memref_slice %arg7[%dma_wait3A_292, %dma_wait3A_293, %dma_wait3A_294] : memref<2x8x128xi32, #tpu.memory_space<vmem>> -> memref<1x1x128xi32, #tpu.memory_space<vmem>>
      %dma_wait3A_296 = tpu.memref_squeeze %dma_wait3A_295 : memref<1x1x128xi32, #tpu.memory_space<vmem>> -> memref<128xi32, #tpu.memory_space<vmem>>
      %dma_wait3A_297 = arith.constant 0 : i32
      %dma_wait3A_298 = arith.constant 0 : i32
      %dma_wait3A_299 = tpu.memref_slice %arg2[%dma_wait3A_297, %dma_wait3A_298] : memref<10000x128xf32, #tpu.memory_space<hbm>> -> memref<10000x128xf32, #tpu.memory_space<hbm>>
      tpu.wait_indirect_dma semaphore(%arg12 : memref<!tpu.dma_semaphore, #tpu.memory_space<semaphore_mem>>) src(%dma_wait3A_299 : memref<10000x128xf32, #tpu.memory_space<hbm>>) dst(%arg9 : memref<128x128xf32, #tpu.memory_space<vmem>>)
      %run_scoped3A_300 = arith.constant 1 : i32
      %run_scoped3A_301 = arith.constant 0 : i32
      "tpu.region"() ({
        %run_scoped3A_451 = tpu.sem_alloc : memref<!tpu.dma_semaphore, #tpu.memory_space<semaphore_mem>>
        %dma_start3A_452 = arith.constant 0 : i32
        %dma_start3A_453 = tpu.memref_slice %arg8[%run_scoped3A_300, %run_scoped3A_301, %dma_start3A_452] : memref<2x8x128xi32, #tpu.memory_space<vmem>> -> memref<1x1x128xi32, #tpu.memory_space<vmem>>
        %dma_start3A_454 = tpu.memref_squeeze %dma_start3A_453 : memref<1x1x128xi32, #tpu.memory_space<vmem>> -> memref<128xi32, #tpu.memory_space<vmem>>
        %dma_start3A_455 = arith.constant 0 : i32
        %dma_start3A_456 = arith.constant 0 : i32
        %dma_start3A_457 = tpu.memref_slice %arg11[%dma_start3A_455, %dma_start3A_456] : memref<10240x128xf32, #tpu.memory_space<vmem_shared>> -> memref<10240x128xf32, #tpu.memory_space<vmem_shared>>
        tpu.enqueue_indirect_dma source(%arg9 : memref<128x128xf32, #tpu.memory_space<vmem>>) target(%dma_start3A_457 : memref<10240x128xf32, #tpu.memory_space<vmem_shared>>) offsets(%dma_start3A_454 : memref<128xi32, #tpu.memory_space<vmem>>) semaphore(%run_scoped3A_451 : memref<!tpu.dma_semaphore, #tpu.memory_space<semaphore_mem>>) {add = true}
        %dma_wait3A_458 = arith.constant 0 : i32
        %dma_wait3A_459 = tpu.memref_slice %arg8[%run_scoped3A_300, %run_scoped3A_301, %dma_wait3A_458] : memref<2x8x128xi32, #tpu.memory_space<vmem>> -> memref<1x1x128xi32, #tpu.memory_space<vmem>>
        %dma_wait3A_460 = tpu.memref_squeeze %dma_wait3A_459 : memref<1x1x128xi32, #tpu.memory_space<vmem>> -> memref<128xi32, #tpu.memory_space<vmem>>
        %dma_wait3A_461 = arith.constant 0 : i32
        %dma_wait3A_462 = arith.constant 0 : i32
        %dma_wait3A_463 = tpu.memref_slice %arg11[%dma_wait3A_461, %dma_wait3A_462] : memref<10240x128xf32, #tpu.memory_space<vmem_shared>> -> memref<10240x128xf32, #tpu.memory_space<vmem_shared>>
        tpu.wait_indirect_dma semaphore(%run_scoped3A_451 : memref<!tpu.dma_semaphore, #tpu.memory_space<semaphore_mem>>) src(%arg9 : memref<128x128xf32, #tpu.memory_space<vmem>>) dst(%dma_wait3A_463 : memref<10240x128xf32, #tpu.memory_space<vmem_shared>>)
        tpu.yield
      }) : () -> ()
      %dma_start3A_302 = arith.constant 1 : i32
      %dma_start3A_303 = arith.constant 2 : i32
      %dma_start3A_304 = arith.constant 0 : i32
      %dma_start3A_305 = tpu.memref_slice %arg7[%dma_start3A_302, %dma_start3A_303, %dma_start3A_304] : memref<2x8x128xi32, #tpu.memory_space<vmem>> -> memref<1x1x128xi32, #tpu.memory_space<vmem>>
      %dma_start3A_306 = tpu.memref_squeeze %dma_start3A_305 : memref<1x1x128xi32, #tpu.memory_space<vmem>> -> memref<128xi32, #tpu.memory_space<vmem>>
      %dma_start3A_307 = arith.constant 0 : i32
      %dma_start3A_308 = arith.constant 0 : i32
      %dma_start3A_309 = tpu.memref_slice %arg2[%dma_start3A_307, %dma_start3A_308] : memref<10000x128xf32, #tpu.memory_space<hbm>> -> memref<10000x128xf32, #tpu.memory_space<hbm>>
      tpu.enqueue_indirect_dma source(%dma_start3A_309 : memref<10000x128xf32, #tpu.memory_space<hbm>>) target(%arg9 : memref<128x128xf32, #tpu.memory_space<vmem>>) offsets(%dma_start3A_306 : memref<128xi32, #tpu.memory_space<vmem>>) semaphore(%arg12 : memref<!tpu.dma_semaphore, #tpu.memory_space<semaphore_mem>>)
      %dma_wait3A_310 = arith.constant 1 : i32
      %dma_wait3A_311 = arith.constant 1 : i32
      %dma_wait3A_312 = arith.constant 0 : i32
      %dma_wait3A_313 = tpu.memref_slice %arg7[%dma_wait3A_310, %dma_wait3A_311, %dma_wait3A_312] : memref<2x8x128xi32, #tpu.memory_space<vmem>> -> memref<1x1x128xi32, #tpu.memory_space<vmem>>
      %dma_wait3A_314 = tpu.memref_squeeze %dma_wait3A_313 : memref<1x1x128xi32, #tpu.memory_space<vmem>> -> memref<128xi32, #tpu.memory_space<vmem>>
      %dma_wait3A_315 = arith.constant 0 : i32
      %dma_wait3A_316 = arith.constant 0 : i32
      %dma_wait3A_317 = tpu.memref_slice %arg2[%dma_wait3A_315, %dma_wait3A_316] : memref<10000x128xf32, #tpu.memory_space<hbm>> -> memref<10000x128xf32, #tpu.memory_space<hbm>>
      tpu.wait_indirect_dma semaphore(%arg13 : memref<!tpu.dma_semaphore, #tpu.memory_space<semaphore_mem>>) src(%dma_wait3A_317 : memref<10000x128xf32, #tpu.memory_space<hbm>>) dst(%arg10 : memref<128x128xf32, #tpu.memory_space<vmem>>)
      %run_scoped3A_318 = arith.constant 1 : i32
      %run_scoped3A_319 = arith.constant 1 : i32
      "tpu.region"() ({
        %run_scoped3A_451 = tpu.sem_alloc : memref<!tpu.dma_semaphore, #tpu.memory_space<semaphore_mem>>
        %dma_start3A_452 = arith.constant 0 : i32
        %dma_start3A_453 = tpu.memref_slice %arg8[%run_scoped3A_318, %run_scoped3A_319, %dma_start3A_452] : memref<2x8x128xi32, #tpu.memory_space<vmem>> -> memref<1x1x128xi32, #tpu.memory_space<vmem>>
        %dma_start3A_454 = tpu.memref_squeeze %dma_start3A_453 : memref<1x1x128xi32, #tpu.memory_space<vmem>> -> memref<128xi32, #tpu.memory_space<vmem>>
        %dma_start3A_455 = arith.constant 0 : i32
        %dma_start3A_456 = arith.constant 0 : i32
        %dma_start3A_457 = tpu.memref_slice %arg11[%dma_start3A_455, %dma_start3A_456] : memref<10240x128xf32, #tpu.memory_space<vmem_shared>> -> memref<10240x128xf32, #tpu.memory_space<vmem_shared>>
        tpu.enqueue_indirect_dma source(%arg10 : memref<128x128xf32, #tpu.memory_space<vmem>>) target(%dma_start3A_457 : memref<10240x128xf32, #tpu.memory_space<vmem_shared>>) offsets(%dma_start3A_454 : memref<128xi32, #tpu.memory_space<vmem>>) semaphore(%run_scoped3A_451 : memref<!tpu.dma_semaphore, #tpu.memory_space<semaphore_mem>>) {add = true}
        %dma_wait3A_458 = arith.constant 0 : i32
        %dma_wait3A_459 = tpu.memref_slice %arg8[%run_scoped3A_318, %run_scoped3A_319, %dma_wait3A_458] : memref<2x8x128xi32, #tpu.memory_space<vmem>> -> memref<1x1x128xi32, #tpu.memory_space<vmem>>
        %dma_wait3A_460 = tpu.memref_squeeze %dma_wait3A_459 : memref<1x1x128xi32, #tpu.memory_space<vmem>> -> memref<128xi32, #tpu.memory_space<vmem>>
        %dma_wait3A_461 = arith.constant 0 : i32
        %dma_wait3A_462 = arith.constant 0 : i32
        %dma_wait3A_463 = tpu.memref_slice %arg11[%dma_wait3A_461, %dma_wait3A_462] : memref<10240x128xf32, #tpu.memory_space<vmem_shared>> -> memref<10240x128xf32, #tpu.memory_space<vmem_shared>>
        tpu.wait_indirect_dma semaphore(%run_scoped3A_451 : memref<!tpu.dma_semaphore, #tpu.memory_space<semaphore_mem>>) src(%arg10 : memref<128x128xf32, #tpu.memory_space<vmem>>) dst(%dma_wait3A_463 : memref<10240x128xf32, #tpu.memory_space<vmem_shared>>)
        tpu.yield
      }) : () -> ()
      %gt3A_320 = arith.constant 0 : i32
      %gt3A_321 = arith.cmpi sgt, %add3A_291, %gt3A_320 : i32
      %add3A_322 = arith.constant 1 : i32
      %add3A_323 = arith.addi %add3A_291, %add3A_322 : i32
      %lt3A_324 = arith.constant 10 : i32
      %lt3A_325 = arith.cmpi slt, %add3A_323, %lt3A_324 : i32
      %and3A_326 = arith.andi %gt3A_321, %lt3A_325 : i1
      %convert_element_type3A_327 = arith.extui %and3A_326 : i1 to i32
      %cond3A_328 = arith.constant 0 : i32
      %cond3A_329 = arith.cmpi ne, %convert_element_type3A_327, %cond3A_328 : i32
      scf.if %cond3A_329 {
        %add3A_451 = arith.constant 1 : i32
        %add3A_452 = arith.addi %add3A_291, %add3A_451 : i32
        %mul3A_453 = arith.constant 8 : i32
        %mul3A_454 = arith.muli %add3A_452, %mul3A_453 : i32
        %dma_start3A_455 = arith.constant 0 : i32
        %dma_start3A_456 = arith.constant 0 : i32
        %dma_start3A_457 = arith.constant 0 : i32
        %dma_start3A_458 = tpu.memref_slice %arg7[%dma_start3A_455, %dma_start3A_456, %dma_start3A_457] : memref<2x8x128xi32, #tpu.memory_space<vmem>> -> memref<1x8x128xi32, #tpu.memory_space<vmem>>
        %dma_start3A_459 = tpu.memref_squeeze %dma_start3A_458 : memref<1x8x128xi32, #tpu.memory_space<vmem>> -> memref<8x128xi32, #tpu.memory_space<vmem>>
        %dma_start3A_460 = arith.constant 0 : i32
        %dma_start3A_461 = tpu.memref_slice %arg3[%add3A, %mul3A_454, %dma_start3A_460] : memref<32x80x128xi32, #tpu.memory_space<hbm>> -> memref<1x8x128xi32, #tpu.memory_space<hbm>>
        %dma_start3A_462 = tpu.memref_squeeze %dma_start3A_461 : memref<1x8x128xi32, #tpu.memory_space<hbm>> -> memref<8x128xi32, #tpu.memory_space<hbm>>
        %dma_start3A_463 = arith.constant 0 : i32
        %dma_start3A_464 = arith.constant 0 : i32
        %dma_start3A_465 = tpu.memref_slice %arg7[%dma_start3A_455, %dma_start3A_463, %dma_start3A_464] : memref<2x8x128xi32, #tpu.memory_space<vmem>> -> memref<1x8x128xi32, #tpu.memory_space<vmem>>
        %dma_start3A_466 = tpu.memref_squeeze %dma_start3A_465 : memref<1x8x128xi32, #tpu.memory_space<vmem>> -> memref<8x128xi32, #tpu.memory_space<vmem>>
        %dma_start3A_467 = arith.constant 0 : i32
        %dma_start3A_468 = tpu.memref_slice %arg3[%add3A, %mul3A_454, %dma_start3A_467] : memref<32x80x128xi32, #tpu.memory_space<hbm>> -> memref<1x8x128xi32, #tpu.memory_space<hbm>>
        %dma_start3A_469 = tpu.memref_squeeze %dma_start3A_468 : memref<1x8x128xi32, #tpu.memory_space<hbm>> -> memref<8x128xi32, #tpu.memory_space<hbm>>
        tpu.enqueue_dma source(%dma_start3A_469 : memref<8x128xi32, #tpu.memory_space<hbm>>) target(%dma_start3A_466 : memref<8x128xi32, #tpu.memory_space<vmem>>) target_semaphore(%arg14 : memref<!tpu.dma_semaphore, #tpu.memory_space<semaphore_mem>>)
        %mul3A_470 = arith.constant 8 : i32
        %mul3A_471 = arith.muli %add3A_452, %mul3A_470 : i32
        %dma_start3A_472 = arith.constant 0 : i32
        %dma_start3A_473 = arith.constant 0 : i32
        %dma_start3A_474 = arith.constant 0 : i32
        %dma_start3A_475 = tpu.memref_slice %arg8[%dma_start3A_472, %dma_start3A_473, %dma_start3A_474] : memref<2x8x128xi32, #tpu.memory_space<vmem>> -> memref<1x8x128xi32, #tpu.memory_space<vmem>>
        %dma_start3A_476 = tpu.memref_squeeze %dma_start3A_475 : memref<1x8x128xi32, #tpu.memory_space<vmem>> -> memref<8x128xi32, #tpu.memory_space<vmem>>
        %dma_start3A_477 = arith.constant 0 : i32
        %dma_start3A_478 = tpu.memref_slice %arg4[%add3A, %mul3A_471, %dma_start3A_477] : memref<32x80x128xi32, #tpu.memory_space<hbm>> -> memref<1x8x128xi32, #tpu.memory_space<hbm>>
        %dma_start3A_479 = tpu.memref_squeeze %dma_start3A_478 : memref<1x8x128xi32, #tpu.memory_space<hbm>> -> memref<8x128xi32, #tpu.memory_space<hbm>>
        %dma_start3A_480 = arith.constant 0 : i32
        %dma_start3A_481 = arith.constant 0 : i32
        %dma_start3A_482 = tpu.memref_slice %arg8[%dma_start3A_472, %dma_start3A_480, %dma_start3A_481] : memref<2x8x128xi32, #tpu.memory_space<vmem>> -> memref<1x8x128xi32, #tpu.memory_space<vmem>>
        %dma_start3A_483 = tpu.memref_squeeze %dma_start3A_482 : memref<1x8x128xi32, #tpu.memory_space<vmem>> -> memref<8x128xi32, #tpu.memory_space<vmem>>
        %dma_start3A_484 = arith.constant 0 : i32
        %dma_start3A_485 = tpu.memref_slice %arg4[%add3A, %mul3A_471, %dma_start3A_484] : memref<32x80x128xi32, #tpu.memory_space<hbm>> -> memref<1x8x128xi32, #tpu.memory_space<hbm>>
        %dma_start3A_486 = tpu.memref_squeeze %dma_start3A_485 : memref<1x8x128xi32, #tpu.memory_space<hbm>> -> memref<8x128xi32, #tpu.memory_space<hbm>>
        tpu.enqueue_dma source(%dma_start3A_486 : memref<8x128xi32, #tpu.memory_space<hbm>>) target(%dma_start3A_483 : memref<8x128xi32, #tpu.memory_space<vmem>>) target_semaphore(%arg14 : memref<!tpu.dma_semaphore, #tpu.memory_space<semaphore_mem>>)
      } else {
      }
      %dma_start3A_330 = arith.constant 1 : i32
      %dma_start3A_331 = arith.constant 3 : i32
      %dma_start3A_332 = arith.constant 0 : i32
      %dma_start3A_333 = tpu.memref_slice %arg7[%dma_start3A_330, %dma_start3A_331, %dma_start3A_332] : memref<2x8x128xi32, #tpu.memory_space<vmem>> -> memref<1x1x128xi32, #tpu.memory_space<vmem>>
      %dma_start3A_334 = tpu.memref_squeeze %dma_start3A_333 : memref<1x1x128xi32, #tpu.memory_space<vmem>> -> memref<128xi32, #tpu.memory_space<vmem>>
      %dma_start3A_335 = arith.constant 0 : i32
      %dma_start3A_336 = arith.constant 0 : i32
      %dma_start3A_337 = tpu.memref_slice %arg2[%dma_start3A_335, %dma_start3A_336] : memref<10000x128xf32, #tpu.memory_space<hbm>> -> memref<10000x128xf32, #tpu.memory_space<hbm>>
      tpu.enqueue_indirect_dma source(%dma_start3A_337 : memref<10000x128xf32, #tpu.memory_space<hbm>>) target(%arg10 : memref<128x128xf32, #tpu.memory_space<vmem>>) offsets(%dma_start3A_334 : memref<128xi32, #tpu.memory_space<vmem>>) semaphore(%arg13 : memref<!tpu.dma_semaphore, #tpu.memory_space<semaphore_mem>>)
      %dma_wait3A_338 = arith.constant 1 : i32
      %dma_wait3A_339 = arith.constant 2 : i32
      %dma_wait3A_340 = arith.constant 0 : i32
      %dma_wait3A_341 = tpu.memref_slice %arg7[%dma_wait3A_338, %dma_wait3A_339, %dma_wait3A_340] : memref<2x8x128xi32, #tpu.memory_space<vmem>> -> memref<1x1x128xi32, #tpu.memory_space<vmem>>
      %dma_wait3A_342 = tpu.memref_squeeze %dma_wait3A_341 : memref<1x1x128xi32, #tpu.memory_space<vmem>> -> memref<128xi32, #tpu.memory_space<vmem>>
      %dma_wait3A_343 = arith.constant 0 : i32
      %dma_wait3A_344 = arith.constant 0 : i32
      %dma_wait3A_345 = tpu.memref_slice %arg2[%dma_wait3A_343, %dma_wait3A_344] : memref<10000x128xf32, #tpu.memory_space<hbm>> -> memref<10000x128xf32, #tpu.memory_space<hbm>>
      tpu.wait_indirect_dma semaphore(%arg12 : memref<!tpu.dma_semaphore, #tpu.memory_space<semaphore_mem>>) src(%dma_wait3A_345 : memref<10000x128xf32, #tpu.memory_space<hbm>>) dst(%arg9 : memref<128x128xf32, #tpu.memory_space<vmem>>)
      %run_scoped3A_346 = arith.constant 1 : i32
      %run_scoped3A_347 = arith.constant 2 : i32
      "tpu.region"() ({
        %run_scoped3A_451 = tpu.sem_alloc : memref<!tpu.dma_semaphore, #tpu.memory_space<semaphore_mem>>
        %dma_start3A_452 = arith.constant 0 : i32
        %dma_start3A_453 = tpu.memref_slice %arg8[%run_scoped3A_346, %run_scoped3A_347, %dma_start3A_452] : memref<2x8x128xi32, #tpu.memory_space<vmem>> -> memref<1x1x128xi32, #tpu.memory_space<vmem>>
        %dma_start3A_454 = tpu.memref_squeeze %dma_start3A_453 : memref<1x1x128xi32, #tpu.memory_space<vmem>> -> memref<128xi32, #tpu.memory_space<vmem>>
        %dma_start3A_455 = arith.constant 0 : i32
        %dma_start3A_456 = arith.constant 0 : i32
        %dma_start3A_457 = tpu.memref_slice %arg11[%dma_start3A_455, %dma_start3A_456] : memref<10240x128xf32, #tpu.memory_space<vmem_shared>> -> memref<10240x128xf32, #tpu.memory_space<vmem_shared>>
        tpu.enqueue_indirect_dma source(%arg9 : memref<128x128xf32, #tpu.memory_space<vmem>>) target(%dma_start3A_457 : memref<10240x128xf32, #tpu.memory_space<vmem_shared>>) offsets(%dma_start3A_454 : memref<128xi32, #tpu.memory_space<vmem>>) semaphore(%run_scoped3A_451 : memref<!tpu.dma_semaphore, #tpu.memory_space<semaphore_mem>>) {add = true}
        %dma_wait3A_458 = arith.constant 0 : i32
        %dma_wait3A_459 = tpu.memref_slice %arg8[%run_scoped3A_346, %run_scoped3A_347, %dma_wait3A_458] : memref<2x8x128xi32, #tpu.memory_space<vmem>> -> memref<1x1x128xi32, #tpu.memory_space<vmem>>
        %dma_wait3A_460 = tpu.memref_squeeze %dma_wait3A_459 : memref<1x1x128xi32, #tpu.memory_space<vmem>> -> memref<128xi32, #tpu.memory_space<vmem>>
        %dma_wait3A_461 = arith.constant 0 : i32
        %dma_wait3A_462 = arith.constant 0 : i32
        %dma_wait3A_463 = tpu.memref_slice %arg11[%dma_wait3A_461, %dma_wait3A_462] : memref<10240x128xf32, #tpu.memory_space<vmem_shared>> -> memref<10240x128xf32, #tpu.memory_space<vmem_shared>>
        tpu.wait_indirect_dma semaphore(%run_scoped3A_451 : memref<!tpu.dma_semaphore, #tpu.memory_space<semaphore_mem>>) src(%arg9 : memref<128x128xf32, #tpu.memory_space<vmem>>) dst(%dma_wait3A_463 : memref<10240x128xf32, #tpu.memory_space<vmem_shared>>)
        tpu.yield
      }) : () -> ()
      %dma_start3A_348 = arith.constant 1 : i32
      %dma_start3A_349 = arith.constant 4 : i32
      %dma_start3A_350 = arith.constant 0 : i32
      %dma_start3A_351 = tpu.memref_slice %arg7[%dma_start3A_348, %dma_start3A_349, %dma_start3A_350] : memref<2x8x128xi32, #tpu.memory_space<vmem>> -> memref<1x1x128xi32, #tpu.memory_space<vmem>>
      %dma_start3A_352 = tpu.memref_squeeze %dma_start3A_351 : memref<1x1x128xi32, #tpu.memory_space<vmem>> -> memref<128xi32, #tpu.memory_space<vmem>>
      %dma_start3A_353 = arith.constant 0 : i32
      %dma_start3A_354 = arith.constant 0 : i32
      %dma_start3A_355 = tpu.memref_slice %arg2[%dma_start3A_353, %dma_start3A_354] : memref<10000x128xf32, #tpu.memory_space<hbm>> -> memref<10000x128xf32, #tpu.memory_space<hbm>>
      tpu.enqueue_indirect_dma source(%dma_start3A_355 : memref<10000x128xf32, #tpu.memory_space<hbm>>) target(%arg9 : memref<128x128xf32, #tpu.memory_space<vmem>>) offsets(%dma_start3A_352 : memref<128xi32, #tpu.memory_space<vmem>>) semaphore(%arg12 : memref<!tpu.dma_semaphore, #tpu.memory_space<semaphore_mem>>)
      %dma_wait3A_356 = arith.constant 1 : i32
      %dma_wait3A_357 = arith.constant 3 : i32
      %dma_wait3A_358 = arith.constant 0 : i32
      %dma_wait3A_359 = tpu.memref_slice %arg7[%dma_wait3A_356, %dma_wait3A_357, %dma_wait3A_358] : memref<2x8x128xi32, #tpu.memory_space<vmem>> -> memref<1x1x128xi32, #tpu.memory_space<vmem>>
      %dma_wait3A_360 = tpu.memref_squeeze %dma_wait3A_359 : memref<1x1x128xi32, #tpu.memory_space<vmem>> -> memref<128xi32, #tpu.memory_space<vmem>>
      %dma_wait3A_361 = arith.constant 0 : i32
      %dma_wait3A_362 = arith.constant 0 : i32
      %dma_wait3A_363 = tpu.memref_slice %arg2[%dma_wait3A_361, %dma_wait3A_362] : memref<10000x128xf32, #tpu.memory_space<hbm>> -> memref<10000x128xf32, #tpu.memory_space<hbm>>
      tpu.wait_indirect_dma semaphore(%arg13 : memref<!tpu.dma_semaphore, #tpu.memory_space<semaphore_mem>>) src(%dma_wait3A_363 : memref<10000x128xf32, #tpu.memory_space<hbm>>) dst(%arg10 : memref<128x128xf32, #tpu.memory_space<vmem>>)
      %run_scoped3A_364 = arith.constant 1 : i32
      %run_scoped3A_365 = arith.constant 3 : i32
      "tpu.region"() ({
        %run_scoped3A_451 = tpu.sem_alloc : memref<!tpu.dma_semaphore, #tpu.memory_space<semaphore_mem>>
        %dma_start3A_452 = arith.constant 0 : i32
        %dma_start3A_453 = tpu.memref_slice %arg8[%run_scoped3A_364, %run_scoped3A_365, %dma_start3A_452] : memref<2x8x128xi32, #tpu.memory_space<vmem>> -> memref<1x1x128xi32, #tpu.memory_space<vmem>>
        %dma_start3A_454 = tpu.memref_squeeze %dma_start3A_453 : memref<1x1x128xi32, #tpu.memory_space<vmem>> -> memref<128xi32, #tpu.memory_space<vmem>>
        %dma_start3A_455 = arith.constant 0 : i32
        %dma_start3A_456 = arith.constant 0 : i32
        %dma_start3A_457 = tpu.memref_slice %arg11[%dma_start3A_455, %dma_start3A_456] : memref<10240x128xf32, #tpu.memory_space<vmem_shared>> -> memref<10240x128xf32, #tpu.memory_space<vmem_shared>>
        tpu.enqueue_indirect_dma source(%arg10 : memref<128x128xf32, #tpu.memory_space<vmem>>) target(%dma_start3A_457 : memref<10240x128xf32, #tpu.memory_space<vmem_shared>>) offsets(%dma_start3A_454 : memref<128xi32, #tpu.memory_space<vmem>>) semaphore(%run_scoped3A_451 : memref<!tpu.dma_semaphore, #tpu.memory_space<semaphore_mem>>) {add = true}
        %dma_wait3A_458 = arith.constant 0 : i32
        %dma_wait3A_459 = tpu.memref_slice %arg8[%run_scoped3A_364, %run_scoped3A_365, %dma_wait3A_458] : memref<2x8x128xi32, #tpu.memory_space<vmem>> -> memref<1x1x128xi32, #tpu.memory_space<vmem>>
        %dma_wait3A_460 = tpu.memref_squeeze %dma_wait3A_459 : memref<1x1x128xi32, #tpu.memory_space<vmem>> -> memref<128xi32, #tpu.memory_space<vmem>>
        %dma_wait3A_461 = arith.constant 0 : i32
        %dma_wait3A_462 = arith.constant 0 : i32
        %dma_wait3A_463 = tpu.memref_slice %arg11[%dma_wait3A_461, %dma_wait3A_462] : memref<10240x128xf32, #tpu.memory_space<vmem_shared>> -> memref<10240x128xf32, #tpu.memory_space<vmem_shared>>
        tpu.wait_indirect_dma semaphore(%run_scoped3A_451 : memref<!tpu.dma_semaphore, #tpu.memory_space<semaphore_mem>>) src(%arg10 : memref<128x128xf32, #tpu.memory_space<vmem>>) dst(%dma_wait3A_463 : memref<10240x128xf32, #tpu.memory_space<vmem_shared>>)
        tpu.yield
      }) : () -> ()
      %dma_start3A_366 = arith.constant 1 : i32
      %dma_start3A_367 = arith.constant 5 : i32
      %dma_start3A_368 = arith.constant 0 : i32
      %dma_start3A_369 = tpu.memref_slice %arg7[%dma_start3A_366, %dma_start3A_367, %dma_start3A_368] : memref<2x8x128xi32, #tpu.memory_space<vmem>> -> memref<1x1x128xi32, #tpu.memory_space<vmem>>
      %dma_start3A_370 = tpu.memref_squeeze %dma_start3A_369 : memref<1x1x128xi32, #tpu.memory_space<vmem>> -> memref<128xi32, #tpu.memory_space<vmem>>
      %dma_start3A_371 = arith.constant 0 : i32
      %dma_start3A_372 = arith.constant 0 : i32
      %dma_start3A_373 = tpu.memref_slice %arg2[%dma_start3A_371, %dma_start3A_372] : memref<10000x128xf32, #tpu.memory_space<hbm>> -> memref<10000x128xf32, #tpu.memory_space<hbm>>
      tpu.enqueue_indirect_dma source(%dma_start3A_373 : memref<10000x128xf32, #tpu.memory_space<hbm>>) target(%arg10 : memref<128x128xf32, #tpu.memory_space<vmem>>) offsets(%dma_start3A_370 : memref<128xi32, #tpu.memory_space<vmem>>) semaphore(%arg13 : memref<!tpu.dma_semaphore, #tpu.memory_space<semaphore_mem>>)
      %dma_wait3A_374 = arith.constant 1 : i32
      %dma_wait3A_375 = arith.constant 4 : i32
      %dma_wait3A_376 = arith.constant 0 : i32
      %dma_wait3A_377 = tpu.memref_slice %arg7[%dma_wait3A_374, %dma_wait3A_375, %dma_wait3A_376] : memref<2x8x128xi32, #tpu.memory_space<vmem>> -> memref<1x1x128xi32, #tpu.memory_space<vmem>>
      %dma_wait3A_378 = tpu.memref_squeeze %dma_wait3A_377 : memref<1x1x128xi32, #tpu.memory_space<vmem>> -> memref<128xi32, #tpu.memory_space<vmem>>
      %dma_wait3A_379 = arith.constant 0 : i32
      %dma_wait3A_380 = arith.constant 0 : i32
      %dma_wait3A_381 = tpu.memref_slice %arg2[%dma_wait3A_379, %dma_wait3A_380] : memref<10000x128xf32, #tpu.memory_space<hbm>> -> memref<10000x128xf32, #tpu.memory_space<hbm>>
      tpu.wait_indirect_dma semaphore(%arg12 : memref<!tpu.dma_semaphore, #tpu.memory_space<semaphore_mem>>) src(%dma_wait3A_381 : memref<10000x128xf32, #tpu.memory_space<hbm>>) dst(%arg9 : memref<128x128xf32, #tpu.memory_space<vmem>>)
      %run_scoped3A_382 = arith.constant 1 : i32
      %run_scoped3A_383 = arith.constant 4 : i32
      "tpu.region"() ({
        %run_scoped3A_451 = tpu.sem_alloc : memref<!tpu.dma_semaphore, #tpu.memory_space<semaphore_mem>>
        %dma_start3A_452 = arith.constant 0 : i32
        %dma_start3A_453 = tpu.memref_slice %arg8[%run_scoped3A_382, %run_scoped3A_383, %dma_start3A_452] : memref<2x8x128xi32, #tpu.memory_space<vmem>> -> memref<1x1x128xi32, #tpu.memory_space<vmem>>
        %dma_start3A_454 = tpu.memref_squeeze %dma_start3A_453 : memref<1x1x128xi32, #tpu.memory_space<vmem>> -> memref<128xi32, #tpu.memory_space<vmem>>
        %dma_start3A_455 = arith.constant 0 : i32
        %dma_start3A_456 = arith.constant 0 : i32
        %dma_start3A_457 = tpu.memref_slice %arg11[%dma_start3A_455, %dma_start3A_456] : memref<10240x128xf32, #tpu.memory_space<vmem_shared>> -> memref<10240x128xf32, #tpu.memory_space<vmem_shared>>
        tpu.enqueue_indirect_dma source(%arg9 : memref<128x128xf32, #tpu.memory_space<vmem>>) target(%dma_start3A_457 : memref<10240x128xf32, #tpu.memory_space<vmem_shared>>) offsets(%dma_start3A_454 : memref<128xi32, #tpu.memory_space<vmem>>) semaphore(%run_scoped3A_451 : memref<!tpu.dma_semaphore, #tpu.memory_space<semaphore_mem>>) {add = true}
        %dma_wait3A_458 = arith.constant 0 : i32
        %dma_wait3A_459 = tpu.memref_slice %arg8[%run_scoped3A_382, %run_scoped3A_383, %dma_wait3A_458] : memref<2x8x128xi32, #tpu.memory_space<vmem>> -> memref<1x1x128xi32, #tpu.memory_space<vmem>>
        %dma_wait3A_460 = tpu.memref_squeeze %dma_wait3A_459 : memref<1x1x128xi32, #tpu.memory_space<vmem>> -> memref<128xi32, #tpu.memory_space<vmem>>
        %dma_wait3A_461 = arith.constant 0 : i32
        %dma_wait3A_462 = arith.constant 0 : i32
        %dma_wait3A_463 = tpu.memref_slice %arg11[%dma_wait3A_461, %dma_wait3A_462] : memref<10240x128xf32, #tpu.memory_space<vmem_shared>> -> memref<10240x128xf32, #tpu.memory_space<vmem_shared>>
        tpu.wait_indirect_dma semaphore(%run_scoped3A_451 : memref<!tpu.dma_semaphore, #tpu.memory_space<semaphore_mem>>) src(%arg9 : memref<128x128xf32, #tpu.memory_space<vmem>>) dst(%dma_wait3A_463 : memref<10240x128xf32, #tpu.memory_space<vmem_shared>>)
        tpu.yield
      }) : () -> ()
      %dma_start3A_384 = arith.constant 1 : i32
      %dma_start3A_385 = arith.constant 6 : i32
      %dma_start3A_386 = arith.constant 0 : i32
      %dma_start3A_387 = tpu.memref_slice %arg7[%dma_start3A_384, %dma_start3A_385, %dma_start3A_386] : memref<2x8x128xi32, #tpu.memory_space<vmem>> -> memref<1x1x128xi32, #tpu.memory_space<vmem>>
      %dma_start3A_388 = tpu.memref_squeeze %dma_start3A_387 : memref<1x1x128xi32, #tpu.memory_space<vmem>> -> memref<128xi32, #tpu.memory_space<vmem>>
      %dma_start3A_389 = arith.constant 0 : i32
      %dma_start3A_390 = arith.constant 0 : i32
      %dma_start3A_391 = tpu.memref_slice %arg2[%dma_start3A_389, %dma_start3A_390] : memref<10000x128xf32, #tpu.memory_space<hbm>> -> memref<10000x128xf32, #tpu.memory_space<hbm>>
      tpu.enqueue_indirect_dma source(%dma_start3A_391 : memref<10000x128xf32, #tpu.memory_space<hbm>>) target(%arg9 : memref<128x128xf32, #tpu.memory_space<vmem>>) offsets(%dma_start3A_388 : memref<128xi32, #tpu.memory_space<vmem>>) semaphore(%arg12 : memref<!tpu.dma_semaphore, #tpu.memory_space<semaphore_mem>>)
      %dma_wait3A_392 = arith.constant 1 : i32
      %dma_wait3A_393 = arith.constant 5 : i32
      %dma_wait3A_394 = arith.constant 0 : i32
      %dma_wait3A_395 = tpu.memref_slice %arg7[%dma_wait3A_392, %dma_wait3A_393, %dma_wait3A_394] : memref<2x8x128xi32, #tpu.memory_space<vmem>> -> memref<1x1x128xi32, #tpu.memory_space<vmem>>
      %dma_wait3A_396 = tpu.memref_squeeze %dma_wait3A_395 : memref<1x1x128xi32, #tpu.memory_space<vmem>> -> memref<128xi32, #tpu.memory_space<vmem>>
      %dma_wait3A_397 = arith.constant 0 : i32
      %dma_wait3A_398 = arith.constant 0 : i32
      %dma_wait3A_399 = tpu.memref_slice %arg2[%dma_wait3A_397, %dma_wait3A_398] : memref<10000x128xf32, #tpu.memory_space<hbm>> -> memref<10000x128xf32, #tpu.memory_space<hbm>>
      tpu.wait_indirect_dma semaphore(%arg13 : memref<!tpu.dma_semaphore, #tpu.memory_space<semaphore_mem>>) src(%dma_wait3A_399 : memref<10000x128xf32, #tpu.memory_space<hbm>>) dst(%arg10 : memref<128x128xf32, #tpu.memory_space<vmem>>)
      %run_scoped3A_400 = arith.constant 1 : i32
      %run_scoped3A_401 = arith.constant 5 : i32
      "tpu.region"() ({
        %run_scoped3A_451 = tpu.sem_alloc : memref<!tpu.dma_semaphore, #tpu.memory_space<semaphore_mem>>
        %dma_start3A_452 = arith.constant 0 : i32
        %dma_start3A_453 = tpu.memref_slice %arg8[%run_scoped3A_400, %run_scoped3A_401, %dma_start3A_452] : memref<2x8x128xi32, #tpu.memory_space<vmem>> -> memref<1x1x128xi32, #tpu.memory_space<vmem>>
        %dma_start3A_454 = tpu.memref_squeeze %dma_start3A_453 : memref<1x1x128xi32, #tpu.memory_space<vmem>> -> memref<128xi32, #tpu.memory_space<vmem>>
        %dma_start3A_455 = arith.constant 0 : i32
        %dma_start3A_456 = arith.constant 0 : i32
        %dma_start3A_457 = tpu.memref_slice %arg11[%dma_start3A_455, %dma_start3A_456] : memref<10240x128xf32, #tpu.memory_space<vmem_shared>> -> memref<10240x128xf32, #tpu.memory_space<vmem_shared>>
        tpu.enqueue_indirect_dma source(%arg10 : memref<128x128xf32, #tpu.memory_space<vmem>>) target(%dma_start3A_457 : memref<10240x128xf32, #tpu.memory_space<vmem_shared>>) offsets(%dma_start3A_454 : memref<128xi32, #tpu.memory_space<vmem>>) semaphore(%run_scoped3A_451 : memref<!tpu.dma_semaphore, #tpu.memory_space<semaphore_mem>>) {add = true}
        %dma_wait3A_458 = arith.constant 0 : i32
        %dma_wait3A_459 = tpu.memref_slice %arg8[%run_scoped3A_400, %run_scoped3A_401, %dma_wait3A_458] : memref<2x8x128xi32, #tpu.memory_space<vmem>> -> memref<1x1x128xi32, #tpu.memory_space<vmem>>
        %dma_wait3A_460 = tpu.memref_squeeze %dma_wait3A_459 : memref<1x1x128xi32, #tpu.memory_space<vmem>> -> memref<128xi32, #tpu.memory_space<vmem>>
        %dma_wait3A_461 = arith.constant 0 : i32
        %dma_wait3A_462 = arith.constant 0 : i32
        %dma_wait3A_463 = tpu.memref_slice %arg11[%dma_wait3A_461, %dma_wait3A_462] : memref<10240x128xf32, #tpu.memory_space<vmem_shared>> -> memref<10240x128xf32, #tpu.memory_space<vmem_shared>>
        tpu.wait_indirect_dma semaphore(%run_scoped3A_451 : memref<!tpu.dma_semaphore, #tpu.memory_space<semaphore_mem>>) src(%arg10 : memref<128x128xf32, #tpu.memory_space<vmem>>) dst(%dma_wait3A_463 : memref<10240x128xf32, #tpu.memory_space<vmem_shared>>)
        tpu.yield
      }) : () -> ()
      %dma_start3A_402 = arith.constant 1 : i32
      %dma_start3A_403 = arith.constant 7 : i32
      %dma_start3A_404 = arith.constant 0 : i32
      %dma_start3A_405 = tpu.memref_slice %arg7[%dma_start3A_402, %dma_start3A_403, %dma_start3A_404] : memref<2x8x128xi32, #tpu.memory_space<vmem>> -> memref<1x1x128xi32, #tpu.memory_space<vmem>>
      %dma_start3A_406 = tpu.memref_squeeze %dma_start3A_405 : memref<1x1x128xi32, #tpu.memory_space<vmem>> -> memref<128xi32, #tpu.memory_space<vmem>>
      %dma_start3A_407 = arith.constant 0 : i32
      %dma_start3A_408 = arith.constant 0 : i32
      %dma_start3A_409 = tpu.memref_slice %arg2[%dma_start3A_407, %dma_start3A_408] : memref<10000x128xf32, #tpu.memory_space<hbm>> -> memref<10000x128xf32, #tpu.memory_space<hbm>>
      tpu.enqueue_indirect_dma source(%dma_start3A_409 : memref<10000x128xf32, #tpu.memory_space<hbm>>) target(%arg10 : memref<128x128xf32, #tpu.memory_space<vmem>>) offsets(%dma_start3A_406 : memref<128xi32, #tpu.memory_space<vmem>>) semaphore(%arg13 : memref<!tpu.dma_semaphore, #tpu.memory_space<semaphore_mem>>)
      %dma_wait3A_410 = arith.constant 1 : i32
      %dma_wait3A_411 = arith.constant 6 : i32
      %dma_wait3A_412 = arith.constant 0 : i32
      %dma_wait3A_413 = tpu.memref_slice %arg7[%dma_wait3A_410, %dma_wait3A_411, %dma_wait3A_412] : memref<2x8x128xi32, #tpu.memory_space<vmem>> -> memref<1x1x128xi32, #tpu.memory_space<vmem>>
      %dma_wait3A_414 = tpu.memref_squeeze %dma_wait3A_413 : memref<1x1x128xi32, #tpu.memory_space<vmem>> -> memref<128xi32, #tpu.memory_space<vmem>>
      %dma_wait3A_415 = arith.constant 0 : i32
      %dma_wait3A_416 = arith.constant 0 : i32
      %dma_wait3A_417 = tpu.memref_slice %arg2[%dma_wait3A_415, %dma_wait3A_416] : memref<10000x128xf32, #tpu.memory_space<hbm>> -> memref<10000x128xf32, #tpu.memory_space<hbm>>
      tpu.wait_indirect_dma semaphore(%arg12 : memref<!tpu.dma_semaphore, #tpu.memory_space<semaphore_mem>>) src(%dma_wait3A_417 : memref<10000x128xf32, #tpu.memory_space<hbm>>) dst(%arg9 : memref<128x128xf32, #tpu.memory_space<vmem>>)
      %run_scoped3A_418 = arith.constant 1 : i32
      %run_scoped3A_419 = arith.constant 6 : i32
      "tpu.region"() ({
        %run_scoped3A_451 = tpu.sem_alloc : memref<!tpu.dma_semaphore, #tpu.memory_space<semaphore_mem>>
        %dma_start3A_452 = arith.constant 0 : i32
        %dma_start3A_453 = tpu.memref_slice %arg8[%run_scoped3A_418, %run_scoped3A_419, %dma_start3A_452] : memref<2x8x128xi32, #tpu.memory_space<vmem>> -> memref<1x1x128xi32, #tpu.memory_space<vmem>>
        %dma_start3A_454 = tpu.memref_squeeze %dma_start3A_453 : memref<1x1x128xi32, #tpu.memory_space<vmem>> -> memref<128xi32, #tpu.memory_space<vmem>>
        %dma_start3A_455 = arith.constant 0 : i32
        %dma_start3A_456 = arith.constant 0 : i32
        %dma_start3A_457 = tpu.memref_slice %arg11[%dma_start3A_455, %dma_start3A_456] : memref<10240x128xf32, #tpu.memory_space<vmem_shared>> -> memref<10240x128xf32, #tpu.memory_space<vmem_shared>>
        tpu.enqueue_indirect_dma source(%arg9 : memref<128x128xf32, #tpu.memory_space<vmem>>) target(%dma_start3A_457 : memref<10240x128xf32, #tpu.memory_space<vmem_shared>>) offsets(%dma_start3A_454 : memref<128xi32, #tpu.memory_space<vmem>>) semaphore(%run_scoped3A_451 : memref<!tpu.dma_semaphore, #tpu.memory_space<semaphore_mem>>) {add = true}
        %dma_wait3A_458 = arith.constant 0 : i32
        %dma_wait3A_459 = tpu.memref_slice %arg8[%run_scoped3A_418, %run_scoped3A_419, %dma_wait3A_458] : memref<2x8x128xi32, #tpu.memory_space<vmem>> -> memref<1x1x128xi32, #tpu.memory_space<vmem>>
        %dma_wait3A_460 = tpu.memref_squeeze %dma_wait3A_459 : memref<1x1x128xi32, #tpu.memory_space<vmem>> -> memref<128xi32, #tpu.memory_space<vmem>>
        %dma_wait3A_461 = arith.constant 0 : i32
        %dma_wait3A_462 = arith.constant 0 : i32
        %dma_wait3A_463 = tpu.memref_slice %arg11[%dma_wait3A_461, %dma_wait3A_462] : memref<10240x128xf32, #tpu.memory_space<vmem_shared>> -> memref<10240x128xf32, #tpu.memory_space<vmem_shared>>
        tpu.wait_indirect_dma semaphore(%run_scoped3A_451 : memref<!tpu.dma_semaphore, #tpu.memory_space<semaphore_mem>>) src(%arg9 : memref<128x128xf32, #tpu.memory_space<vmem>>) dst(%dma_wait3A_463 : memref<10240x128xf32, #tpu.memory_space<vmem_shared>>)
        tpu.yield
      }) : () -> ()
      %add3A_420 = arith.constant 1 : i32
      %add3A_421 = arith.addi %add3A_291, %add3A_420 : i32
      %lt3A_422 = arith.constant 10 : i32
      %lt3A_423 = arith.cmpi slt, %add3A_421, %lt3A_422 : i32
      %convert_element_type3A_424 = arith.extui %lt3A_423 : i1 to i32
      %cond3A_425 = arith.constant 0 : i32
      %cond3A_426 = arith.cmpi ne, %convert_element_type3A_424, %cond3A_425 : i32
      scf.if %cond3A_426 {
        %dma_wait3A_451 = arith.constant 0 : i32
        %dma_wait3A_452 = arith.constant 0 : i32
        %dma_wait3A_453 = arith.constant 0 : i32
        %dma_wait3A_454 = tpu.memref_slice %arg7[%dma_wait3A_451, %dma_wait3A_452, %dma_wait3A_453] : memref<2x8x128xi32, #tpu.memory_space<vmem>> -> memref<1x8x128xi32, #tpu.memory_space<vmem>>
        %dma_wait3A_455 = tpu.memref_squeeze %dma_wait3A_454 : memref<1x8x128xi32, #tpu.memory_space<vmem>> -> memref<8x128xi32, #tpu.memory_space<vmem>>
        %dma_wait3A_456 = arith.constant 0 : i32
        %dma_wait3A_457 = arith.constant 0 : i32
        %dma_wait3A_458 = tpu.memref_slice %arg3[%add3A, %dma_wait3A_456, %dma_wait3A_457] : memref<32x80x128xi32, #tpu.memory_space<hbm>> -> memref<1x8x128xi32, #tpu.memory_space<hbm>>
        %dma_wait3A_459 = tpu.memref_squeeze %dma_wait3A_458 : memref<1x8x128xi32, #tpu.memory_space<hbm>> -> memref<8x128xi32, #tpu.memory_space<hbm>>
        %dma_wait3A_460 = arith.constant 0 : i32
        %dma_wait3A_461 = arith.constant 0 : i32
        %dma_wait3A_462 = tpu.memref_slice %arg7[%dma_wait3A_451, %dma_wait3A_460, %dma_wait3A_461] : memref<2x8x128xi32, #tpu.memory_space<vmem>> -> memref<1x8x128xi32, #tpu.memory_space<vmem>>
        %dma_wait3A_463 = tpu.memref_squeeze %dma_wait3A_462 : memref<1x8x128xi32, #tpu.memory_space<vmem>> -> memref<8x128xi32, #tpu.memory_space<vmem>>
        %dma_wait3A_464 = arith.constant 0 : i32
        %dma_wait3A_465 = arith.constant 0 : i32
        %dma_wait3A_466 = tpu.memref_slice %arg3[%add3A, %dma_wait3A_464, %dma_wait3A_465] : memref<32x80x128xi32, #tpu.memory_space<hbm>> -> memref<1x8x128xi32, #tpu.memory_space<hbm>>
        %dma_wait3A_467 = tpu.memref_squeeze %dma_wait3A_466 : memref<1x8x128xi32, #tpu.memory_space<hbm>> -> memref<8x128xi32, #tpu.memory_space<hbm>>
        tpu.wait_dma2 semaphore(%arg14 : memref<!tpu.dma_semaphore, #tpu.memory_space<semaphore_mem>>) src(%dma_wait3A_467 : memref<8x128xi32, #tpu.memory_space<hbm>>) dst(%dma_wait3A_463 : memref<8x128xi32, #tpu.memory_space<vmem>>)
        %dma_wait3A_468 = arith.constant 0 : i32
        %dma_wait3A_469 = arith.constant 0 : i32
        %dma_wait3A_470 = arith.constant 0 : i32
        %dma_wait3A_471 = tpu.memref_slice %arg8[%dma_wait3A_468, %dma_wait3A_469, %dma_wait3A_470] : memref<2x8x128xi32, #tpu.memory_space<vmem>> -> memref<1x8x128xi32, #tpu.memory_space<vmem>>
        %dma_wait3A_472 = tpu.memref_squeeze %dma_wait3A_471 : memref<1x8x128xi32, #tpu.memory_space<vmem>> -> memref<8x128xi32, #tpu.memory_space<vmem>>
        %dma_wait3A_473 = arith.constant 0 : i32
        %dma_wait3A_474 = arith.constant 0 : i32
        %dma_wait3A_475 = tpu.memref_slice %arg4[%add3A, %dma_wait3A_473, %dma_wait3A_474] : memref<32x80x128xi32, #tpu.memory_space<hbm>> -> memref<1x8x128xi32, #tpu.memory_space<hbm>>
        %dma_wait3A_476 = tpu.memref_squeeze %dma_wait3A_475 : memref<1x8x128xi32, #tpu.memory_space<hbm>> -> memref<8x128xi32, #tpu.memory_space<hbm>>
        %dma_wait3A_477 = arith.constant 0 : i32
        %dma_wait3A_478 = arith.constant 0 : i32
        %dma_wait3A_479 = tpu.memref_slice %arg8[%dma_wait3A_468, %dma_wait3A_477, %dma_wait3A_478] : memref<2x8x128xi32, #tpu.memory_space<vmem>> -> memref<1x8x128xi32, #tpu.memory_space<vmem>>
        %dma_wait3A_480 = tpu.memref_squeeze %dma_wait3A_479 : memref<1x8x128xi32, #tpu.memory_space<vmem>> -> memref<8x128xi32, #tpu.memory_space<vmem>>
        %dma_wait3A_481 = arith.constant 0 : i32
        %dma_wait3A_482 = arith.constant 0 : i32
        %dma_wait3A_483 = tpu.memref_slice %arg4[%add3A, %dma_wait3A_481, %dma_wait3A_482] : memref<32x80x128xi32, #tpu.memory_space<hbm>> -> memref<1x8x128xi32, #tpu.memory_space<hbm>>
        %dma_wait3A_484 = tpu.memref_squeeze %dma_wait3A_483 : memref<1x8x128xi32, #tpu.memory_space<hbm>> -> memref<8x128xi32, #tpu.memory_space<hbm>>
        tpu.wait_dma2 semaphore(%arg14 : memref<!tpu.dma_semaphore, #tpu.memory_space<semaphore_mem>>) src(%dma_wait3A_484 : memref<8x128xi32, #tpu.memory_space<hbm>>) dst(%dma_wait3A_480 : memref<8x128xi32, #tpu.memory_space<vmem>>)
      } else {
      }
      %add3A_427 = arith.constant 1 : i32
      %add3A_428 = arith.addi %add3A_291, %add3A_427 : i32
      %lt3A_429 = arith.constant 10 : i32
      %lt3A_430 = arith.cmpi slt, %add3A_428, %lt3A_429 : i32
      %convert_element_type3A_431 = arith.extui %lt3A_430 : i1 to i32
      %cond3A_432 = arith.constant 0 : i32
      %cond3A_433 = arith.cmpi ne, %convert_element_type3A_431, %cond3A_432 : i32
      scf.if %cond3A_433 {
        %dma_start3A_451 = arith.constant 0 : i32
        %dma_start3A_452 = arith.constant 0 : i32
        %dma_start3A_453 = arith.constant 0 : i32
        %dma_start3A_454 = tpu.memref_slice %arg7[%dma_start3A_451, %dma_start3A_452, %dma_start3A_453] : memref<2x8x128xi32, #tpu.memory_space<vmem>> -> memref<1x1x128xi32, #tpu.memory_space<vmem>>
        %dma_start3A_455 = tpu.memref_squeeze %dma_start3A_454 : memref<1x1x128xi32, #tpu.memory_space<vmem>> -> memref<128xi32, #tpu.memory_space<vmem>>
        %dma_start3A_456 = arith.constant 0 : i32
        %dma_start3A_457 = arith.constant 0 : i32
        %dma_start3A_458 = tpu.memref_slice %arg2[%dma_start3A_456, %dma_start3A_457] : memref<10000x128xf32, #tpu.memory_space<hbm>> -> memref<10000x128xf32, #tpu.memory_space<hbm>>
        tpu.enqueue_indirect_dma source(%dma_start3A_458 : memref<10000x128xf32, #tpu.memory_space<hbm>>) target(%arg9 : memref<128x128xf32, #tpu.memory_space<vmem>>) offsets(%dma_start3A_455 : memref<128xi32, #tpu.memory_space<vmem>>) semaphore(%arg12 : memref<!tpu.dma_semaphore, #tpu.memory_space<semaphore_mem>>)
      } else {
      }
      %dma_wait3A_434 = arith.constant 1 : i32
      %dma_wait3A_435 = arith.constant 7 : i32
      %dma_wait3A_436 = arith.constant 0 : i32
      %dma_wait3A_437 = tpu.memref_slice %arg7[%dma_wait3A_434, %dma_wait3A_435, %dma_wait3A_436] : memref<2x8x128xi32, #tpu.memory_space<vmem>> -> memref<1x1x128xi32, #tpu.memory_space<vmem>>
      %dma_wait3A_438 = tpu.memref_squeeze %dma_wait3A_437 : memref<1x1x128xi32, #tpu.memory_space<vmem>> -> memref<128xi32, #tpu.memory_space<vmem>>
      %dma_wait3A_439 = arith.constant 0 : i32
      %dma_wait3A_440 = arith.constant 0 : i32
      %dma_wait3A_441 = tpu.memref_slice %arg2[%dma_wait3A_439, %dma_wait3A_440] : memref<10000x128xf32, #tpu.memory_space<hbm>> -> memref<10000x128xf32, #tpu.memory_space<hbm>>
      tpu.wait_indirect_dma semaphore(%arg13 : memref<!tpu.dma_semaphore, #tpu.memory_space<semaphore_mem>>) src(%dma_wait3A_441 : memref<10000x128xf32, #tpu.memory_space<hbm>>) dst(%arg10 : memref<128x128xf32, #tpu.memory_space<vmem>>)
      %run_scoped3A_442 = arith.constant 1 : i32
      %run_scoped3A_443 = arith.constant 7 : i32
      "tpu.region"() ({
        %run_scoped3A_451 = tpu.sem_alloc : memref<!tpu.dma_semaphore, #tpu.memory_space<semaphore_mem>>
        %dma_start3A_452 = arith.constant 0 : i32
        %dma_start3A_453 = tpu.memref_slice %arg8[%run_scoped3A_442, %run_scoped3A_443, %dma_start3A_452] : memref<2x8x128xi32, #tpu.memory_space<vmem>> -> memref<1x1x128xi32, #tpu.memory_space<vmem>>
        %dma_start3A_454 = tpu.memref_squeeze %dma_start3A_453 : memref<1x1x128xi32, #tpu.memory_space<vmem>> -> memref<128xi32, #tpu.memory_space<vmem>>
        %dma_start3A_455 = arith.constant 0 : i32
        %dma_start3A_456 = arith.constant 0 : i32
        %dma_start3A_457 = tpu.memref_slice %arg11[%dma_start3A_455, %dma_start3A_456] : memref<10240x128xf32, #tpu.memory_space<vmem_shared>> -> memref<10240x128xf32, #tpu.memory_space<vmem_shared>>
        tpu.enqueue_indirect_dma source(%arg10 : memref<128x128xf32, #tpu.memory_space<vmem>>) target(%dma_start3A_457 : memref<10240x128xf32, #tpu.memory_space<vmem_shared>>) offsets(%dma_start3A_454 : memref<128xi32, #tpu.memory_space<vmem>>) semaphore(%run_scoped3A_451 : memref<!tpu.dma_semaphore, #tpu.memory_space<semaphore_mem>>) {add = true}
        %dma_wait3A_458 = arith.constant 0 : i32
        %dma_wait3A_459 = tpu.memref_slice %arg8[%run_scoped3A_442, %run_scoped3A_443, %dma_wait3A_458] : memref<2x8x128xi32, #tpu.memory_space<vmem>> -> memref<1x1x128xi32, #tpu.memory_space<vmem>>
        %dma_wait3A_460 = tpu.memref_squeeze %dma_wait3A_459 : memref<1x1x128xi32, #tpu.memory_space<vmem>> -> memref<128xi32, #tpu.memory_space<vmem>>
        %dma_wait3A_461 = arith.constant 0 : i32
        %dma_wait3A_462 = arith.constant 0 : i32
        %dma_wait3A_463 = tpu.memref_slice %arg11[%dma_wait3A_461, %dma_wait3A_462] : memref<10240x128xf32, #tpu.memory_space<vmem_shared>> -> memref<10240x128xf32, #tpu.memory_space<vmem_shared>>
        tpu.wait_indirect_dma semaphore(%run_scoped3A_451 : memref<!tpu.dma_semaphore, #tpu.memory_space<semaphore_mem>>) src(%arg10 : memref<128x128xf32, #tpu.memory_space<vmem>>) dst(%dma_wait3A_463 : memref<10240x128xf32, #tpu.memory_space<vmem_shared>>)
        tpu.yield
      }) : () -> ()
      %add3A_444 = arith.constant 1 : i32
      %add3A_445 = arith.addi %add3A_291, %add3A_444 : i32
      %lt3A_446 = arith.constant 10 : i32
      %lt3A_447 = arith.cmpi slt, %add3A_445, %lt3A_446 : i32
      %convert_element_type3A_448 = arith.extui %lt3A_447 : i1 to i32
      %cond3A_449 = arith.constant 0 : i32
      %cond3A_450 = arith.cmpi ne, %convert_element_type3A_448, %cond3A_449 : i32
      scf.if %cond3A_450 {
        %dma_start3A_451 = arith.constant 0 : i32
        %dma_start3A_452 = arith.constant 1 : i32
        %dma_start3A_453 = arith.constant 0 : i32
        %dma_start3A_454 = tpu.memref_slice %arg7[%dma_start3A_451, %dma_start3A_452, %dma_start3A_453] : memref<2x8x128xi32, #tpu.memory_space<vmem>> -> memref<1x1x128xi32, #tpu.memory_space<vmem>>
        %dma_start3A_455 = tpu.memref_squeeze %dma_start3A_454 : memref<1x1x128xi32, #tpu.memory_space<vmem>> -> memref<128xi32, #tpu.memory_space<vmem>>
        %dma_start3A_456 = arith.constant 0 : i32
        %dma_start3A_457 = arith.constant 0 : i32
        %dma_start3A_458 = tpu.memref_slice %arg2[%dma_start3A_456, %dma_start3A_457] : memref<10000x128xf32, #tpu.memory_space<hbm>> -> memref<10000x128xf32, #tpu.memory_space<hbm>>
        tpu.enqueue_indirect_dma source(%dma_start3A_458 : memref<10000x128xf32, #tpu.memory_space<hbm>>) target(%arg10 : memref<128x128xf32, #tpu.memory_space<vmem>>) offsets(%dma_start3A_455 : memref<128xi32, #tpu.memory_space<vmem>>) semaphore(%arg13 : memref<!tpu.dma_semaphore, #tpu.memory_space<semaphore_mem>>)
      } else {
      }
    }
    %scan3A_123 = arith.constant 5 : i32
    %barrier3A_124 = arith.constant 0 : index
    tpu.barrier barrier_id(%barrier3A_124)
    %mul3A_125 = arith.constant 640 : i32
    %mul3A_126 = arith.muli %arg1, %mul3A_125 : i32
    %mul3A_127 = arith.constant 10240 : i32
    %mul3A_128 = arith.muli %arg0, %mul3A_127 : i32
    %mul3A_129 = arith.constant 640 : i32
    %mul3A_130 = arith.muli %arg1, %mul3A_129 : i32
    %add3A_131 = arith.addi %mul3A_128, %mul3A_130 : i32
    "tpu.region"() ({
      %run_scoped3A = tpu.sem_alloc : memref<!tpu.dma_semaphore, #tpu.memory_space<semaphore_mem>>
      %dma_start3A_132 = arith.constant 0 : i32
      %dma_start3A_133 = tpu.memref_slice %arg6[%add3A_131, %dma_start3A_132] : memref<20480x128xf32, #tpu.memory_space<hbm>> -> memref<640x128xf32, #tpu.memory_space<hbm>>
      %dma_start3A_134 = arith.constant 0 : i32
      %dma_start3A_135 = tpu.memref_slice %arg11[%mul3A_126, %dma_start3A_134] : memref<10240x128xf32, #tpu.memory_space<vmem_shared>> -> memref<640x128xf32, #tpu.memory_space<vmem_shared>>
      tpu.enqueue_dma source(%dma_start3A_135 : memref<640x128xf32, #tpu.memory_space<vmem_shared>>) target(%dma_start3A_133 : memref<640x128xf32, #tpu.memory_space<hbm>>) target_semaphore(%run_scoped3A : memref<!tpu.dma_semaphore, #tpu.memory_space<semaphore_mem>>)
      %dma_wait3A_136 = arith.constant 0 : i32
      %dma_wait3A_137 = tpu.memref_slice %arg6[%add3A_131, %dma_wait3A_136] : memref<20480x128xf32, #tpu.memory_space<hbm>> -> memref<640x128xf32, #tpu.memory_space<hbm>>
      %dma_wait3A_138 = arith.constant 0 : i32
      %dma_wait3A_139 = tpu.memref_slice %arg11[%mul3A_126, %dma_wait3A_138] : memref<10240x128xf32, #tpu.memory_space<vmem_shared>> -> memref<640x128xf32, #tpu.memory_space<vmem_shared>>
      tpu.wait_dma2 semaphore(%run_scoped3A : memref<!tpu.dma_semaphore, #tpu.memory_space<semaphore_mem>>) src(%dma_wait3A_139 : memref<640x128xf32, #tpu.memory_space<vmem_shared>>) dst(%dma_wait3A_137 : memref<640x128xf32, #tpu.memory_space<hbm>>)
      tpu.yield
    }) : () -> ()
    return
  }
}

module attributes {stable_mosaic.version = 14 : i64} {
  func.func @body(%arg0: i32, %arg1: memref<1x2000x128xf32, #tpu.memory_space<vmem>>, %arg2: memref<1x2000x128xf32, #tpu.memory_space<vmem>>, %arg3: memref<128x128xf32, #tpu.memory_space<vmem>>, %arg4: memref<1x128xf32, #tpu.memory_space<vmem>>, %arg5: memref<2000x128xf32, #tpu.memory_space<vmem>>) attributes {dimension_semantics = [#tpu.dimension_semantics<arbitrary>], iteration_bounds = array<i64: 5>, scalar_prefetch = 0 : i64, scratch_operands = 0 : i64, tpu.core_type = #tpu.core_type<tc>, window_params = [{transform_indices = @transform_0, window_bounds = array<i64: 1, 2000, 128>}, {transform_indices = @transform_1, window_bounds = array<i64: 1, 2000, 128>}, {pipeline_mode = #tpu.pipeline_mode<synchronous>, transform_indices = @transform_2, window_bounds = array<i64: 128, 128>}, {pipeline_mode = #tpu.pipeline_mode<synchronous>, transform_indices = @transform_3, window_bounds = array<i64: 1, 128>}, {transform_indices = @transform_4, window_bounds = array<i64: 2000, 128>}]} {
    %get3A = arith.constant 0 : index
    %get3A_0 = arith.constant 0 : index
    %get3A_1 = arith.constant 0 : index
    %get3A_2 = vector.load %arg1[%get3A, %get3A_0, %get3A_1] : memref<1x2000x128xf32, #tpu.memory_space<vmem>>, vector<1x2000x128xf32>
    %get3A_3 = vector.shape_cast %get3A_2 : vector<1x2000x128xf32> to vector<2000x128xf32>
    %get3A_4 = arith.constant 0 : index
    %get3A_5 = arith.constant 0 : index
    %get3A_6 = arith.constant 0 : index
    %get3A_7 = vector.load %arg2[%get3A_4, %get3A_5, %get3A_6] : memref<1x2000x128xf32, #tpu.memory_space<vmem>>, vector<1x2000x128xf32>
    %get3A_8 = vector.shape_cast %get3A_7 : vector<1x2000x128xf32> to vector<2000x128xf32>
    %add3A = arith.addf %get3A_3, %get3A_8 : vector<2000x128xf32>
    %get3A_9 = arith.constant 0 : index
    %get3A_10 = arith.constant 0 : index
    %get3A_11 = vector.load %arg3[%get3A_9, %get3A_10] : memref<128x128xf32, #tpu.memory_space<vmem>>, vector<128x128xf32>
    %dot_general3A = arith.constant dense<0.000000e+00> : vector<2000x128xf32>
    %dot_general3A_12 = tpu.matmul %add3A, %get3A_11, %dot_general3A {dimension_numbers = #tpu.dot_dimension_numbers<[1], [0], [0], [1], [0, 0, 1, 1], [], []>, transpose_lhs_hint = false} : vector<2000x128xf32>, vector<128x128xf32>, vector<2000x128xf32> -> vector<2000x128xf32>
    %get3A_13 = arith.constant 0 : index
    %get3A_14 = arith.constant 0 : index
    %get3A_15 = vector.load %arg4[%get3A_13, %get3A_14] : memref<1x128xf32, #tpu.memory_space<vmem>>, vector<1x128xf32>
    %add3A_16 = vector.broadcast %get3A_15 : vector<1x128xf32> to vector<2000x128xf32>
    %add3A_17 = arith.addf %dot_general3A_12, %add3A_16 : vector<2000x128xf32>
    %max3A = arith.constant 0.000000e+00 : f32
    %max3A_18 = vector.broadcast %max3A : f32 to vector<2000x128xf32>
    %max3A_19 = arith.maximumf %add3A_17, %max3A_18 : vector<2000x128xf32>
    %swap3A = arith.constant 0 : index
    %swap3A_20 = arith.constant 0 : index
    %swap3A_21 = vector.load %arg5[%swap3A, %swap3A_20] : memref<2000x128xf32, #tpu.memory_space<vmem>>, vector<2000x128xf32>
    tpu.vector_store %arg5[%swap3A, %swap3A_20], %max3A_19 {strides = array<i32>} : memref<2000x128xf32, #tpu.memory_space<vmem>>, vector<2000x128xf32>,
    return
  }
  func.func @transform_0(%arg0: i32) -> (i32, i32, i32) {
    %c0_i32 = arith.constant 0 : i32
    %c0_i32_0 = arith.constant 0 : i32
    %c0_i32_1 = arith.constant 0 : i32
    return %c0_i32, %arg0, %c0_i32_0 : i32, i32, i32
  }
  func.func @transform_1(%arg0: i32) -> (i32, i32, i32) {
    %c1_i32 = arith.constant 1 : i32
    %c0_i32 = arith.constant 0 : i32
    %c0_i32_0 = arith.constant 0 : i32
    return %c1_i32, %arg0, %c0_i32 : i32, i32, i32
  }
  func.func @transform_2(%arg0: i32) -> (i32, i32) {
    %c0_i32 = arith.constant 0 : i32
    %c0_i32_0 = arith.constant 0 : i32
    %c0_i32_1 = arith.constant 0 : i32
    return %c0_i32, %c0_i32_0 : i32, i32
  }
  func.func @transform_3(%arg0: i32) -> (i32, i32) {
    %c0_i32 = arith.constant 0 : i32
    %c0_i32_0 = arith.constant 0 : i32
    %c0_i32_1 = arith.constant 0 : i32
    return %c0_i32, %c0_i32_0 : i32, i32
  }
  func.func @transform_4(%arg0: i32) -> (i32, i32) {
    %c0_i32 = arith.constant 0 : i32
    %c0_i32_0 = arith.constant 0 : i32
    return %arg0, %c0_i32 : i32, i32
  }
}

module attributes {stable_mosaic.version = 14 : i64} {
  func.func @body(%arg0: i32, %arg1: memref<1x2000x128xf32, #tpu.memory_space<vmem>>, %arg2: memref<1x2000x128xf32, #tpu.memory_space<vmem>>, %arg3: memref<128x128xf32, #tpu.memory_space<vmem>>, %arg4: memref<1x128xf32, #tpu.memory_space<vmem>>, %arg5: memref<2000x128xf32, #tpu.memory_space<vmem>>) attributes {dimension_semantics = [#tpu.dimension_semantics<arbitrary>], iteration_bounds = array<i64: 5>, scalar_prefetch = 0 : i64, scratch_operands = 0 : i64, tpu.core_type = #tpu.core_type<tc>, window_params = [{transform_indices = @transform_0, window_bounds = array<i64: 1, 2000, 128>}, {transform_indices = @transform_1, window_bounds = array<i64: 1, 2000, 128>}, {pipeline_mode = #tpu.pipeline_mode<synchronous>, transform_indices = @transform_2, window_bounds = array<i64: 128, 128>}, {pipeline_mode = #tpu.pipeline_mode<synchronous>, transform_indices = @transform_3, window_bounds = array<i64: 1, 128>}, {transform_indices = @transform_4, window_bounds = array<i64: 2000, 128>}]} {
    %get3A = arith.constant 0 : index
    %get3A_0 = arith.constant 0 : index
    %get3A_1 = arith.constant 0 : index
    %get3A_2 = vector.load %arg1[%get3A, %get3A_0, %get3A_1] : memref<1x2000x128xf32, #tpu.memory_space<vmem>>, vector<1x2000x128xf32>
    %get3A_3 = vector.shape_cast %get3A_2 : vector<1x2000x128xf32> to vector<2000x128xf32>
    %get3A_4 = arith.constant 0 : index
    %get3A_5 = arith.constant 0 : index
    %get3A_6 = arith.constant 0 : index
    %get3A_7 = vector.load %arg2[%get3A_4, %get3A_5, %get3A_6] : memref<1x2000x128xf32, #tpu.memory_space<vmem>>, vector<1x2000x128xf32>
    %get3A_8 = vector.shape_cast %get3A_7 : vector<1x2000x128xf32> to vector<2000x128xf32>
    %add3A = arith.addf %get3A_3, %get3A_8 : vector<2000x128xf32>
    %get3A_9 = arith.constant 0 : index
    %get3A_10 = arith.constant 0 : index
    %get3A_11 = vector.load %arg3[%get3A_9, %get3A_10] : memref<128x128xf32, #tpu.memory_space<vmem>>, vector<128x128xf32>
    %dot_general3A = arith.constant dense<0.000000e+00> : vector<2000x128xf32>
    %dot_general3A_12 = tpu.matmul %add3A, %get3A_11, %dot_general3A {dimension_numbers = #tpu.dot_dimension_numbers<[1], [0], [0], [1], [0, 0, 1, 1], [], []>, transpose_lhs_hint = false} : vector<2000x128xf32>, vector<128x128xf32>, vector<2000x128xf32> -> vector<2000x128xf32>
    %get3A_13 = arith.constant 0 : index
    %get3A_14 = arith.constant 0 : index
    %get3A_15 = vector.load %arg4[%get3A_13, %get3A_14] : memref<1x128xf32, #tpu.memory_space<vmem>>, vector<1x128xf32>
    %add3A_16 = vector.broadcast %get3A_15 : vector<1x128xf32> to vector<2000x128xf32>
    %add3A_17 = arith.addf %dot_general3A_12, %add3A_16 : vector<2000x128xf32>
    %max3A = arith.constant 0.000000e+00 : f32
    %max3A_18 = vector.broadcast %max3A : f32 to vector<2000x128xf32>
    %max3A_19 = arith.maximumf %add3A_17, %max3A_18 : vector<2000x128xf32>
    %swap3A = arith.constant 0 : index
    %swap3A_20 = arith.constant 0 : index
    %swap3A_21 = vector.load %arg5[%swap3A, %swap3A_20] : memref<2000x128xf32, #tpu.memory_space<vmem>>, vector<2000x128xf32>
    tpu.vector_store %arg5[%swap3A, %swap3A_20], %max3A_19 {strides = array<i32>} : memref<2000x128xf32, #tpu.memory_space<vmem>>, vector<2000x128xf32>,
    return
  }
  func.func @transform_0(%arg0: i32) -> (i32, i32, i32) {
    %c0_i32 = arith.constant 0 : i32
    %c0_i32_0 = arith.constant 0 : i32
    %c0_i32_1 = arith.constant 0 : i32
    return %c0_i32, %arg0, %c0_i32_0 : i32, i32, i32
  }
  func.func @transform_1(%arg0: i32) -> (i32, i32, i32) {
    %c1_i32 = arith.constant 1 : i32
    %c0_i32 = arith.constant 0 : i32
    %c0_i32_0 = arith.constant 0 : i32
    return %c1_i32, %arg0, %c0_i32 : i32, i32, i32
  }
  func.func @transform_2(%arg0: i32) -> (i32, i32) {
    %c0_i32 = arith.constant 0 : i32
    %c0_i32_0 = arith.constant 0 : i32
    %c0_i32_1 = arith.constant 0 : i32
    return %c0_i32, %c0_i32_0 : i32, i32
  }
  func.func @transform_3(%arg0: i32) -> (i32, i32) {
    %c0_i32 = arith.constant 0 : i32
    %c0_i32_0 = arith.constant 0 : i32
    %c0_i32_1 = arith.constant 0 : i32
    return %c0_i32, %c0_i32_0 : i32, i32
  }
  func.func @transform_4(%arg0: i32) -> (i32, i32) {
    %c0_i32 = arith.constant 0 : i32
    %c0_i32_0 = arith.constant 0 : i32
    return %arg0, %c0_i32 : i32, i32
  }
}

</mosaic_0001>

<sc_bundles>
// kernel: kernel.6.cloned.1.call-start
scs
__scs_entry_jumppad:
0x0: {  	(pc) =	sbr.rel $0x88, $3  }
0x1: {  	(tag) =	ssettag $0x0;
	lr =	simm.s32 $0x1  }
0x2: {  	[smem:$0x3F9B] =	sst lr;
	_ =	strace $0xD0000000  }
0x3: {  	_ = 	snop  }
0x4: {  	_ = 	snop  }
0x5: {  	_ = 	snop  }
0x6: {  	_ = 	snop  }
0x7: {  	_ = 	snop  }
__scs_overlays_trampoline_lowered:
0x8: {  	[smem:$0x3FAA] =	sst s0  }
0x9: {  	[smem:$0x3FAB] =	sst s1  }
0xa: {  	[smem:$0x3FAC] =	sst s2  }
0xb: {  	[smem:$0x3FAD] =	sst s3  }
0xc: {  	[smem:$0x3FAE] =	sst s4  }
0xd: {  	[smem:$0x3FAF] =	sst s5  }
0xe: {  	[smem:$0x3FB0] =	sst s6  }
0xf: {  	[smem:$0x3FB1] =	sst s7  }
0x10: {  	[smem:$0x3FB2] =	sst s8  }
0x11: {  	[smem:$0x3FB3] =	sst s9;
	s0 =	simm.s32 @!p0 $0x0  }
0x12: {  	s1 =	sld [smem:$0x3F99];
	s0 =	simm.s32 @p0 $0x1  }
0x13: {  	[smem:$0x3FB4] =	sst s0;
	s0 =	simm.s32 @!p1 $0x0  }
0x14: {  	s2 =	sld [smem:$0x3F98];
	s0 =	simm.s32 @p1 $0x1  }
0x15: {  	[smem:$0x3FB5] =	sst s0;
	s0 =	simm.s32 @!p2 $0x0  }
0x16: {  	s3 =	sld [smem:$0x3FDB];
	s0 =	simm.s32 @p2 $0x1  }
0x17: {  	s4 =	simm.s32 $0x1BF5;
	[smem:$0x3FB7] =	sst s0  }
0x18: {  	s0 =	sld [smem:$0x3F9A];
	_ =	swait.ge [sflag:s4], $0x0  }
0x19: {  	s7 =	sld [smem:$0x3F9B]  }
0x1a: {  	s8 =	sadd.s32 $0xFFFFE003, lr  }
0x1b: {  	s9 =	sadd.s32 $0xFFFFFEF7, lr;
	s5 =	simm.s32 $0xFFFFFFFF;
	p2 =	slt.u32 s8, $0xFFFFF086  }
0x1c: {  	p1 =	slt.u32 s9, $0xF7A;
	s5 =	simm.s32 @!p2 $0x0  }
0x1d: {  	s5 =	simm.s32 @p1 $0x1;
	p0 =	seq.s32 s7, s2  }
0x1e: {  	s7 =	smul.u32 @!p0 $0xF7A, s2;
	p2 =	seq.s32 @!p0 s5, $0x0  }
0x1f: {  	s9 =	smul.u32 $0xF7A, s1;
	s8 =	simm.s32 @!p0 $0x1BF5;
	p2 =	por !p2, p0  }
0x20: {  	[sflag:s8] =	ssyncset.s32 @!p0 $0xFFFFF086;
	s6 =	sadd.s32 @!p0 s3, s7;
	s7 =	simm.s32 @!p0 $0x108  }
0x21: {  	s3 =	sadd.s32 s3, s9;
	s6 =	sadd.s32 @!p0 $0x88, s6;
	s7 =	simm.s32 @p2 $0x1082  }
0x22: {  	[simem:s7], [sflag:s8] =	dma.local @!p0 [hbm:s6], $0xF7A  }
0x23: {  	s9 =	sor.u32 $0xD0000000, s2;
	s6 =	simm.s32 $0x108;
	_ =	swait.ge @!p0 [sflag:s8], $0x0  }
0x24: {  	s3 =	sadd.s32 $0x88, s3;
	s6 =	simm.s32 @!p1 $0x1082;
	[sflag:s4] =	ssyncset.s32 $0xFFFFF086  }
0x25: {  	[simem:s6], [sflag:s4] =	dma.local [hbm:s3], $0xF7A  }
0x26: {  	[smem:$0x3F9B] =	sst s1;
	(tag) =	ssettag s2;
	_ =	strace s9  }
0x27: {  	s1 =	sld [smem:$0x3FAB]  }
0x28: {  	s2 =	sld [smem:$0x3FAC]  }
0x29: {  	s4 =	sld [smem:$0x3FAE]  }
0x2a: {  	p0 =	seq.s32 s5, $0x0;
	s5 =	sld [smem:$0x3FAF]  }
0x2b: {  	s6 =	sld [smem:$0x3FB0]  }
0x2c: {  	s7 =	sld [smem:$0x3FB1]  }
0x2d: {  	s3 =	simm.s32 $0x108;
	s8 =	sld [smem:$0x3FB2]  }
0x2e: {  	s3 =	simm.s32 @!p0 $0x1082;
	s9 =	sld [smem:$0x3FB3]  }
0x2f: {  	lr =	sadd.s32 s0, s3;
	s0 =	sld [smem:$0x3FAA]  }
0x30: {  	s3 =	sld [smem:$0x3FAD]  }
0x31: {  	[smem:$0x3FB6] =	sst s10  }
0x32: {  	s10 =	sld [smem:$0x3FB4];
	_ =	sdelay $0x3  }
0x33: {  	p0 =	seq.s32 s10, $0x1;
	s10 =	sld [smem:$0x3FB6];
	_ =	sdelay $0x3  }
0x34: {  	[smem:$0x3FB6] =	sst s10  }
0x35: {  	s10 =	sld [smem:$0x3FB5];
	_ =	sdelay $0x3  }
0x36: {  	p1 =	seq.s32 s10, $0x1;
	s10 =	sld [smem:$0x3FB6];
	_ =	sdelay $0x3  }
0x37: {  	[smem:$0x3FB6] =	sst s10  }
0x38: {  	s10 =	sld [smem:$0x3FB7]  }
0x39: {  	_ = 	snop;
	(pc) =	sbr.ind lr, $3  }
0x3a: {  	_ = 	snop  }
0x3b: {  	_ = 	snop  }
0x3c: {  	p2 =	seq.s32 s10, $0x1;
	s10 =	sld [smem:$0x3FB6]  }
0x3d: {  	_ =	shalt  }
0x3e: {  	_ =	shalt  }
0x3f: {  	_ =	shalt  }
0x40: {  	_ =	shalt  }
0x41: {  	_ =	shalt  }
0x42: {  	_ =	shalt  }
0x43: {  	_ =	shalt  }
0x44: {  	_ =	shalt  }
0x45: {  	_ =	shalt  }
0x46: {  	_ =	shalt  }
0x47: {  	_ =	shalt  }
0x48: {  	_ =	shalt  }
0x49: {  	_ =	shalt  }
0x4a: {  	_ =	shalt  }
0x4b: {  	_ =	shalt  }
0x4c: {  	_ =	shalt  }
0x4d: {  	_ =	shalt  }
0x4e: {  	_ =	shalt  }
0x4f: {  	_ =	shalt  }
0x50: {  	_ =	shalt  }
0x51: {  	_ =	shalt  }
0x52: {  	_ =	shalt  }
0x53: {  	_ =	shalt  }
0x54: {  	_ =	shalt  }
0x55: {  	_ =	shalt  }
0x56: {  	_ =	shalt  }
0x57: {  	_ =	shalt  }
0x58: {  	_ =	shalt  }
0x59: {  	_ =	shalt  }
0x5a: {  	_ =	shalt  }
0x5b: {  	_ =	shalt  }
0x5c: {  	_ =	shalt  }
0x5d: {  	_ =	shalt  }
0x5e: {  	_ =	shalt  }
0x5f: {  	_ =	shalt  }
0x60: {  	_ =	shalt  }
0x61: {  	_ =	shalt  }
0x62: {  	_ =	shalt  }
0x63: {  	_ =	shalt  }
0x64: {  	_ =	shalt  }
0x65: {  	_ =	shalt  }
0x66: {  	_ =	shalt  }
0x67: {  	_ =	shalt  }
0x68: {  	_ =	shalt  }
0x69: {  	_ =	shalt  }
0x6a: {  	_ =	shalt  }
0x6b: {  	_ =	shalt  }
0x6c: {  	_ =	shalt  }
0x6d: {  	_ =	shalt  }
0x6e: {  	_ =	shalt  }
0x6f: {  	_ =	shalt  }
0x70: {  	_ =	shalt  }
0x71: {  	_ =	shalt  }
0x72: {  	_ =	shalt  }
0x73: {  	_ =	shalt  }
0x74: {  	_ =	shalt  }
0x75: {  	_ =	shalt  }
0x76: {  	_ =	shalt  }
0x77: {  	_ =	shalt  }
0x78: {  	_ =	shalt  }
0x79: {  	_ =	shalt  }
0x7a: {  	_ =	shalt  }
0x7b: {  	_ =	shalt  }
0x7c: {  	_ =	shalt  }
0x7d: {  	_ =	shalt  }
0x7e: {  	_ =	shalt  }
0x7f: {  	_ =	shalt  }
0x80: {  	_ =	shalt  }
0x81: {  	_ =	shalt  }
0x82: {  	_ =	shalt  }
0x83: {  	_ =	shalt  }
0x84: {  	_ =	shalt  }
0x85: {  	_ =	shalt  }
0x86: {  	_ =	shalt  }
0x87: {  	_ =	shalt  }
.Lfunc_end0:
.L_simem_size_0:
called_computation_lowered:
.L_overlay_start_0:
0x88: {  	s2 =	sld [smem:$0x3FD9]  }
0x89: {  	s3 =	sld [smem:$0x3FFE];
	_ =	sdelay $0x1  }
0x8a: {  	s1 =	srdreg.scid  }
0x8b: {  	s0 =	sand.u32 $0x1, s1  }
0x8c: {  	s17 =	sshll.u32 s0, $0xA;
	s2 =	sadd.s32 s3, s2  }
0x8d: {  	s2 =	sadd.s32 s2, s17  }
0x8e: {  	[smem:$0x3FC2] =	sst s2  }
0x8f: {  	_ = 	snop  }
0x90: {  	s2 =	sld [smem:$0x3FC9];
	(tm) =	ssettm $0x1  }
0x91: {  	s18 =	sld [smem:$0x3FFB];
	_ =	sdelay $0x3  }
0x92: {  	_ =	strace s18  }
0x93: {  	s3 =	sld [smem:$0x3FFC];
	_ =	sdelay $0x3  }
0x94: {  	_ =	strace s3  }
0x95: {  	s3 =	sld [smem:$0x3FFD];
	_ =	sdelay $0x3  }
0x96: {  	_ =	strace s3  }
0x97: {  	_ =	strace $0x8FFFFFFF  }
0x98: {  	s19 =	sld [smem:$0x3FDB];
	_ =	sdelay $0x1  }
0x99: {  	s4 =	simm.s32 $_scs_section_size  }
0x9a: {  	s5 =	simm.s32 $_size__tile_overlayer_lowered;
	s6 =	simm.s32 $_tile_overlayer_lowered  }
0x9b: {  	s22 =	simm.s32 $0x1BFF;
	s21 =	sshll.u32 s6, $0x1;
	s3 =	sadd.s32 s4, s19  }
0x9c: {  	s7 =	simm.s32 $0x0;
	s20 =	sshll.u32 s5, $0x1;
	s5 =	sadd.s32 s21, s3  }
0x9d: {  	[timem:s7], [sflag:s22] =	dma.local [hbm:s5], s20  }
0x9e: {  	_ =	swait.ge [sflag:s22], s20  }
0x9f: {  	s4 =	ssub.s32 $0x0, s20;
	[sflag:s22] =	ssyncset.done $0x0  }
0xa0: {  	[sflag:s22] =	ssyncadd.s32 s4;
	_ =	sdelay $0x1  }
0xa1: {  	s23 =	simm.s32 $0x1B8B  }
0xa2: {  	_ =	swait.ge [sflag:s23], $0x1  }
0xa3: {  	[sflag:s23] =	ssyncset.done $0x0  }
0xa4: {  	s25 =	simm.s32 $0x1B8E;
	s24 =	sld [smem:$0x3FFE];
	[sflag:s23] =	ssyncadd.s32 $0xFFFFFFFF  }
0xa5: {  	s26 =	simm.s32 $execute0_lowered;
	[smem:$0x3FD2] =	sst s25  }
0xa6: {  	s5 =	sshll.u32 s26, $0x1;
	_ =	strace $0x80000046;
	[dreg:$0x1] =	wrdreg $0xFFFFFFFF  }
0xa7: {  	s28 =	simm.s32 $_size_execute0_lowered;
	s3 =	sadd.s32 s3, s5;
	[dreg:$0x0] =	wrdreg $0x0  }
0xa8: {  	s5 =	sshll.u32 s28, $0x1;
	[dreg:$0x2] =	wrdreg s3  }
0xa9: {  	[dreg:$0x3] =	wrdreg s5  }
0xaa: {  	[dreg:$0x4] =	wrdreg $0xC0  }
0xab: {  	_ =	task [dreg:s7], $0x5FFFF  }
0xac: {  	[dreg:$0x1] =	wrdreg $0xFFFFFFFF  }
0xad: {  	[dreg:$0x0] =	wrdreg $0x60  }
0xae: {  	[dreg:$0x2] =	wrdreg s2  }
0xaf: {  	[dreg:$0x3] =	wrdreg s24  }
0xb0: {  	[dreg:$0x4] =	wrdreg $0x90000  }
0xb1: {  	[dreg:$0x5] =	wrdreg $0x9  }
0xb2: {  	_ =	task.clear_ibuf [dreg:s7], $0x6FFFF;
	_ =	strace $0x90000046  }
0xb3: {  	s29 =	simm.s32 $0x9;
	_ =	strace $0x80000048  }
0xb4: {  	_ =	swait.ge [sflag:s29], $0x1  }
0xb5: {  	[sflag:s29] =	ssyncadd.s32 $0xFFFFFFFF  }
0xb6: {  	_ =	strace $0x90000048  }
0xb7: {  	_ =	sfence  }
0xb8: {  	s30 =	sld [smem:$0x0];
	_ =	sdelay $0x2  }
0xb9: {  	s31 =	sshll.u32 s1, $0xD;
	s1 =	sshrl.u32 s1, $0x2  }
0xba: {  	s3 =	sand.u32 $0x4000, s31;
	s1 =	sadd.s32 s1, s30  }
0xbb: {  	s0 =	sor.u32 s3, s0;
	s1 =	sshll.u32 s1, $0x11  }
0xbc: {  	s0 =	sor.u32 s1, s0  }
0xbd: {  	s0 =	sadd.s32 $0x8F2B, s0  }
0xbe: {  	[sflag:s0] =	ssyncadd.remote.s32 $0x1  }
0xbf: {  	_ =	sfence.sel $0xFFFF  }
0xc0: {  	[dreg:$0x0] =	wrdreg $0xFFFFFFFF;
	(pc) =	sbr.abs _section_cstart, $3  }
0xc1: {  	[dreg:$0x1] =	wrdreg $0xFFFFFFFF  }
0xc2: {  	_ =	task.clear_ibuf [dreg:s7], $0x2FFFF;
	_ =	strace $0x9FFFFFFF  }
0xc3: {  	(tm) =	ssettm $0x7FFFFFFF  }
tec
execute0_lowered:
.L_overlay_start_1:
0x0: {  	(tag) =	ssettag $0x1  }
0x1: {  	s0 =	srdreg.scid;
	s1 =	rddreg [dreg:$0x0]  }
0x2: {  	s11 =	stileid.u32;
	s4 =	rddreg [dreg:$0x1]  }
0x3: {  	s3 =	rddreg [dreg:$0x2];
	s5 =	simm.s32 $0x0;
	s29 =	simm.s32 $0x2  }
0x4: {  	s14 =	simm.s32 $0x4;
	s30 =	simm.s32 $0x600;
	s7 =	smul.u32 $0x2800, s11  }
0x5: {  	s31 =	simm.s32 $0xD80;
	s28 =	simm.s32 $0x0;
	s19 =	smul.u32 $0x50000, s11  }
0x6: {  	s0 =	sand.u32 $0x1, s0;
	s2 =	sshll.u32 s11, $0x1;
	s11 =	smul.u32 $0x5000, s11  }
0x7: {  	[smem:$0x7FF] =	sst s5;
	s5 =	sadd.s32 $0x1000, s4;
	s8 =	smul.u32 $0x28000, s0  }
0x8: {  	s2 =	sor.u32 s0, s2;
	s18 =	ssub.s32 $0x2, s0;
	s0 =	smul.u32 $0x2800, s0  }
0x9: {  	s6 =	sadd.s32 $0xB000, s4;
	_ =	strace $0x80000047;
	s2 =	smul.u32 $0x2800, s2  }
0xa: {  	s10 =	sshrl.u32 s18, $0x1;
	s23 =	sshrl.u32 s19, $0x2;
	s19 =	simm.s32 $0x3  }
0xb: {  	s7 =	sadd.s32 s7, s8;
	s0 =	sadd.s32 s0, s11;
	s8 =	simm.s32 $0xE80  }
0xc: {  	s11 =	simm.s32 $0xF80;
	s9 =	sadd.s32 s2, s4;
	s4 =	sadd.s32 s7, s4  }
0xd: {  	s2 =	sshrl.u32 s2, $0x3;
	s7 =	ssub.s32 s18, s10;
	s25 =	sor.u32 $0x400, s0  }
0xe: {  	s0 =	sadd.s32 $0x800, s0;
	s10 =	simm.s32 $0xF00;
	s20 =	sor.u32 $0x80, s2  }
0xf: {  	s12 =	sadd.s32 s5, s2;
	s2 =	sadd.s32 s6, s2;
	[dreg:$0xc] =	wrdreg s0  }
0x10: {  	s24 =	sadd.s32 $0x15000, s9;
	s4 =	sadd.s32 $0x65000, s4;
	[dreg:$0x4] =	wrdreg s12  }
0x11: {  	s26 =	smax.u32 s7, $0x1;
	s0 =	simm.s32 $0xE00;
	[dreg:$0x5] =	wrdreg s2  }
0x12: {  	s7 =	simm.s32 $0x700;
	s9 =	simm.s32 $0x780;
	[dreg:$0x9] =	wrdreg s24  }
0x13: {  	s21 =	sadd.s32 s5, s20;
	s22 =	sadd.s32 s6, s20;
	[dreg:$0xa] =	wrdreg s4  }
0x14: {  	s2 =	sadd.s32 s23, s3;
	[dreg:$0xb] =	wrdreg s26;
	s23 =	simm.s32 $0x1000  }
.Ltmp0:
0x15: {  	s24 =	simm.s32 $0x5000;
	[dreg:$0x6] =	wrdreg s21;
	(pc) =	sbr.rel .LBB2_1-.Ltmp0, $4  }
0x16: {  	s26 =	simm.s32 $0x1;
	s20 =	simm.s32 $0x580;
	[dreg:$0x7] =	wrdreg s22  }
0x17: {  	s12 =	simm.s32 $0x0;
	[dreg:$0x8] =	wrdreg s2;
	s2 =	sshrl.u32 s25, $0x3  }
0x18: {  	s22 =	simm.s32 $0x80;
	s25 =	simm.s32 $0x5;
	s21 =	simm.s32 $0xD00  }
0x19: {  	s16 =	sadd.s32 s2, s6;
	s17 =	sadd.s32 s2, s5;
	s2 =	simm.s32 $0x680  }
.LBB2_4:
0x1a: {  	_ =	swait.ge [sflag:s29], $0x4000  }
0x1b: {  	[sflag:s29] =	ssyncset.done $0x0  }
0x1c: {  	[sflag:s29] =	ssyncadd.s32 $0xFFFFC000  }
0x1d: {  	[spmem:s3] =	stream.indirect.scatter.add.f32 [tilespmem:s24], [sflag:$0x5], $0x80, s11, s22, $0xb8;
	[tilespmem:$0x1D000] =	vst v63  }
0x1e: {  	_ =	swait.ge [sflag:s25], $0x4000  }
0x1f: {  	[sflag:s25] =	ssyncset.done $0x0  }
0x20: {  	[sflag:s25] =	ssyncadd.s32 $0xFFFFC000  }
0x21: {  	[bflag:$0x0] =	sbarrier.arrive $0xFFFF  }
0x22: {  	s4 =	rddreg [dreg:$0xa]  }
0x23: {  	s12 =	rddreg [dreg:$0xe]  }
0x24: {  	s13 =	rddreg [dreg:$0xf]  }
0x25: {  	[hbm:s4], [sflag:s12] =	dma.local [spmem:s13], $0x2800  }
0x26: {  	_ =	swait.ge [sflag:s25], $0x2800  }
0x27: {  	s15 =	rddreg [dreg:$0xd]  }
0x28: {  	s18 =	rddreg [dreg:$0xb];
	s12 =	sadd.s32 $0x1, s15  }
0x29: {  	p0 =	sne.s32 s12, s18  }
.Ltmp1:
0x2a: {  	_ = 	snop;
	(pc) =	sbr.rel @!p0 .LBB2_5-.Ltmp1, $3  }
0x2b: {  	_ =	sdelay $0x1  }
0x2c: {  	[sflag:s25] =	ssyncset.done $0x0  }
0x2d: {  	[sflag:s25] =	ssyncadd.s32 $0xFFFFD800  }
.LBB2_1:
0x2e: {  	[dreg:$0xd] =	wrdreg s12  }
0x2f: {  	s4 =	simm.s32 $0x0;
	s15 =	rddreg [dreg:$0x4]  }
0x30: {  	[tilespmem:s4], [sflag:$0x3] =	stream.linear.gather [hbm4b:s15+s4], $0x400, $0x38;
	[tilespmem:$0x1D000] =	vst v63  }
0x31: {  	s18 =	rddreg [dreg:$0x5];
	s13 =	simm.s32 $0x800  }
0x32: {  	[tilespmem:s13], [sflag:$0x3] =	stream.linear.gather [hbm4b:s18+s4], $0x400, $0x38;
	[tilespmem:$0x1D000] =	vst v63  }
0x33: {  	_ =	swait.ge [sflag:s19], $0x400  }
0x34: {  	[sflag:s19] =	ssyncset.done $0x0  }
0x35: {  	[sflag:s19] =	ssyncadd.s32 $0xFFFFFC00  }
0x36: {  	_ =	swait.ge [sflag:s19], $0x400  }
0x37: {  	[sflag:s19] =	ssyncset.done $0x0  }
0x38: {  	s18 =	simm.s32 $0x400;
	s15 =	rddreg [dreg:$0x6];
	[sflag:s19] =	ssyncadd.s32 $0xFFFFFC00  }
0x39: {  	[tilespmem:s18], [sflag:$0x4] =	stream.linear.gather [hbm4b:s15+s4], $0x400, $0x38;
	[tilespmem:$0x1D000] =	vst v63  }
0x3a: {  	s13 =	rddreg [dreg:$0x7];
	s15 =	simm.s32 $0xC00  }
0x3b: {  	[tilespmem:s15], [sflag:$0x4] =	stream.linear.gather [hbm4b:s13+s4], $0x400, $0x38;
	[tilespmem:$0x1D000] =	vst v63  }
0x3c: {  	s18 =	stileid.u32;
	s13 =	rddreg [dreg:$0x8]  }
0x3d: {  	[tilespmem:s23], [sflag:$0x1] =	stream.indirect.gather [hbm4b:s1+s22], $0x80, s4, s22, $0xb8;
	[tilespmem:$0x1D000] =	vst v63  }
0x3e: {  	s15 =	sshrl.u32 s13, $0x3;
	s4 =	sshll.u32 s18, $0x6;
	s18 =	rddreg [dreg:$0x9]  }
0x3f: {  	[dreg:$0xf] =	wrdreg s15;
	s12 =	sor.u32 $0x1C05, s4  }
0x40: {  	[tilespmem:s24], [sflag:$0x2] =	stream.indirect.gather [hbm4b:s1+s22], $0x80, s22, s22, $0xb8;
	[tilespmem:$0x1D000] =	vst v63  }
0x41: {  	[dreg:$0xe] =	wrdreg s12  }
0x42: {  	[spmem:s15], [sflag:s12] =	dma.local [hbm:s18], $0x2800  }
0x43: {  	_ =	swait.ge [sflag:s25], $0x2800  }
0x44: {  	[sflag:s25] =	ssyncset.done $0x0  }
0x45: {  	[sflag:s25] =	ssyncadd.s32 $0xFFFFD800  }
0x46: {  	[bflag:$0x0] =	sbarrier.arrive $0xFFFF  }
0x47: {  	s12 =	simm.s32 $0x0;
	s13 =	rddreg [dreg:$0xc]  }
.LBB2_2:
0x48: {  	_ =	swait.ge [sflag:s26], $0x4000  }
0x49: {  	[sflag:s26] =	ssyncset.done $0x0  }
0x4a: {  	s4 =	simm.s32 $0x800;
	[sflag:s26] =	ssyncadd.s32 $0xFFFFC000  }
0x4b: {  	[spmem:s3] =	stream.indirect.scatter.add.f32 [tilespmem:s23], [sflag:$0x5], $0x80, s4, s22, $0xb8;
	[tilespmem:$0x1D000] =	vst v63  }
0x4c: {  	_ =	swait.ge [sflag:s25], $0x4000  }
0x4d: {  	[sflag:s25] =	ssyncset.done $0x0  }
0x4e: {  	s15 =	simm.s32 $0x100;
	[sflag:s25] =	ssyncadd.s32 $0xFFFFC000  }
0x4f: {  	[tilespmem:s23], [sflag:$0x1] =	stream.indirect.gather [hbm4b:s1+s22], $0x80, s15, s22, $0xb8;
	[tilespmem:$0x1D000] =	vst v63  }
0x50: {  	_ =	swait.ge [sflag:s29], $0x4000  }
0x51: {  	[sflag:s29] =	ssyncset.done $0x0  }
0x52: {  	s18 =	simm.s32 $0x880;
	[sflag:s29] =	ssyncadd.s32 $0xFFFFC000  }
0x53: {  	[spmem:s3] =	stream.indirect.scatter.add.f32 [tilespmem:s24], [sflag:$0x5], $0x80, s18, s22, $0xb8;
	[tilespmem:$0x1D000] =	vst v63  }
0x54: {  	p0 =	seq.s32 s12, $0x0;
	_ =	swait.ge [sflag:s25], $0x4000  }
0x55: {  	s4 =	simm.s32 @!p0 $0x0;
	[sflag:s25] =	ssyncset.done $0x0  }
0x56: {  	s15 =	sadd.s32 @!p0 s12, s17;
	s18 =	simm.s32 @!p0 $0x400;
	[sflag:s25] =	ssyncadd.s32 $0xFFFFC000  }
0x57: {  	[tilespmem:s18], [sflag:$0x4] =	stream.linear.gather @!p0 [hbm4b:s15+s4], $0x400, $0x38;
	[tilespmem:$0x1D000] =	vst v63  }
0x58: {  	s15 =	sadd.s32 @!p0 s12, s16;
	s18 =	simm.s32 @!p0 $0xC00  }
0x59: {  	[tilespmem:s18], [sflag:$0x4] =	stream.linear.gather @!p0 [hbm4b:s15+s4], $0x400, $0x38;
	[tilespmem:$0x1D000] =	vst v63  }
0x5a: {  	s15 =	simm.s32 $0x180  }
0x5b: {  	[tilespmem:s24], [sflag:$0x2] =	stream.indirect.gather [hbm4b:s1+s22], $0x80, s15, s22, $0xb8;
	[tilespmem:$0x1D000] =	vst v63  }
0x5c: {  	_ =	swait.ge [sflag:s26], $0x4000  }
0x5d: {  	[sflag:s26] =	ssyncset.done $0x0  }
0x5e: {  	s18 =	simm.s32 $0x900;
	[sflag:s26] =	ssyncadd.s32 $0xFFFFC000  }
0x5f: {  	[spmem:s3] =	stream.indirect.scatter.add.f32 [tilespmem:s23], [sflag:$0x5], $0x80, s18, s22, $0xb8;
	[tilespmem:$0x1D000] =	vst v63  }
0x60: {  	_ =	swait.ge [sflag:s25], $0x4000  }
0x61: {  	[sflag:s25] =	ssyncset.done $0x0  }
0x62: {  	s15 =	simm.s32 $0x200;
	[sflag:s25] =	ssyncadd.s32 $0xFFFFC000  }
0x63: {  	[tilespmem:s23], [sflag:$0x1] =	stream.indirect.gather [hbm4b:s1+s22], $0x80, s15, s22, $0xb8;
	[tilespmem:$0x1D000] =	vst v63  }
0x64: {  	_ =	swait.ge [sflag:s29], $0x4000  }
0x65: {  	[sflag:s29] =	ssyncset.done $0x0  }
0x66: {  	s18 =	simm.s32 $0x980;
	[sflag:s29] =	ssyncadd.s32 $0xFFFFC000  }
0x67: {  	[spmem:s3] =	stream.indirect.scatter.add.f32 [tilespmem:s24], [sflag:$0x5], $0x80, s18, s22, $0xb8;
	[tilespmem:$0x1D000] =	vst v63  }
0x68: {  	_ =	swait.ge [sflag:s25], $0x4000  }
0x69: {  	[sflag:s25] =	ssyncset.done $0x0  }
0x6a: {  	s15 =	simm.s32 $0x280;
	[sflag:s25] =	ssyncadd.s32 $0xFFFFC000  }
0x6b: {  	[tilespmem:s24], [sflag:$0x2] =	stream.indirect.gather [hbm4b:s1+s22], $0x80, s15, s22, $0xb8;
	[tilespmem:$0x1D000] =	vst v63  }
0x6c: {  	_ =	swait.ge [sflag:s26], $0x4000  }
0x6d: {  	[sflag:s26] =	ssyncset.done $0x0  }
0x6e: {  	s18 =	simm.s32 $0xA00;
	[sflag:s26] =	ssyncadd.s32 $0xFFFFC000  }
0x6f: {  	[spmem:s3] =	stream.indirect.scatter.add.f32 [tilespmem:s23], [sflag:$0x5], $0x80, s18, s22, $0xb8;
	[tilespmem:$0x1D000] =	vst v63  }
0x70: {  	_ =	swait.ge [sflag:s25], $0x4000  }
0x71: {  	[sflag:s25] =	ssyncset.done $0x0  }
0x72: {  	s15 =	simm.s32 $0x300;
	[sflag:s25] =	ssyncadd.s32 $0xFFFFC000  }
0x73: {  	[tilespmem:s23], [sflag:$0x1] =	stream.indirect.gather [hbm4b:s1+s22], $0x80, s15, s22, $0xb8;
	[tilespmem:$0x1D000] =	vst v63  }
0x74: {  	_ =	swait.ge [sflag:s29], $0x4000  }
0x75: {  	[sflag:s29] =	ssyncset.done $0x0  }
0x76: {  	s18 =	simm.s32 $0xA80;
	[sflag:s29] =	ssyncadd.s32 $0xFFFFC000  }
0x77: {  	[spmem:s3] =	stream.indirect.scatter.add.f32 [tilespmem:s24], [sflag:$0x5], $0x80, s18, s22, $0xb8;
	[tilespmem:$0x1D000] =	vst v63  }
0x78: {  	_ =	swait.ge [sflag:s25], $0x4000  }
0x79: {  	[sflag:s25] =	ssyncset.done $0x0  }
0x7a: {  	s15 =	simm.s32 $0x380;
	[sflag:s25] =	ssyncadd.s32 $0xFFFFC000  }
0x7b: {  	[tilespmem:s24], [sflag:$0x2] =	stream.indirect.gather [hbm4b:s1+s22], $0x80, s15, s22, $0xb8;
	[tilespmem:$0x1D000] =	vst v63  }
0x7c: {  	_ =	swait.ge [sflag:s26], $0x4000  }
0x7d: {  	[sflag:s26] =	ssyncset.done $0x0  }
0x7e: {  	s18 =	simm.s32 $0xB00;
	[sflag:s26] =	ssyncadd.s32 $0xFFFFC000  }
0x7f: {  	[spmem:s3] =	stream.indirect.scatter.add.f32 [tilespmem:s23], [sflag:$0x5], $0x80, s18, s22, $0xb8;
	[tilespmem:$0x1D000] =	vst v63  }
0x80: {  	_ =	swait.ge [sflag:s25], $0x4000  }
0x81: {  	[sflag:s25] =	ssyncset.done $0x0  }
0x82: {  	[sflag:s25] =	ssyncadd.s32 $0xFFFFC000  }
0x83: {  	_ =	swait.ge [sflag:s14], $0x400  }
0x84: {  	[sflag:s14] =	ssyncset.done $0x0  }
0x85: {  	[sflag:s14] =	ssyncadd.s32 $0xFFFFFC00  }
0x86: {  	_ =	swait.ge [sflag:s14], $0x400  }
0x87: {  	[sflag:s14] =	ssyncset.done $0x0  }
0x88: {  	s15 =	simm.s32 $0x400;
	[sflag:s14] =	ssyncadd.s32 $0xFFFFFC00  }
0x89: {  	[tilespmem:s23], [sflag:$0x1] =	stream.indirect.gather [hbm4b:s1+s22], $0x80, s15, s22, $0xb8;
	[tilespmem:$0x1D000] =	vst v63  }
0x8a: {  	_ =	swait.ge [sflag:s29], $0x4000  }
0x8b: {  	[sflag:s29] =	ssyncset.done $0x0  }
0x8c: {  	s18 =	simm.s32 $0xB80;
	[sflag:s29] =	ssyncadd.s32 $0xFFFFC000  }
0x8d: {  	[spmem:s3] =	stream.indirect.scatter.add.f32 [tilespmem:s24], [sflag:$0x5], $0x80, s18, s22, $0xb8;
	[tilespmem:$0x1D000] =	vst v63  }
0x8e: {  	_ =	swait.ge [sflag:s25], $0x4000  }
0x8f: {  	[sflag:s25] =	ssyncset.done $0x0  }
0x90: {  	s15 =	simm.s32 $0x480;
	[sflag:s25] =	ssyncadd.s32 $0xFFFFC000  }
0x91: {  	[tilespmem:s24], [sflag:$0x2] =	stream.indirect.gather [hbm4b:s1+s22], $0x80, s15, s22, $0xb8;
	[tilespmem:$0x1D000] =	vst v63  }
0x92: {  	_ =	swait.ge [sflag:s26], $0x4000  }
0x93: {  	[sflag:s26] =	ssyncset.done $0x0  }
0x94: {  	s18 =	simm.s32 $0xC00;
	[sflag:s26] =	ssyncadd.s32 $0xFFFFC000  }
0x95: {  	[spmem:s3] =	stream.indirect.scatter.add.f32 [tilespmem:s23], [sflag:$0x5], $0x80, s18, s22, $0xb8;
	[tilespmem:$0x1D000] =	vst v63  }
0x96: {  	_ =	swait.ge [sflag:s25], $0x4000  }
0x97: {  	[sflag:s25] =	ssyncset.done $0x0  }
0x98: {  	s15 =	simm.s32 $0x500;
	[sflag:s25] =	ssyncadd.s32 $0xFFFFC000  }
0x99: {  	[tilespmem:s23], [sflag:$0x1] =	stream.indirect.gather [hbm4b:s1+s22], $0x80, s15, s22, $0xb8;
	[tilespmem:$0x1D000] =	vst v63  }
0x9a: {  	_ =	swait.ge [sflag:s29], $0x4000  }
0x9b: {  	[sflag:s29] =	ssyncset.done $0x0  }
0x9c: {  	s18 =	simm.s32 $0xC80;
	[sflag:s29] =	ssyncadd.s32 $0xFFFFC000  }
0x9d: {  	[spmem:s3] =	stream.indirect.scatter.add.f32 [tilespmem:s24], [sflag:$0x5], $0x80, s18, s22, $0xb8;
	[tilespmem:$0x1D000] =	vst v63  }
0x9e: {  	p0 =	seq.s32 s12, $0x400;
	_ =	swait.ge [sflag:s25], $0x4000  }
0x9f: {  	s4 =	sshrl.u32 @!p0 s13, $0x3;
	[sflag:s25] =	ssyncset.done $0x0  }
0xa0: {  	s15 =	sadd.s32 @!p0 s5, s4;
	s18 =	simm.s32 @!p0 $0x0;
	[sflag:s25] =	ssyncadd.s32 $0xFFFFC000  }
0xa1: {  	[tilespmem:s18], [sflag:$0x3] =	stream.linear.gather @!p0 [hbm4b:s15+s18], $0x400, $0x38;
	[tilespmem:$0x1D000] =	vst v63  }
0xa2: {  	s4 =	sadd.s32 @!p0 s6, s4;
	s15 =	simm.s32 @!p0 $0x800  }
0xa3: {  	[tilespmem:s15], [sflag:$0x3] =	stream.linear.gather @!p0 [hbm4b:s4+s18], $0x400, $0x38;
	[tilespmem:$0x1D000] =	vst v63  }
0xa4: {  	_ = 	snop  }
0xa5: {  	[tilespmem:s24], [sflag:$0x2] =	stream.indirect.gather [hbm4b:s1+s22], $0x80, s20, s22, $0xb8;
	[tilespmem:$0x1D000] =	vst v63  }
0xa6: {  	_ =	swait.ge [sflag:s26], $0x4000  }
0xa7: {  	[sflag:s26] =	ssyncset.done $0x0  }
0xa8: {  	[sflag:s26] =	ssyncadd.s32 $0xFFFFC000  }
0xa9: {  	[spmem:s3] =	stream.indirect.scatter.add.f32 [tilespmem:s23], [sflag:$0x5], $0x80, s21, s22, $0xb8;
	[tilespmem:$0x1D000] =	vst v63  }
0xaa: {  	_ =	swait.ge [sflag:s25], $0x4000  }
0xab: {  	[sflag:s25] =	ssyncset.done $0x0  }
0xac: {  	[sflag:s25] =	ssyncadd.s32 $0xFFFFC000  }
0xad: {  	[tilespmem:s23], [sflag:$0x1] =	stream.indirect.gather [hbm4b:s1+s22], $0x80, s30, s22, $0xb8;
	[tilespmem:$0x1D000] =	vst v63  }
0xae: {  	_ =	swait.ge [sflag:s29], $0x4000  }
0xaf: {  	[sflag:s29] =	ssyncset.done $0x0  }
0xb0: {  	[sflag:s29] =	ssyncadd.s32 $0xFFFFC000  }
0xb1: {  	[spmem:s3] =	stream.indirect.scatter.add.f32 [tilespmem:s24], [sflag:$0x5], $0x80, s31, s22, $0xb8;
	[tilespmem:$0x1D000] =	vst v63  }
0xb2: {  	_ =	swait.ge [sflag:s25], $0x4000  }
0xb3: {  	[sflag:s25] =	ssyncset.done $0x0  }
0xb4: {  	[sflag:s25] =	ssyncadd.s32 $0xFFFFC000  }
0xb5: {  	[tilespmem:s24], [sflag:$0x2] =	stream.indirect.gather [hbm4b:s1+s22], $0x80, s2, s22, $0xb8;
	[tilespmem:$0x1D000] =	vst v63  }
0xb6: {  	_ =	swait.ge [sflag:s26], $0x4000  }
0xb7: {  	[sflag:s26] =	ssyncset.done $0x0  }
0xb8: {  	[sflag:s26] =	ssyncadd.s32 $0xFFFFC000  }
0xb9: {  	[spmem:s3] =	stream.indirect.scatter.add.f32 [tilespmem:s23], [sflag:$0x5], $0x80, s0, s22, $0xb8;
	[tilespmem:$0x1D000] =	vst v63  }
0xba: {  	_ =	swait.ge [sflag:s25], $0x4000  }
0xbb: {  	[sflag:s25] =	ssyncset.done $0x0  }
0xbc: {  	[sflag:s25] =	ssyncadd.s32 $0xFFFFC000  }
0xbd: {  	[tilespmem:s23], [sflag:$0x1] =	stream.indirect.gather [hbm4b:s1+s22], $0x80, s7, s22, $0xb8;
	[tilespmem:$0x1D000] =	vst v63  }
0xbe: {  	_ =	swait.ge [sflag:s29], $0x4000  }
0xbf: {  	[sflag:s29] =	ssyncset.done $0x0  }
0xc0: {  	[sflag:s29] =	ssyncadd.s32 $0xFFFFC000  }
0xc1: {  	[spmem:s3] =	stream.indirect.scatter.add.f32 [tilespmem:s24], [sflag:$0x5], $0x80, s8, s22, $0xb8;
	[tilespmem:$0x1D000] =	vst v63  }
0xc2: {  	_ =	swait.ge [sflag:s25], $0x4000  }
0xc3: {  	[sflag:s25] =	ssyncset.done $0x0  }
0xc4: {  	[sflag:s25] =	ssyncadd.s32 $0xFFFFC000  }
0xc5: {  	[tilespmem:s24], [sflag:$0x2] =	stream.indirect.gather [hbm4b:s1+s22], $0x80, s9, s22, $0xb8;
	[tilespmem:$0x1D000] =	vst v63  }
0xc6: {  	_ =	swait.ge [sflag:s26], $0x4000  }
0xc7: {  	[sflag:s26] =	ssyncset.done $0x0  }
.Ltmp2:
0xc8: {  	[sflag:s26] =	ssyncadd.s32 $0xFFFFC000;
	(pc) =	sbr.rel @p0 .LBB2_4-.Ltmp2, $4  }
0xc9: {  	[spmem:s3] =	stream.indirect.scatter.add.f32 [tilespmem:s23], [sflag:$0x5], $0x80, s10, s22, $0xb8;
	[tilespmem:$0x1D000] =	vst v63  }
0xca: {  	_ =	swait.ge [sflag:s25], $0x4000  }
0xcb: {  	[sflag:s25] =	ssyncset.done $0x0  }
0xcc: {  	[sflag:s25] =	ssyncadd.s32 $0xFFFFC000  }
0xcd: {  	_ =	swait.ge [sflag:s19], $0x400  }
0xce: {  	[sflag:s19] =	ssyncset.done $0x0  }
0xcf: {  	[sflag:s19] =	ssyncadd.s32 $0xFFFFFC00  }
0xd0: {  	_ =	swait.ge [sflag:s19], $0x400  }
0xd1: {  	[sflag:s19] =	ssyncset.done $0x0  }
0xd2: {  	[sflag:s19] =	ssyncadd.s32 $0xFFFFFC00  }
0xd3: {  	[tilespmem:s23], [sflag:$0x1] =	stream.indirect.gather [hbm4b:s1+s22], $0x80, s28, s22, $0xb8;
	[tilespmem:$0x1D000] =	vst v63  }
0xd4: {  	_ =	swait.ge [sflag:s29], $0x4000  }
0xd5: {  	[sflag:s29] =	ssyncset.done $0x0  }
0xd6: {  	[sflag:s29] =	ssyncadd.s32 $0xFFFFC000  }
0xd7: {  	[spmem:s3] =	stream.indirect.scatter.add.f32 [tilespmem:s24], [sflag:$0x5], $0x80, s11, s22, $0xb8;
	[tilespmem:$0x1D000] =	vst v63  }
.Ltmp3:
0xd8: {  	_ = 	snop;
	(pc) =	sbr.rel .LBB2_2-.Ltmp3, $4  }
0xd9: {  	_ =	swait.ge [sflag:s25], $0x4000  }
0xda: {  	[sflag:s25] =	ssyncset.done $0x0  }
0xdb: {  	s13 =	sadd.s32 $0x800, s13;
	s12 =	sadd.s32 $0x100, s12;
	[sflag:s25] =	ssyncadd.s32 $0xFFFFC000  }
0xdc: {  	[tilespmem:s24], [sflag:$0x2] =	stream.indirect.gather [hbm4b:s1+s22], $0x80, s22, s22, $0xb8;
	[tilespmem:$0x1D000] =	vst v63  }
.LBB2_5:
0xdd: {  	_ =	sfence.sel $0x180000  }
0xde: {  	[bflag:$0x0] =	sbarrier.arrive $0xFFFF  }
0xdf: {  	_ =	strace $0x90000047  }
0xe0: {  	s0 =	stileid.u32;
	[bflag:$0x2] =	sbarrier.arrive $0xFFFF  }
0xe1: {  	p0 =	sne.s32 s0, $0x0;
	s0 =	rddreg [dreg:$0x3]  }
0xe2: {  	s0 =	sadd.s32 @!p0 $0x100000, s0  }
0xe3: {  	[sflag:s0] =	ssyncadd.tile.s32 @!p0 $0x1;
	_ =	shalt  }
.Lfunc_end2:
_tile_overlayer_lowered:
.L_overlay_start_2:
0xe4: {  	(tag) =	ssettag $0x2  }
0xe5: {  	s0 =	rddreg [dreg:$0x0];
	s2 =	stileid.u32  }
0xe6: {  	s1 =	rddreg [dreg:$0x1];
	p0 =	sne.s32 s2, $0x0  }
0xe7: {  	s3 =	rddreg [dreg:$0x2];
	[bflag:$0x3] =	sbarrier.arrive $0xFFFF;
	s2 =	simm.s32 @!p0 $0x1C05  }
0xe8: {  	[timem:s3], [sflag:s2] =	dma.local @!p0 [hbm:s0], s1  }
0xe9: {  	s0 =	simm.s32 @!p0 $0x5  }
0xea: {  	_ =	swait.ge @!p0 [sflag:s0], s1  }
0xeb: {  	s1 =	ssub.s32 @!p0 $0x0, s1;
	[sflag:s0] =	ssyncset.done @!p0 $0x0  }
0xec: {  	[sflag:s0] =	ssyncadd.s32 @!p0 s1  }
0xed: {  	[bflag:$0x3] =	sbarrier.arrive $0xFFFF  }
0xee: {  	_ =	shalt  }

// kernel: kernel.9.cloned.1.call-start
scs
__scs_entry_jumppad:
0x0: {  	(pc) =	sbr.rel $0x88, $3  }
0x1: {  	(tag) =	ssettag $0x0;
	lr =	simm.s32 $0x1  }
0x2: {  	[smem:$0x3F9B] =	sst lr;
	_ =	strace $0xD0000000  }
0x3: {  	_ = 	snop  }
0x4: {  	_ = 	snop  }
0x5: {  	_ = 	snop  }
0x6: {  	_ = 	snop  }
0x7: {  	_ = 	snop  }
__scs_overlays_trampoline_lowered:
0x8: {  	[smem:$0x3FAA] =	sst s0  }
0x9: {  	[smem:$0x3FAB] =	sst s1  }
0xa: {  	[smem:$0x3FAC] =	sst s2  }
0xb: {  	[smem:$0x3FAD] =	sst s3  }
0xc: {  	[smem:$0x3FAE] =	sst s4  }
0xd: {  	[smem:$0x3FAF] =	sst s5  }
0xe: {  	[smem:$0x3FB0] =	sst s6  }
0xf: {  	[smem:$0x3FB1] =	sst s7  }
0x10: {  	[smem:$0x3FB2] =	sst s8  }
0x11: {  	[smem:$0x3FB3] =	sst s9;
	s0 =	simm.s32 @!p0 $0x0  }
0x12: {  	s1 =	sld [smem:$0x3F99];
	s0 =	simm.s32 @p0 $0x1  }
0x13: {  	[smem:$0x3FB4] =	sst s0;
	s0 =	simm.s32 @!p1 $0x0  }
0x14: {  	s2 =	sld [smem:$0x3F98];
	s0 =	simm.s32 @p1 $0x1  }
0x15: {  	[smem:$0x3FB5] =	sst s0;
	s0 =	simm.s32 @!p2 $0x0  }
0x16: {  	s3 =	sld [smem:$0x3FDB];
	s0 =	simm.s32 @p2 $0x1  }
0x17: {  	s4 =	simm.s32 $0x1BF5;
	[smem:$0x3FB7] =	sst s0  }
0x18: {  	s0 =	sld [smem:$0x3F9A];
	_ =	swait.ge [sflag:s4], $0x0  }
0x19: {  	s7 =	sld [smem:$0x3F9B]  }
0x1a: {  	s8 =	sadd.s32 $0xFFFFE003, lr  }
0x1b: {  	s9 =	sadd.s32 $0xFFFFFEF7, lr;
	s5 =	simm.s32 $0xFFFFFFFF;
	p2 =	slt.u32 s8, $0xFFFFF086  }
0x1c: {  	p1 =	slt.u32 s9, $0xF7A;
	s5 =	simm.s32 @!p2 $0x0  }
0x1d: {  	s5 =	simm.s32 @p1 $0x1;
	p0 =	seq.s32 s7, s2  }
0x1e: {  	s7 =	smul.u32 @!p0 $0xF7A, s2;
	p2 =	seq.s32 @!p0 s5, $0x0  }
0x1f: {  	s9 =	smul.u32 $0xF7A, s1;
	s8 =	simm.s32 @!p0 $0x1BF5;
	p2 =	por !p2, p0  }
0x20: {  	[sflag:s8] =	ssyncset.s32 @!p0 $0xFFFFF086;
	s6 =	sadd.s32 @!p0 s3, s7;
	s7 =	simm.s32 @!p0 $0x108  }
0x21: {  	s3 =	sadd.s32 s3, s9;
	s6 =	sadd.s32 @!p0 $0x88, s6;
	s7 =	simm.s32 @p2 $0x1082  }
0x22: {  	[simem:s7], [sflag:s8] =	dma.local @!p0 [hbm:s6], $0xF7A  }
0x23: {  	s9 =	sor.u32 $0xD0000000, s2;
	s6 =	simm.s32 $0x108;
	_ =	swait.ge @!p0 [sflag:s8], $0x0  }
0x24: {  	s3 =	sadd.s32 $0x88, s3;
	s6 =	simm.s32 @!p1 $0x1082;
	[sflag:s4] =	ssyncset.s32 $0xFFFFF086  }
0x25: {  	[simem:s6], [sflag:s4] =	dma.local [hbm:s3], $0xF7A  }
0x26: {  	[smem:$0x3F9B] =	sst s1;
	(tag) =	ssettag s2;
	_ =	strace s9  }
0x27: {  	s1 =	sld [smem:$0x3FAB]  }
0x28: {  	s2 =	sld [smem:$0x3FAC]  }
0x29: {  	s4 =	sld [smem:$0x3FAE]  }
0x2a: {  	p0 =	seq.s32 s5, $0x0;
	s5 =	sld [smem:$0x3FAF]  }
0x2b: {  	s6 =	sld [smem:$0x3FB0]  }
0x2c: {  	s7 =	sld [smem:$0x3FB1]  }
0x2d: {  	s3 =	simm.s32 $0x108;
	s8 =	sld [smem:$0x3FB2]  }
0x2e: {  	s3 =	simm.s32 @!p0 $0x1082;
	s9 =	sld [smem:$0x3FB3]  }
0x2f: {  	lr =	sadd.s32 s0, s3;
	s0 =	sld [smem:$0x3FAA]  }
0x30: {  	s3 =	sld [smem:$0x3FAD]  }
0x31: {  	[smem:$0x3FB6] =	sst s10  }
0x32: {  	s10 =	sld [smem:$0x3FB4];
	_ =	sdelay $0x3  }
0x33: {  	p0 =	seq.s32 s10, $0x1;
	s10 =	sld [smem:$0x3FB6];
	_ =	sdelay $0x3  }
0x34: {  	[smem:$0x3FB6] =	sst s10  }
0x35: {  	s10 =	sld [smem:$0x3FB5];
	_ =	sdelay $0x3  }
0x36: {  	p1 =	seq.s32 s10, $0x1;
	s10 =	sld [smem:$0x3FB6];
	_ =	sdelay $0x3  }
0x37: {  	[smem:$0x3FB6] =	sst s10  }
0x38: {  	s10 =	sld [smem:$0x3FB7]  }
0x39: {  	_ = 	snop;
	(pc) =	sbr.ind lr, $3  }
0x3a: {  	_ = 	snop  }
0x3b: {  	_ = 	snop  }
0x3c: {  	p2 =	seq.s32 s10, $0x1;
	s10 =	sld [smem:$0x3FB6]  }
0x3d: {  	_ =	shalt  }
0x3e: {  	_ =	shalt  }
0x3f: {  	_ =	shalt  }
0x40: {  	_ =	shalt  }
0x41: {  	_ =	shalt  }
0x42: {  	_ =	shalt  }
0x43: {  	_ =	shalt  }
0x44: {  	_ =	shalt  }
0x45: {  	_ =	shalt  }
0x46: {  	_ =	shalt  }
0x47: {  	_ =	shalt  }
0x48: {  	_ =	shalt  }
0x49: {  	_ =	shalt  }
0x4a: {  	_ =	shalt  }
0x4b: {  	_ =	shalt  }
0x4c: {  	_ =	shalt  }
0x4d: {  	_ =	shalt  }
0x4e: {  	_ =	shalt  }
0x4f: {  	_ =	shalt  }
0x50: {  	_ =	shalt  }
0x51: {  	_ =	shalt  }
0x52: {  	_ =	shalt  }
0x53: {  	_ =	shalt  }
0x54: {  	_ =	shalt  }
0x55: {  	_ =	shalt  }
0x56: {  	_ =	shalt  }
0x57: {  	_ =	shalt  }
0x58: {  	_ =	shalt  }
0x59: {  	_ =	shalt  }
0x5a: {  	_ =	shalt  }
0x5b: {  	_ =	shalt  }
0x5c: {  	_ =	shalt  }
0x5d: {  	_ =	shalt  }
0x5e: {  	_ =	shalt  }
0x5f: {  	_ =	shalt  }
0x60: {  	_ =	shalt  }
0x61: {  	_ =	shalt  }
0x62: {  	_ =	shalt  }
0x63: {  	_ =	shalt  }
0x64: {  	_ =	shalt  }
0x65: {  	_ =	shalt  }
0x66: {  	_ =	shalt  }
0x67: {  	_ =	shalt  }
0x68: {  	_ =	shalt  }
0x69: {  	_ =	shalt  }
0x6a: {  	_ =	shalt  }
0x6b: {  	_ =	shalt  }
0x6c: {  	_ =	shalt  }
0x6d: {  	_ =	shalt  }
0x6e: {  	_ =	shalt  }
0x6f: {  	_ =	shalt  }
0x70: {  	_ =	shalt  }
0x71: {  	_ =	shalt  }
0x72: {  	_ =	shalt  }
0x73: {  	_ =	shalt  }
0x74: {  	_ =	shalt  }
0x75: {  	_ =	shalt  }
0x76: {  	_ =	shalt  }
0x77: {  	_ =	shalt  }
0x78: {  	_ =	shalt  }
0x79: {  	_ =	shalt  }
0x7a: {  	_ =	shalt  }
0x7b: {  	_ =	shalt  }
0x7c: {  	_ =	shalt  }
0x7d: {  	_ =	shalt  }
0x7e: {  	_ =	shalt  }
0x7f: {  	_ =	shalt  }
0x80: {  	_ =	shalt  }
0x81: {  	_ =	shalt  }
0x82: {  	_ =	shalt  }
0x83: {  	_ =	shalt  }
0x84: {  	_ =	shalt  }
0x85: {  	_ =	shalt  }
0x86: {  	_ =	shalt  }
0x87: {  	_ =	shalt  }
.Lfunc_end0:
.L_simem_size_0:
called_computation.1_lowered:
.L_overlay_start_0:
0x88: {  	s2 =	sld [smem:$0x3FD9]  }
0x89: {  	s3 =	sld [smem:$0x3FFE];
	_ =	sdelay $0x1  }
0x8a: {  	s1 =	srdreg.scid  }
0x8b: {  	s0 =	sand.u32 $0x1, s1  }
0x8c: {  	s17 =	sshll.u32 s0, $0xA;
	s2 =	sadd.s32 s3, s2  }
0x8d: {  	s2 =	sadd.s32 s2, s17  }
0x8e: {  	[smem:$0x3FC2] =	sst s2  }
0x8f: {  	_ = 	snop  }
0x90: {  	s2 =	sld [smem:$0x3FD0];
	(tm) =	ssettm $0x1  }
0x91: {  	s18 =	sld [smem:$0x3FFB];
	_ =	sdelay $0x3  }
0x92: {  	_ =	strace s18  }
0x93: {  	s3 =	sld [smem:$0x3FFC];
	_ =	sdelay $0x3  }
0x94: {  	_ =	strace s3  }
0x95: {  	s3 =	sld [smem:$0x3FFD];
	_ =	sdelay $0x3  }
0x96: {  	_ =	strace s3  }
0x97: {  	_ =	strace $0x8FFFFFFF  }
0x98: {  	s19 =	sld [smem:$0x3FDB];
	_ =	sdelay $0x1  }
0x99: {  	s4 =	simm.s32 $_scs_section_size  }
0x9a: {  	s5 =	simm.s32 $_size__tile_overlayer_lowered;
	s6 =	simm.s32 $_tile_overlayer_lowered  }
0x9b: {  	s22 =	simm.s32 $0x1BFF;
	s21 =	sshll.u32 s6, $0x1;
	s3 =	sadd.s32 s4, s19  }
0x9c: {  	s7 =	simm.s32 $0x0;
	s20 =	sshll.u32 s5, $0x1;
	s5 =	sadd.s32 s21, s3  }
0x9d: {  	[timem:s7], [sflag:s22] =	dma.local [hbm:s5], s20  }
0x9e: {  	_ =	swait.ge [sflag:s22], s20  }
0x9f: {  	s4 =	ssub.s32 $0x0, s20;
	[sflag:s22] =	ssyncset.done $0x0  }
0xa0: {  	[sflag:s22] =	ssyncadd.s32 s4;
	_ =	sdelay $0x1  }
0xa1: {  	s23 =	simm.s32 $0x1B8B  }
0xa2: {  	_ =	swait.ge [sflag:s23], $0x1  }
0xa3: {  	[sflag:s23] =	ssyncset.done $0x0  }
0xa4: {  	s25 =	simm.s32 $0x1B8E;
	s24 =	sld [smem:$0x3FFE];
	[sflag:s23] =	ssyncadd.s32 $0xFFFFFFFF  }
0xa5: {  	s26 =	simm.s32 $execute0_lowered;
	[smem:$0x3FD2] =	sst s25  }
0xa6: {  	s5 =	sshll.u32 s26, $0x1;
	_ =	strace $0x80000049;
	[dreg:$0x1] =	wrdreg $0xFFFFFFFF  }
0xa7: {  	s28 =	simm.s32 $_size_execute0_lowered;
	s3 =	sadd.s32 s3, s5;
	[dreg:$0x0] =	wrdreg $0x0  }
0xa8: {  	s5 =	sshll.u32 s28, $0x1;
	[dreg:$0x2] =	wrdreg s3  }
0xa9: {  	[dreg:$0x3] =	wrdreg s5  }
0xaa: {  	[dreg:$0x4] =	wrdreg $0xC0  }
0xab: {  	_ =	task [dreg:s7], $0x5FFFF  }
0xac: {  	[dreg:$0x1] =	wrdreg $0xFFFFFFFF  }
0xad: {  	[dreg:$0x0] =	wrdreg $0x60  }
0xae: {  	[dreg:$0x2] =	wrdreg s2  }
0xaf: {  	[dreg:$0x3] =	wrdreg s24  }
0xb0: {  	[dreg:$0x4] =	wrdreg $0x90000  }
0xb1: {  	[dreg:$0x5] =	wrdreg $0x9  }
0xb2: {  	_ =	task.clear_ibuf [dreg:s7], $0x6FFFF;
	_ =	strace $0x90000049  }
0xb3: {  	s29 =	simm.s32 $0x9;
	_ =	strace $0x8000004B  }
0xb4: {  	_ =	swait.ge [sflag:s29], $0x1  }
0xb5: {  	[sflag:s29] =	ssyncadd.s32 $0xFFFFFFFF  }
0xb6: {  	_ =	strace $0x9000004B  }
0xb7: {  	_ =	sfence  }
0xb8: {  	s30 =	sld [smem:$0x0];
	_ =	sdelay $0x2  }
0xb9: {  	s31 =	sshll.u32 s1, $0xD;
	s1 =	sshrl.u32 s1, $0x2  }
0xba: {  	s3 =	sand.u32 $0x4000, s31;
	s1 =	sadd.s32 s1, s30  }
0xbb: {  	s0 =	sor.u32 s3, s0;
	s1 =	sshll.u32 s1, $0x11  }
0xbc: {  	s0 =	sor.u32 s1, s0  }
0xbd: {  	s0 =	sadd.s32 $0x8F2B, s0  }
0xbe: {  	[sflag:s0] =	ssyncadd.remote.s32 $0x1  }
0xbf: {  	_ =	sfence.sel $0xFFFF  }
0xc0: {  	[dreg:$0x0] =	wrdreg $0xFFFFFFFF;
	(pc) =	sbr.abs _section_cstart, $3  }
0xc1: {  	[dreg:$0x1] =	wrdreg $0xFFFFFFFF  }
0xc2: {  	_ =	task.clear_ibuf [dreg:s7], $0x2FFFF;
	_ =	strace $0x9FFFFFFF  }
0xc3: {  	(tm) =	ssettm $0x7FFFFFFF  }
tec
execute0_lowered:
.L_overlay_start_1:
0x0: {  	(tag) =	ssettag $0x1  }
0x1: {  	s0 =	srdreg.scid;
	s1 =	rddreg [dreg:$0x0]  }
0x2: {  	s11 =	stileid.u32;
	s4 =	rddreg [dreg:$0x1]  }
0x3: {  	s3 =	rddreg [dreg:$0x2];
	s5 =	simm.s32 $0x0;
	s29 =	simm.s32 $0x2  }
0x4: {  	s14 =	simm.s32 $0x4;
	s30 =	simm.s32 $0x600;
	s7 =	smul.u32 $0x2800, s11  }
0x5: {  	s31 =	simm.s32 $0xD80;
	s28 =	simm.s32 $0x0;
	s19 =	smul.u32 $0x50000, s11  }
0x6: {  	s0 =	sand.u32 $0x1, s0;
	s2 =	sshll.u32 s11, $0x1;
	s11 =	smul.u32 $0x5000, s11  }
0x7: {  	[smem:$0x7FF] =	sst s5;
	s5 =	sadd.s32 $0x1000, s4;
	s8 =	smul.u32 $0x28000, s0  }
0x8: {  	s2 =	sor.u32 s0, s2;
	s18 =	ssub.s32 $0x2, s0;
	s0 =	smul.u32 $0x2800, s0  }
0x9: {  	s6 =	sadd.s32 $0xB000, s4;
	_ =	strace $0x8000004A;
	s2 =	smul.u32 $0x2800, s2  }
0xa: {  	s10 =	sshrl.u32 s18, $0x1;
	s23 =	sshrl.u32 s19, $0x2;
	s19 =	simm.s32 $0x3  }
0xb: {  	s7 =	sadd.s32 s7, s8;
	s0 =	sadd.s32 s0, s11;
	s8 =	simm.s32 $0xE80  }
0xc: {  	s11 =	simm.s32 $0xF80;
	s9 =	sadd.s32 s2, s4;
	s4 =	sadd.s32 s7, s4  }
0xd: {  	s2 =	sshrl.u32 s2, $0x3;
	s7 =	ssub.s32 s18, s10;
	s25 =	sor.u32 $0x400, s0  }
0xe: {  	s0 =	sadd.s32 $0x800, s0;
	s10 =	simm.s32 $0xF00;
	s20 =	sor.u32 $0x80, s2  }
0xf: {  	s12 =	sadd.s32 s5, s2;
	s2 =	sadd.s32 s6, s2;
	[dreg:$0xc] =	wrdreg s0  }
0x10: {  	s24 =	sadd.s32 $0x15000, s9;
	s4 =	sadd.s32 $0x65000, s4;
	[dreg:$0x4] =	wrdreg s12  }
0x11: {  	s26 =	smax.u32 s7, $0x1;
	s0 =	simm.s32 $0xE00;
	[dreg:$0x5] =	wrdreg s2  }
0x12: {  	s7 =	simm.s32 $0x700;
	s9 =	simm.s32 $0x780;
	[dreg:$0x9] =	wrdreg s24  }
0x13: {  	s21 =	sadd.s32 s5, s20;
	s22 =	sadd.s32 s6, s20;
	[dreg:$0xa] =	wrdreg s4  }
0x14: {  	s2 =	sadd.s32 s23, s3;
	[dreg:$0xb] =	wrdreg s26;
	s23 =	simm.s32 $0x1000  }
.Ltmp0:
0x15: {  	s24 =	simm.s32 $0x5000;
	[dreg:$0x6] =	wrdreg s21;
	(pc) =	sbr.rel .LBB2_1-.Ltmp0, $4  }
0x16: {  	s26 =	simm.s32 $0x1;
	s20 =	simm.s32 $0x580;
	[dreg:$0x7] =	wrdreg s22  }
0x17: {  	s12 =	simm.s32 $0x0;
	[dreg:$0x8] =	wrdreg s2;
	s2 =	sshrl.u32 s25, $0x3  }
0x18: {  	s22 =	simm.s32 $0x80;
	s25 =	simm.s32 $0x5;
	s21 =	simm.s32 $0xD00  }
0x19: {  	s16 =	sadd.s32 s2, s6;
	s17 =	sadd.s32 s2, s5;
	s2 =	simm.s32 $0x680  }
.LBB2_4:
0x1a: {  	_ =	swait.ge [sflag:s29], $0x4000  }
0x1b: {  	[sflag:s29] =	ssyncset.done $0x0  }
0x1c: {  	[sflag:s29] =	ssyncadd.s32 $0xFFFFC000  }
0x1d: {  	[spmem:s3] =	stream.indirect.scatter.add.f32 [tilespmem:s24], [sflag:$0x5], $0x80, s11, s22, $0xb8;
	[tilespmem:$0x1D000] =	vst v63  }
0x1e: {  	_ =	swait.ge [sflag:s25], $0x4000  }
0x1f: {  	[sflag:s25] =	ssyncset.done $0x0  }
0x20: {  	[sflag:s25] =	ssyncadd.s32 $0xFFFFC000  }
0x21: {  	[bflag:$0x0] =	sbarrier.arrive $0xFFFF  }
0x22: {  	s4 =	rddreg [dreg:$0xa]  }
0x23: {  	s12 =	rddreg [dreg:$0xe]  }
0x24: {  	s13 =	rddreg [dreg:$0xf]  }
0x25: {  	[hbm:s4], [sflag:s12] =	dma.local [spmem:s13], $0x2800  }
0x26: {  	_ =	swait.ge [sflag:s25], $0x2800  }
0x27: {  	s15 =	rddreg [dreg:$0xd]  }
0x28: {  	s18 =	rddreg [dreg:$0xb];
	s12 =	sadd.s32 $0x1, s15  }
0x29: {  	p0 =	sne.s32 s12, s18  }
.Ltmp1:
0x2a: {  	_ = 	snop;
	(pc) =	sbr.rel @!p0 .LBB2_5-.Ltmp1, $3  }
0x2b: {  	_ =	sdelay $0x1  }
0x2c: {  	[sflag:s25] =	ssyncset.done $0x0  }
0x2d: {  	[sflag:s25] =	ssyncadd.s32 $0xFFFFD800  }
.LBB2_1:
0x2e: {  	[dreg:$0xd] =	wrdreg s12  }
0x2f: {  	s4 =	simm.s32 $0x0;
	s15 =	rddreg [dreg:$0x4]  }
0x30: {  	[tilespmem:s4], [sflag:$0x3] =	stream.linear.gather [hbm4b:s15+s4], $0x400, $0x38;
	[tilespmem:$0x1D000] =	vst v63  }
0x31: {  	s18 =	rddreg [dreg:$0x5];
	s13 =	simm.s32 $0x800  }
0x32: {  	[tilespmem:s13], [sflag:$0x3] =	stream.linear.gather [hbm4b:s18+s4], $0x400, $0x38;
	[tilespmem:$0x1D000] =	vst v63  }
0x33: {  	_ =	swait.ge [sflag:s19], $0x400  }
0x34: {  	[sflag:s19] =	ssyncset.done $0x0  }
0x35: {  	[sflag:s19] =	ssyncadd.s32 $0xFFFFFC00  }
0x36: {  	_ =	swait.ge [sflag:s19], $0x400  }
0x37: {  	[sflag:s19] =	ssyncset.done $0x0  }
0x38: {  	s18 =	simm.s32 $0x400;
	s15 =	rddreg [dreg:$0x6];
	[sflag:s19] =	ssyncadd.s32 $0xFFFFFC00  }
0x39: {  	[tilespmem:s18], [sflag:$0x4] =	stream.linear.gather [hbm4b:s15+s4], $0x400, $0x38;
	[tilespmem:$0x1D000] =	vst v63  }
0x3a: {  	s13 =	rddreg [dreg:$0x7];
	s15 =	simm.s32 $0xC00  }
0x3b: {  	[tilespmem:s15], [sflag:$0x4] =	stream.linear.gather [hbm4b:s13+s4], $0x400, $0x38;
	[tilespmem:$0x1D000] =	vst v63  }
0x3c: {  	s18 =	stileid.u32;
	s13 =	rddreg [dreg:$0x8]  }
0x3d: {  	[tilespmem:s23], [sflag:$0x1] =	stream.indirect.gather [hbm4b:s1+s22], $0x80, s4, s22, $0xb8;
	[tilespmem:$0x1D000] =	vst v63  }
0x3e: {  	s15 =	sshrl.u32 s13, $0x3;
	s4 =	sshll.u32 s18, $0x6;
	s18 =	rddreg [dreg:$0x9]  }
0x3f: {  	[dreg:$0xf] =	wrdreg s15;
	s12 =	sor.u32 $0x1C05, s4  }
0x40: {  	[tilespmem:s24], [sflag:$0x2] =	stream.indirect.gather [hbm4b:s1+s22], $0x80, s22, s22, $0xb8;
	[tilespmem:$0x1D000] =	vst v63  }
0x41: {  	[dreg:$0xe] =	wrdreg s12  }
0x42: {  	[spmem:s15], [sflag:s12] =	dma.local [hbm:s18], $0x2800  }
0x43: {  	_ =	swait.ge [sflag:s25], $0x2800  }
0x44: {  	[sflag:s25] =	ssyncset.done $0x0  }
0x45: {  	[sflag:s25] =	ssyncadd.s32 $0xFFFFD800  }
0x46: {  	[bflag:$0x0] =	sbarrier.arrive $0xFFFF  }
0x47: {  	s12 =	simm.s32 $0x0;
	s13 =	rddreg [dreg:$0xc]  }
.LBB2_2:
0x48: {  	_ =	swait.ge [sflag:s26], $0x4000  }
0x49: {  	[sflag:s26] =	ssyncset.done $0x0  }
0x4a: {  	s4 =	simm.s32 $0x800;
	[sflag:s26] =	ssyncadd.s32 $0xFFFFC000  }
0x4b: {  	[spmem:s3] =	stream.indirect.scatter.add.f32 [tilespmem:s23], [sflag:$0x5], $0x80, s4, s22, $0xb8;
	[tilespmem:$0x1D000] =	vst v63  }
0x4c: {  	_ =	swait.ge [sflag:s25], $0x4000  }
0x4d: {  	[sflag:s25] =	ssyncset.done $0x0  }
0x4e: {  	s15 =	simm.s32 $0x100;
	[sflag:s25] =	ssyncadd.s32 $0xFFFFC000  }
0x4f: {  	[tilespmem:s23], [sflag:$0x1] =	stream.indirect.gather [hbm4b:s1+s22], $0x80, s15, s22, $0xb8;
	[tilespmem:$0x1D000] =	vst v63  }
0x50: {  	_ =	swait.ge [sflag:s29], $0x4000  }
0x51: {  	[sflag:s29] =	ssyncset.done $0x0  }
0x52: {  	s18 =	simm.s32 $0x880;
	[sflag:s29] =	ssyncadd.s32 $0xFFFFC000  }
0x53: {  	[spmem:s3] =	stream.indirect.scatter.add.f32 [tilespmem:s24], [sflag:$0x5], $0x80, s18, s22, $0xb8;
	[tilespmem:$0x1D000] =	vst v63  }
0x54: {  	p0 =	seq.s32 s12, $0x0;
	_ =	swait.ge [sflag:s25], $0x4000  }
0x55: {  	s4 =	simm.s32 @!p0 $0x0;
	[sflag:s25] =	ssyncset.done $0x0  }
0x56: {  	s15 =	sadd.s32 @!p0 s12, s17;
	s18 =	simm.s32 @!p0 $0x400;
	[sflag:s25] =	ssyncadd.s32 $0xFFFFC000  }
0x57: {  	[tilespmem:s18], [sflag:$0x4] =	stream.linear.gather @!p0 [hbm4b:s15+s4], $0x400, $0x38;
	[tilespmem:$0x1D000] =	vst v63  }
0x58: {  	s15 =	sadd.s32 @!p0 s12, s16;
	s18 =	simm.s32 @!p0 $0xC00  }
0x59: {  	[tilespmem:s18], [sflag:$0x4] =	stream.linear.gather @!p0 [hbm4b:s15+s4], $0x400, $0x38;
	[tilespmem:$0x1D000] =	vst v63  }
0x5a: {  	s15 =	simm.s32 $0x180  }
0x5b: {  	[tilespmem:s24], [sflag:$0x2] =	stream.indirect.gather [hbm4b:s1+s22], $0x80, s15, s22, $0xb8;
	[tilespmem:$0x1D000] =	vst v63  }
0x5c: {  	_ =	swait.ge [sflag:s26], $0x4000  }
0x5d: {  	[sflag:s26] =	ssyncset.done $0x0  }
0x5e: {  	s18 =	simm.s32 $0x900;
	[sflag:s26] =	ssyncadd.s32 $0xFFFFC000  }
0x5f: {  	[spmem:s3] =	stream.indirect.scatter.add.f32 [tilespmem:s23], [sflag:$0x5], $0x80, s18, s22, $0xb8;
	[tilespmem:$0x1D000] =	vst v63  }
0x60: {  	_ =	swait.ge [sflag:s25], $0x4000  }
0x61: {  	[sflag:s25] =	ssyncset.done $0x0  }
0x62: {  	s15 =	simm.s32 $0x200;
	[sflag:s25] =	ssyncadd.s32 $0xFFFFC000  }
0x63: {  	[tilespmem:s23], [sflag:$0x1] =	stream.indirect.gather [hbm4b:s1+s22], $0x80, s15, s22, $0xb8;
	[tilespmem:$0x1D000] =	vst v63  }
0x64: {  	_ =	swait.ge [sflag:s29], $0x4000  }
0x65: {  	[sflag:s29] =	ssyncset.done $0x0  }
0x66: {  	s18 =	simm.s32 $0x980;
	[sflag:s29] =	ssyncadd.s32 $0xFFFFC000  }
0x67: {  	[spmem:s3] =	stream.indirect.scatter.add.f32 [tilespmem:s24], [sflag:$0x5], $0x80, s18, s22, $0xb8;
	[tilespmem:$0x1D000] =	vst v63  }
0x68: {  	_ =	swait.ge [sflag:s25], $0x4000  }
0x69: {  	[sflag:s25] =	ssyncset.done $0x0  }
0x6a: {  	s15 =	simm.s32 $0x280;
	[sflag:s25] =	ssyncadd.s32 $0xFFFFC000  }
0x6b: {  	[tilespmem:s24], [sflag:$0x2] =	stream.indirect.gather [hbm4b:s1+s22], $0x80, s15, s22, $0xb8;
	[tilespmem:$0x1D000] =	vst v63  }
0x6c: {  	_ =	swait.ge [sflag:s26], $0x4000  }
0x6d: {  	[sflag:s26] =	ssyncset.done $0x0  }
0x6e: {  	s18 =	simm.s32 $0xA00;
	[sflag:s26] =	ssyncadd.s32 $0xFFFFC000  }
0x6f: {  	[spmem:s3] =	stream.indirect.scatter.add.f32 [tilespmem:s23], [sflag:$0x5], $0x80, s18, s22, $0xb8;
	[tilespmem:$0x1D000] =	vst v63  }
0x70: {  	_ =	swait.ge [sflag:s25], $0x4000  }
0x71: {  	[sflag:s25] =	ssyncset.done $0x0  }
0x72: {  	s15 =	simm.s32 $0x300;
	[sflag:s25] =	ssyncadd.s32 $0xFFFFC000  }
0x73: {  	[tilespmem:s23], [sflag:$0x1] =	stream.indirect.gather [hbm4b:s1+s22], $0x80, s15, s22, $0xb8;
	[tilespmem:$0x1D000] =	vst v63  }
0x74: {  	_ =	swait.ge [sflag:s29], $0x4000  }
0x75: {  	[sflag:s29] =	ssyncset.done $0x0  }
0x76: {  	s18 =	simm.s32 $0xA80;
	[sflag:s29] =	ssyncadd.s32 $0xFFFFC000  }
0x77: {  	[spmem:s3] =	stream.indirect.scatter.add.f32 [tilespmem:s24], [sflag:$0x5], $0x80, s18, s22, $0xb8;
	[tilespmem:$0x1D000] =	vst v63  }
0x78: {  	_ =	swait.ge [sflag:s25], $0x4000  }
0x79: {  	[sflag:s25] =	ssyncset.done $0x0  }
0x7a: {  	s15 =	simm.s32 $0x380;
	[sflag:s25] =	ssyncadd.s32 $0xFFFFC000  }
0x7b: {  	[tilespmem:s24], [sflag:$0x2] =	stream.indirect.gather [hbm4b:s1+s22], $0x80, s15, s22, $0xb8;
	[tilespmem:$0x1D000] =	vst v63  }
0x7c: {  	_ =	swait.ge [sflag:s26], $0x4000  }
0x7d: {  	[sflag:s26] =	ssyncset.done $0x0  }
0x7e: {  	s18 =	simm.s32 $0xB00;
	[sflag:s26] =	ssyncadd.s32 $0xFFFFC000  }
0x7f: {  	[spmem:s3] =	stream.indirect.scatter.add.f32 [tilespmem:s23], [sflag:$0x5], $0x80, s18, s22, $0xb8;
	[tilespmem:$0x1D000] =	vst v63  }
0x80: {  	_ =	swait.ge [sflag:s25], $0x4000  }
0x81: {  	[sflag:s25] =	ssyncset.done $0x0  }
0x82: {  	[sflag:s25] =	ssyncadd.s32 $0xFFFFC000  }
0x83: {  	_ =	swait.ge [sflag:s14], $0x400  }
0x84: {  	[sflag:s14] =	ssyncset.done $0x0  }
0x85: {  	[sflag:s14] =	ssyncadd.s32 $0xFFFFFC00  }
0x86: {  	_ =	swait.ge [sflag:s14], $0x400  }
0x87: {  	[sflag:s14] =	ssyncset.done $0x0  }
0x88: {  	s15 =	simm.s32 $0x400;
	[sflag:s14] =	ssyncadd.s32 $0xFFFFFC00  }
0x89: {  	[tilespmem:s23], [sflag:$0x1] =	stream.indirect.gather [hbm4b:s1+s22], $0x80, s15, s22, $0xb8;
	[tilespmem:$0x1D000] =	vst v63  }
0x8a: {  	_ =	swait.ge [sflag:s29], $0x4000  }
0x8b: {  	[sflag:s29] =	ssyncset.done $0x0  }
0x8c: {  	s18 =	simm.s32 $0xB80;
	[sflag:s29] =	ssyncadd.s32 $0xFFFFC000  }
0x8d: {  	[spmem:s3] =	stream.indirect.scatter.add.f32 [tilespmem:s24], [sflag:$0x5], $0x80, s18, s22, $0xb8;
	[tilespmem:$0x1D000] =	vst v63  }
0x8e: {  	_ =	swait.ge [sflag:s25], $0x4000  }
0x8f: {  	[sflag:s25] =	ssyncset.done $0x0  }
0x90: {  	s15 =	simm.s32 $0x480;
	[sflag:s25] =	ssyncadd.s32 $0xFFFFC000  }
0x91: {  	[tilespmem:s24], [sflag:$0x2] =	stream.indirect.gather [hbm4b:s1+s22], $0x80, s15, s22, $0xb8;
	[tilespmem:$0x1D000] =	vst v63  }
0x92: {  	_ =	swait.ge [sflag:s26], $0x4000  }
0x93: {  	[sflag:s26] =	ssyncset.done $0x0  }
0x94: {  	s18 =	simm.s32 $0xC00;
	[sflag:s26] =	ssyncadd.s32 $0xFFFFC000  }
0x95: {  	[spmem:s3] =	stream.indirect.scatter.add.f32 [tilespmem:s23], [sflag:$0x5], $0x80, s18, s22, $0xb8;
	[tilespmem:$0x1D000] =	vst v63  }
0x96: {  	_ =	swait.ge [sflag:s25], $0x4000  }
0x97: {  	[sflag:s25] =	ssyncset.done $0x0  }
0x98: {  	s15 =	simm.s32 $0x500;
	[sflag:s25] =	ssyncadd.s32 $0xFFFFC000  }
0x99: {  	[tilespmem:s23], [sflag:$0x1] =	stream.indirect.gather [hbm4b:s1+s22], $0x80, s15, s22, $0xb8;
	[tilespmem:$0x1D000] =	vst v63  }
0x9a: {  	_ =	swait.ge [sflag:s29], $0x4000  }
0x9b: {  	[sflag:s29] =	ssyncset.done $0x0  }
0x9c: {  	s18 =	simm.s32 $0xC80;
	[sflag:s29] =	ssyncadd.s32 $0xFFFFC000  }
0x9d: {  	[spmem:s3] =	stream.indirect.scatter.add.f32 [tilespmem:s24], [sflag:$0x5], $0x80, s18, s22, $0xb8;
	[tilespmem:$0x1D000] =	vst v63  }
0x9e: {  	p0 =	seq.s32 s12, $0x400;
	_ =	swait.ge [sflag:s25], $0x4000  }
0x9f: {  	s4 =	sshrl.u32 @!p0 s13, $0x3;
	[sflag:s25] =	ssyncset.done $0x0  }
0xa0: {  	s15 =	sadd.s32 @!p0 s5, s4;
	s18 =	simm.s32 @!p0 $0x0;
	[sflag:s25] =	ssyncadd.s32 $0xFFFFC000  }
0xa1: {  	[tilespmem:s18], [sflag:$0x3] =	stream.linear.gather @!p0 [hbm4b:s15+s18], $0x400, $0x38;
	[tilespmem:$0x1D000] =	vst v63  }
0xa2: {  	s4 =	sadd.s32 @!p0 s6, s4;
	s15 =	simm.s32 @!p0 $0x800  }
0xa3: {  	[tilespmem:s15], [sflag:$0x3] =	stream.linear.gather @!p0 [hbm4b:s4+s18], $0x400, $0x38;
	[tilespmem:$0x1D000] =	vst v63  }
0xa4: {  	_ = 	snop  }
0xa5: {  	[tilespmem:s24], [sflag:$0x2] =	stream.indirect.gather [hbm4b:s1+s22], $0x80, s20, s22, $0xb8;
	[tilespmem:$0x1D000] =	vst v63  }
0xa6: {  	_ =	swait.ge [sflag:s26], $0x4000  }
0xa7: {  	[sflag:s26] =	ssyncset.done $0x0  }
0xa8: {  	[sflag:s26] =	ssyncadd.s32 $0xFFFFC000  }
0xa9: {  	[spmem:s3] =	stream.indirect.scatter.add.f32 [tilespmem:s23], [sflag:$0x5], $0x80, s21, s22, $0xb8;
	[tilespmem:$0x1D000] =	vst v63  }
0xaa: {  	_ =	swait.ge [sflag:s25], $0x4000  }
0xab: {  	[sflag:s25] =	ssyncset.done $0x0  }
0xac: {  	[sflag:s25] =	ssyncadd.s32 $0xFFFFC000  }
0xad: {  	[tilespmem:s23], [sflag:$0x1] =	stream.indirect.gather [hbm4b:s1+s22], $0x80, s30, s22, $0xb8;
	[tilespmem:$0x1D000] =	vst v63  }
0xae: {  	_ =	swait.ge [sflag:s29], $0x4000  }
0xaf: {  	[sflag:s29] =	ssyncset.done $0x0  }
0xb0: {  	[sflag:s29] =	ssyncadd.s32 $0xFFFFC000  }
0xb1: {  	[spmem:s3] =	stream.indirect.scatter.add.f32 [tilespmem:s24], [sflag:$0x5], $0x80, s31, s22, $0xb8;
	[tilespmem:$0x1D000] =	vst v63  }
0xb2: {  	_ =	swait.ge [sflag:s25], $0x4000  }
0xb3: {  	[sflag:s25] =	ssyncset.done $0x0  }
0xb4: {  	[sflag:s25] =	ssyncadd.s32 $0xFFFFC000  }
0xb5: {  	[tilespmem:s24], [sflag:$0x2] =	stream.indirect.gather [hbm4b:s1+s22], $0x80, s2, s22, $0xb8;
	[tilespmem:$0x1D000] =	vst v63  }
0xb6: {  	_ =	swait.ge [sflag:s26], $0x4000  }
0xb7: {  	[sflag:s26] =	ssyncset.done $0x0  }
0xb8: {  	[sflag:s26] =	ssyncadd.s32 $0xFFFFC000  }
0xb9: {  	[spmem:s3] =	stream.indirect.scatter.add.f32 [tilespmem:s23], [sflag:$0x5], $0x80, s0, s22, $0xb8;
	[tilespmem:$0x1D000] =	vst v63  }
0xba: {  	_ =	swait.ge [sflag:s25], $0x4000  }
0xbb: {  	[sflag:s25] =	ssyncset.done $0x0  }
0xbc: {  	[sflag:s25] =	ssyncadd.s32 $0xFFFFC000  }
0xbd: {  	[tilespmem:s23], [sflag:$0x1] =	stream.indirect.gather [hbm4b:s1+s22], $0x80, s7, s22, $0xb8;
	[tilespmem:$0x1D000] =	vst v63  }
0xbe: {  	_ =	swait.ge [sflag:s29], $0x4000  }
0xbf: {  	[sflag:s29] =	ssyncset.done $0x0  }
0xc0: {  	[sflag:s29] =	ssyncadd.s32 $0xFFFFC000  }
0xc1: {  	[spmem:s3] =	stream.indirect.scatter.add.f32 [tilespmem:s24], [sflag:$0x5], $0x80, s8, s22, $0xb8;
	[tilespmem:$0x1D000] =	vst v63  }
0xc2: {  	_ =	swait.ge [sflag:s25], $0x4000  }
0xc3: {  	[sflag:s25] =	ssyncset.done $0x0  }
0xc4: {  	[sflag:s25] =	ssyncadd.s32 $0xFFFFC000  }
0xc5: {  	[tilespmem:s24], [sflag:$0x2] =	stream.indirect.gather [hbm4b:s1+s22], $0x80, s9, s22, $0xb8;
	[tilespmem:$0x1D000] =	vst v63  }
0xc6: {  	_ =	swait.ge [sflag:s26], $0x4000  }
0xc7: {  	[sflag:s26] =	ssyncset.done $0x0  }
.Ltmp2:
0xc8: {  	[sflag:s26] =	ssyncadd.s32 $0xFFFFC000;
	(pc) =	sbr.rel @p0 .LBB2_4-.Ltmp2, $4  }
0xc9: {  	[spmem:s3] =	stream.indirect.scatter.add.f32 [tilespmem:s23], [sflag:$0x5], $0x80, s10, s22, $0xb8;
	[tilespmem:$0x1D000] =	vst v63  }
0xca: {  	_ =	swait.ge [sflag:s25], $0x4000  }
0xcb: {  	[sflag:s25] =	ssyncset.done $0x0  }
0xcc: {  	[sflag:s25] =	ssyncadd.s32 $0xFFFFC000  }
0xcd: {  	_ =	swait.ge [sflag:s19], $0x400  }
0xce: {  	[sflag:s19] =	ssyncset.done $0x0  }
0xcf: {  	[sflag:s19] =	ssyncadd.s32 $0xFFFFFC00  }
0xd0: {  	_ =	swait.ge [sflag:s19], $0x400  }
0xd1: {  	[sflag:s19] =	ssyncset.done $0x0  }
0xd2: {  	[sflag:s19] =	ssyncadd.s32 $0xFFFFFC00  }
0xd3: {  	[tilespmem:s23], [sflag:$0x1] =	stream.indirect.gather [hbm4b:s1+s22], $0x80, s28, s22, $0xb8;
	[tilespmem:$0x1D000] =	vst v63  }
0xd4: {  	_ =	swait.ge [sflag:s29], $0x4000  }
0xd5: {  	[sflag:s29] =	ssyncset.done $0x0  }
0xd6: {  	[sflag:s29] =	ssyncadd.s32 $0xFFFFC000  }
0xd7: {  	[spmem:s3] =	stream.indirect.scatter.add.f32 [tilespmem:s24], [sflag:$0x5], $0x80, s11, s22, $0xb8;
	[tilespmem:$0x1D000] =	vst v63  }
.Ltmp3:
0xd8: {  	_ = 	snop;
	(pc) =	sbr.rel .LBB2_2-.Ltmp3, $4  }
0xd9: {  	_ =	swait.ge [sflag:s25], $0x4000  }
0xda: {  	[sflag:s25] =	ssyncset.done $0x0  }
0xdb: {  	s13 =	sadd.s32 $0x800, s13;
	s12 =	sadd.s32 $0x100, s12;
	[sflag:s25] =	ssyncadd.s32 $0xFFFFC000  }
0xdc: {  	[tilespmem:s24], [sflag:$0x2] =	stream.indirect.gather [hbm4b:s1+s22], $0x80, s22, s22, $0xb8;
	[tilespmem:$0x1D000] =	vst v63  }
.LBB2_5:
0xdd: {  	_ =	sfence.sel $0x180000  }
0xde: {  	[bflag:$0x0] =	sbarrier.arrive $0xFFFF  }
0xdf: {  	_ =	strace $0x9000004A  }
0xe0: {  	s0 =	stileid.u32;
	[bflag:$0x2] =	sbarrier.arrive $0xFFFF  }
0xe1: {  	p0 =	sne.s32 s0, $0x0;
	s0 =	rddreg [dreg:$0x3]  }
0xe2: {  	s0 =	sadd.s32 @!p0 $0x100000, s0  }
0xe3: {  	[sflag:s0] =	ssyncadd.tile.s32 @!p0 $0x1;
	_ =	shalt  }
.Lfunc_end2:
_tile_overlayer_lowered:
.L_overlay_start_2:
0xe4: {  	(tag) =	ssettag $0x2  }
0xe5: {  	s0 =	rddreg [dreg:$0x0];
	s2 =	stileid.u32  }
0xe6: {  	s1 =	rddreg [dreg:$0x1];
	p0 =	sne.s32 s2, $0x0  }
0xe7: {  	s3 =	rddreg [dreg:$0x2];
	[bflag:$0x3] =	sbarrier.arrive $0xFFFF;
	s2 =	simm.s32 @!p0 $0x1C05  }
0xe8: {  	[timem:s3], [sflag:s2] =	dma.local @!p0 [hbm:s0], s1  }
0xe9: {  	s0 =	simm.s32 @!p0 $0x5  }
0xea: {  	_ =	swait.ge @!p0 [sflag:s0], s1  }
0xeb: {  	s1 =	ssub.s32 @!p0 $0x0, s1;
	[sflag:s0] =	ssyncset.done @!p0 $0x0  }
0xec: {  	[sflag:s0] =	ssyncadd.s32 @!p0 s1  }
0xed: {  	[bflag:$0x3] =	sbarrier.arrive $0xFFFF  }
0xee: {  	_ =	shalt  }

</sc_bundles>
